<compile_context>
chip_gen: v7x
topology: tpu7x:2x2x1
jax: 0.10.2.dev20260603
libtpu: 0.0.44.dev20260713+nightly
codegen_flags: <defaults>
</compile_context>

<pallas_src>
import functools

import jax
import jax.numpy as jnp
from jax import lax
from jax.experimental import pallas as pl
from jax.experimental.pallas import tpu as pltpu
from jax.experimental.pallas import tpu_sc as plsc

S = 8
NG = 2
G = S // NG
K = 1024
D = 96
DP = 128
B = 4
TT = 196
T = B * TT
NC, NS = 2, 16
NW = NC * NS
WPS = NW // G
TPp = 832
CW = TPp // WPS


def _scores_argmin_body(x_ref, cb_ref, nn_ref, fidx_ref, table_ref):
    xall = jnp.concatenate([x_ref[b] for b in range(B)], axis=0)
    for sl in range(G):
        xs = xall[:, D * sl:D * (sl + 1)]
        cs = cb_ref[sl]
        table_ref[K * sl:K * (sl + 1), :D] = cs
        cn = jnp.sum(cs * cs, axis=1, keepdims=True)
        prod = lax.dot_general(
            cs, xs, (((1,), (1,)), ((), ())),
            preferred_element_type=jnp.float32,
            precision=lax.Precision.HIGHEST,
        )
        sc = cn - 2.0 * prod
        m = jnp.min(sc, axis=0, keepdims=True)
        kio = lax.broadcasted_iota(jnp.int32, sc.shape, 0)
        hit = jnp.where(sc == m, kio, jnp.int32(1 << 30))
        idx = jnp.min(hit, axis=0, keepdims=True)
        nn_ref[sl] = idx
        full = jnp.concatenate(
            [idx + jnp.int32(K * sl),
             jnp.full((1, TPp - T), K * sl, jnp.int32)], axis=1)
        for j in range(WPS):
            fidx_ref[WPS * sl + j] = full[:, CW * j:CW * (j + 1)]


def _sc_gather_body(fidx_hbm, table_hbm, out_hbm, idx_v, rows_v, sem):
    w = lax.axis_index("s") * NC + lax.axis_index("c")
    sl = w // WPS
    wi = w % WPS
    pltpu.sync_copy(fidx_hbm.at[w, 0], idx_v)
    pltpu.async_copy(table_hbm.at[idx_v], rows_v, sem).wait()
    pltpu.sync_copy(rows_v, out_hbm.at[sl, pl.ds(CW * wi, CW)])


def _assemble_body(x_ref, qa_ref, qb_ref, nna_ref, nnb_ref,
                   q4_ref, l4_ref, nn_ref):
    qg = (qa_ref, qb_ref)
    ng = (nna_ref, nnb_ref)
    for s in range(S):
        grp, sl = divmod(s, G)
        for b in range(B):
            qs = qg[grp][sl, TT * b:TT * (b + 1), :D]
            xs = x_ref[b, :, D * s:D * (s + 1)]
            r = qs - xs
            qq = xs + r
            q4_ref[0, b, :, D * s:D * (s + 1)] = qq
            l4_ref[0, b, :, D * s:D * (s + 1)] = (qq - xs) * (qq - xs)
        row = ng[grp][sl]
        nn_ref[s] = jnp.concatenate(
            [row[:, TT * b:TT * (b + 1)] for b in range(B)], axis=0)


@functools.cache
def _make_sc_gather():
    return pl.kernel(
        _sc_gather_body,
        out_type=jax.ShapeDtypeStruct((G, TPp, DP), jnp.float32),
        mesh=plsc.VectorSubcoreMesh(core_axis_name="c", subcore_axis_name="s"),
        scratch_types=[
            pltpu.VMEM((CW,), jnp.int32),
            pltpu.VMEM((CW, DP), jnp.float32),
            pltpu.SemaphoreType.DMA,
        ],
    )


def _scores_call(g, x4, codebooks):
    return pl.pallas_call(
        _scores_argmin_body,
        grid=(1,),
        in_specs=[
            pl.BlockSpec((B, TT, G * D), lambda i, g=g: (0, 0, g)),
            pl.BlockSpec((G, K, D), lambda i, g=g: (g, 0, 0)),
        ],
        out_specs=(
            pl.BlockSpec((G, 1, T), lambda i: (0, 0, 0)),
            pl.BlockSpec((NW, 1, CW), lambda i: (0, 0, 0)),
            pl.BlockSpec((G * K, DP), lambda i: (0, 0)),
        ),
        out_shape=(
            jax.ShapeDtypeStruct((G, 1, T), jnp.int32),
            jax.ShapeDtypeStruct((NW, 1, CW), jnp.int32),
            jax.ShapeDtypeStruct((G * K, DP), jnp.float32),
        ),
    )(x4, codebooks)


def kernel(inputs, codebooks):
    gather = _make_sc_gather()

    nn_a, fidx_a, table_a = _scores_call(0, inputs, codebooks)
    qa = gather(fidx_a, table_a)
    nn_b, fidx_b, table_b = _scores_call(1, inputs, codebooks)
    qb = gather(fidx_b, table_b)

    q4, l4, nn_idx = pl.pallas_call(
        _assemble_body,
        out_shape=(
            jax.ShapeDtypeStruct((1, B, TT, S * D), jnp.float32),
            jax.ShapeDtypeStruct((1, B, TT, S * D), jnp.float32),
            jax.ShapeDtypeStruct((S, B, TT), jnp.int32),
        ),
    )(inputs, qa, qb, nn_a, nn_b)
    return (q4, l4, nn_idx, codebooks)

# --- scband reference (transcript-rebuilt; emitter-appended) ---
"""Pipeline reference for scband-product-quantizer-38465727103638 (READ-ONLY COPY).

The authoritative reference and input builder live on the scoring server;
editing this copy changes nothing except your own understanding.
"""

import jax, jax.numpy as jnp
import numpy as np

NUM_SECTIONS = 8
NUM_CENTROIDS = 1024
D_MODEL = 768


def setup_inputs(seed: int = 0) -> dict:
    key = jax.random.key(seed)
    k1, k2 = jax.random.split(key)
    inputs = jax.random.normal(k1, (4, 196, D_MODEL), dtype=jnp.float32)
    # learned params: one codebook per section, initialized normal(1.0) like nn.initializers.normal(1.0)
    codebooks = jax.random.normal(
        k2, (NUM_SECTIONS, NUM_CENTROIDS, D_MODEL // NUM_SECTIONS), dtype=jnp.float32
    )
    return {"inputs": inputs, "codebooks": codebooks}


def _vq_section(sec, codebook):
    # Faithful translation of VectorQuantizer.__call__ for one section.
    # codes = expand_dims(codebook, range(inputs.ndim - 1)) with inputs.ndim == 3 -> axes (0, 1)
    codes = jnp.expand_dims(codebook, (0, 1))  # [1, 1, K, d]
    features = jax.lax.stop_gradient(sec)
    features = jnp.expand_dims(features, -2)  # [B, T, 1, d]
    deltas = jnp.sum(jnp.square(codes - features), axis=-1)  # [B, T, K]
    nn_idx = jnp.argmin(deltas, axis=-1)  # [B, T]
    encoding = jax.nn.one_hot(nn_idx, NUM_CENTROIDS, dtype=sec.dtype)  # [B, T, K]
    quantized = jnp.matmul(encoding, codes)  # broadcast batched matmul -> [1, B, T, d]
    # straight-through estimator
    quantized = sec + jax.lax.stop_gradient(quantized - sec)
    return quantized, nn_idx


def reference(inputs, codebooks):
    input_sections = jnp.split(inputs, NUM_SECTIONS, axis=-1)
    quantized_list, nn_idx_list = [], []
    for i, sec in enumerate(input_sections):
        q, idx = _vq_section(sec, codebooks[i])
        quantized_list.append(q)
        nn_idx_list.append(idx)
    quantized = jnp.concatenate(quantized_list, axis=-1)  # [1, B, T, D]
    nn_idx = jnp.stack(nn_idx_list, axis=0)  # [S, B, T]
    codebook = codebooks  # stacked codebooks [S, K, d]
    # ProductQuantizer uses base_quantizer.loss(inputs, quantized) for VectorQuantizer:
    quantization_loss = jnp.square(quantized - jax.lax.stop_gradient(inputs))
    return (quantized, quantization_loss, nn_idx, codebook)

if __name__ == "__main__":
    import jax
    _d = setup_inputs()
    print(jax.jit(kernel)(*tuple(_d.values())))

</pallas_src>

<mosaic_0001>
#map = affine_map<(d0, d1) -> (0, 0, 0)>
#map1 = affine_map<(d0, d1) -> (0, 0)>
module attributes {stable_mosaic.version = 14 : i64} {
  func.func @_sc_gather_body(%arg0: i32, %arg1: i32, %arg2: memref<32x1x104xi32, #tpu.memory_space<hbm>>, %arg3: memref<4096x128xf32, #tpu.memory_space<hbm>>, %arg4: memref<4x832x128xf32, #tpu.memory_space<hbm>>, %arg5: memref<104xi32, #tpu.memory_space<vmem>>, %arg6: memref<104x128xf32, #tpu.memory_space<vmem>>, %arg7: memref<!tpu.dma_semaphore, #tpu.memory_space<semaphore_mem>>) attributes {dimension_semantics = [#tpu.dimension_semantics<core_parallel>, #tpu.dimension_semantics<subcore_parallel>], iteration_bounds = array<i64: 2, 16>, scalar_prefetch = 0 : i64, scratch_operands = 3 : i64, tpu.core_type = #tpu.core_type<sc_vector_subcore>, window_params = [{transform_indices = #map}, {transform_indices = #map1}, {transform_indices = #map}]} {
    %mul3A = arith.constant 2 : i32
    %mul3A_0 = arith.muli %arg1, %mul3A : i32
    %add3A = arith.addi %mul3A_0, %arg0 : i32
    %jit3A = arith.constant 8 : i32
    %div3A = arith.divsi %add3A, %jit3A : i32
    %sign3A = arith.constant 0 : i32
    %sign3A_1 = arith.cmpi sgt, %add3A, %sign3A : i32
    %sign3A_2 = arith.extui %sign3A_1 : i1 to i32
    %sign3A_3 = arith.constant 0 : i32
    %sign3A_4 = arith.cmpi slt, %add3A, %sign3A_3 : i32
    %sign3A_5 = arith.extui %sign3A_4 : i1 to i32
    %sign3A_6 = arith.subi %sign3A_2, %sign3A_5 : i32
    %sign3A_7 = arith.constant 0 : i32
    %sign3A_8 = arith.cmpi sgt, %jit3A, %sign3A_7 : i32
    %sign3A_9 = arith.extui %sign3A_8 : i1 to i32
    %sign3A_10 = arith.constant 0 : i32
    %sign3A_11 = arith.cmpi slt, %jit3A, %sign3A_10 : i32
    %sign3A_12 = arith.extui %sign3A_11 : i1 to i32
    %sign3A_13 = arith.subi %sign3A_9, %sign3A_12 : i32
    %ne3A = arith.cmpi ne, %sign3A_6, %sign3A_13 : i32
    %rem3A = arith.remsi %add3A, %jit3A : i32
    %ne3A_14 = arith.constant 0 : i32
    %ne3A_15 = arith.cmpi ne, %rem3A, %ne3A_14 : i32
    %and3A = arith.andi %ne3A, %ne3A_15 : i1
    %sub3A = arith.constant 1 : i32
    %sub3A_16 = arith.subi %div3A, %sub3A : i32
    %select_n3A = arith.select %and3A, %sub3A_16, %div3A : i32
    %jit3A_17 = arith.constant 8 : i32
    %eq3A = arith.constant 0 : i32
    %eq3A_18 = arith.cmpi eq, %jit3A_17, %eq3A : i32
    %jit3A_19 = arith.constant 1 : i32
    %select_n3A_20 = arith.select %eq3A_18, %jit3A_19, %jit3A_17 : i32
    %rem3A_21 = arith.remsi %add3A, %select_n3A_20 : i32
    %ne3A_22 = arith.constant 0 : i32
    %ne3A_23 = arith.cmpi ne, %rem3A_21, %ne3A_22 : i32
    %lt3A = arith.constant 0 : i32
    %lt3A_24 = arith.cmpi slt, %rem3A_21, %lt3A : i32
    %lt3A_25 = arith.constant 0 : i32
    %lt3A_26 = arith.cmpi slt, %select_n3A_20, %lt3A_25 : i32
    %ne3A_27 = arith.xori %lt3A_24, %lt3A_26 : i1
    %and3A_28 = arith.andi %ne3A_27, %ne3A_23 : i1
    %add3A_29 = arith.addi %rem3A_21, %select_n3A_20 : i32
    %select_n3A_30 = arith.select %and3A_28, %add3A_29, %rem3A_21 : i32
    %run_scoped3A = arith.constant 0 : i32
    "tpu.region"() ({
      %run_scoped3A_37 = tpu.sem_alloc : memref<!tpu.dma_semaphore, #tpu.memory_space<semaphore_mem>>
      %dma_start3A_38 = arith.constant 0 : i32
      %dma_start3A_39 = tpu.memref_slice %arg2[%add3A, %run_scoped3A, %dma_start3A_38] : memref<32x1x104xi32, #tpu.memory_space<hbm>> -> memref<1x1x104xi32, #tpu.memory_space<hbm>>
      %dma_start3A_40 = tpu.memref_squeeze %dma_start3A_39 : memref<1x1x104xi32, #tpu.memory_space<hbm>> -> memref<104xi32, #tpu.memory_space<hbm>>
      %dma_start3A_41 = arith.constant 0 : i32
      %dma_start3A_42 = tpu.memref_slice %arg2[%add3A, %run_scoped3A, %dma_start3A_41] : memref<32x1x104xi32, #tpu.memory_space<hbm>> -> memref<1x1x104xi32, #tpu.memory_space<hbm>>
      %dma_start3A_43 = tpu.memref_squeeze %dma_start3A_42 : memref<1x1x104xi32, #tpu.memory_space<hbm>> -> memref<104xi32, #tpu.memory_space<hbm>>
      tpu.enqueue_dma source(%dma_start3A_43 : memref<104xi32, #tpu.memory_space<hbm>>) target(%arg5 : memref<104xi32, #tpu.memory_space<vmem>>) target_semaphore(%run_scoped3A_37 : memref<!tpu.dma_semaphore, #tpu.memory_space<semaphore_mem>>)
      %dma_wait3A_44 = arith.constant 0 : i32
      %dma_wait3A_45 = tpu.memref_slice %arg2[%add3A, %run_scoped3A, %dma_wait3A_44] : memref<32x1x104xi32, #tpu.memory_space<hbm>> -> memref<1x1x104xi32, #tpu.memory_space<hbm>>
      %dma_wait3A_46 = tpu.memref_squeeze %dma_wait3A_45 : memref<1x1x104xi32, #tpu.memory_space<hbm>> -> memref<104xi32, #tpu.memory_space<hbm>>
      %dma_wait3A_47 = arith.constant 0 : i32
      %dma_wait3A_48 = tpu.memref_slice %arg2[%add3A, %run_scoped3A, %dma_wait3A_47] : memref<32x1x104xi32, #tpu.memory_space<hbm>> -> memref<1x1x104xi32, #tpu.memory_space<hbm>>
      %dma_wait3A_49 = tpu.memref_squeeze %dma_wait3A_48 : memref<1x1x104xi32, #tpu.memory_space<hbm>> -> memref<104xi32, #tpu.memory_space<hbm>>
      tpu.wait_dma2 semaphore(%run_scoped3A_37 : memref<!tpu.dma_semaphore, #tpu.memory_space<semaphore_mem>>) src(%dma_wait3A_49 : memref<104xi32, #tpu.memory_space<hbm>>) dst(%arg5 : memref<104xi32, #tpu.memory_space<vmem>>)
      tpu.yield
    }) : () -> ()
    %dma_start3A = arith.constant 0 : i32
    %dma_start3A_31 = arith.constant 0 : i32
    %dma_start3A_32 = tpu.memref_slice %arg3[%dma_start3A, %dma_start3A_31] : memref<4096x128xf32, #tpu.memory_space<hbm>> -> memref<4096x128xf32, #tpu.memory_space<hbm>>
    tpu.enqueue_indirect_dma source(%dma_start3A_32 : memref<4096x128xf32, #tpu.memory_space<hbm>>) target(%arg6 : memref<104x128xf32, #tpu.memory_space<vmem>>) offsets(%arg5 : memref<104xi32, #tpu.memory_space<vmem>>) semaphore(%arg7 : memref<!tpu.dma_semaphore, #tpu.memory_space<semaphore_mem>>)
    %dma_wait3A = arith.constant 0 : i32
    %dma_wait3A_33 = arith.constant 0 : i32
    %dma_wait3A_34 = tpu.memref_slice %arg3[%dma_wait3A, %dma_wait3A_33] : memref<4096x128xf32, #tpu.memory_space<hbm>> -> memref<4096x128xf32, #tpu.memory_space<hbm>>
    tpu.wait_indirect_dma semaphore(%arg7 : memref<!tpu.dma_semaphore, #tpu.memory_space<semaphore_mem>>) src(%dma_wait3A_34 : memref<4096x128xf32, #tpu.memory_space<hbm>>) dst(%arg6 : memref<104x128xf32, #tpu.memory_space<vmem>>)
    %mul3A_35 = arith.constant 104 : i32
    %mul3A_36 = arith.muli %mul3A_35, %select_n3A_30 : i32
    "tpu.region"() ({
      %run_scoped3A_37 = tpu.sem_alloc : memref<!tpu.dma_semaphore, #tpu.memory_space<semaphore_mem>>
      %dma_start3A_38 = arith.constant 0 : i32
      %dma_start3A_39 = tpu.memref_slice %arg4[%select_n3A, %mul3A_36, %dma_start3A_38] : memref<4x832x128xf32, #tpu.memory_space<hbm>> -> memref<1x104x128xf32, #tpu.memory_space<hbm>>
      %dma_start3A_40 = tpu.memref_squeeze %dma_start3A_39 : memref<1x104x128xf32, #tpu.memory_space<hbm>> -> memref<104x128xf32, #tpu.memory_space<hbm>>
      %dma_start3A_41 = arith.constant 0 : i32
      %dma_start3A_42 = tpu.memref_slice %arg4[%select_n3A, %mul3A_36, %dma_start3A_41] : memref<4x832x128xf32, #tpu.memory_space<hbm>> -> memref<1x104x128xf32, #tpu.memory_space<hbm>>
      %dma_start3A_43 = tpu.memref_squeeze %dma_start3A_42 : memref<1x104x128xf32, #tpu.memory_space<hbm>> -> memref<104x128xf32, #tpu.memory_space<hbm>>
      tpu.enqueue_dma source(%arg6 : memref<104x128xf32, #tpu.memory_space<vmem>>) target(%dma_start3A_43 : memref<104x128xf32, #tpu.memory_space<hbm>>) target_semaphore(%run_scoped3A_37 : memref<!tpu.dma_semaphore, #tpu.memory_space<semaphore_mem>>)
      %dma_wait3A_44 = arith.constant 0 : i32
      %dma_wait3A_45 = tpu.memref_slice %arg4[%select_n3A, %mul3A_36, %dma_wait3A_44] : memref<4x832x128xf32, #tpu.memory_space<hbm>> -> memref<1x104x128xf32, #tpu.memory_space<hbm>>
      %dma_wait3A_46 = tpu.memref_squeeze %dma_wait3A_45 : memref<1x104x128xf32, #tpu.memory_space<hbm>> -> memref<104x128xf32, #tpu.memory_space<hbm>>
      %dma_wait3A_47 = arith.constant 0 : i32
      %dma_wait3A_48 = tpu.memref_slice %arg4[%select_n3A, %mul3A_36, %dma_wait3A_47] : memref<4x832x128xf32, #tpu.memory_space<hbm>> -> memref<1x104x128xf32, #tpu.memory_space<hbm>>
      %dma_wait3A_49 = tpu.memref_squeeze %dma_wait3A_48 : memref<1x104x128xf32, #tpu.memory_space<hbm>> -> memref<104x128xf32, #tpu.memory_space<hbm>>
      tpu.wait_dma2 semaphore(%run_scoped3A_37 : memref<!tpu.dma_semaphore, #tpu.memory_space<semaphore_mem>>) src(%arg6 : memref<104x128xf32, #tpu.memory_space<vmem>>) dst(%dma_wait3A_49 : memref<104x128xf32, #tpu.memory_space<hbm>>)
      tpu.yield
    }) : () -> ()
    return
  }
}

#map = affine_map<(d0, d1) -> (0, 0, 0)>
#map1 = affine_map<(d0, d1) -> (0, 0)>
module attributes {stable_mosaic.version = 14 : i64} {
  func.func @_sc_gather_body(%arg0: i32, %arg1: i32, %arg2: memref<32x1x104xi32, #tpu.memory_space<hbm>>, %arg3: memref<4096x128xf32, #tpu.memory_space<hbm>>, %arg4: memref<4x832x128xf32, #tpu.memory_space<hbm>>, %arg5: memref<104xi32, #tpu.memory_space<vmem>>, %arg6: memref<104x128xf32, #tpu.memory_space<vmem>>, %arg7: memref<!tpu.dma_semaphore, #tpu.memory_space<semaphore_mem>>) attributes {dimension_semantics = [#tpu.dimension_semantics<core_parallel>, #tpu.dimension_semantics<subcore_parallel>], iteration_bounds = array<i64: 2, 16>, scalar_prefetch = 0 : i64, scratch_operands = 3 : i64, tpu.core_type = #tpu.core_type<sc_vector_subcore>, window_params = [{transform_indices = #map}, {transform_indices = #map1}, {transform_indices = #map}]} {
    %mul3A = arith.constant 2 : i32
    %mul3A_0 = arith.muli %arg1, %mul3A : i32
    %add3A = arith.addi %mul3A_0, %arg0 : i32
    %jit3A = arith.constant 8 : i32
    %div3A = arith.divsi %add3A, %jit3A : i32
    %sign3A = arith.constant 0 : i32
    %sign3A_1 = arith.cmpi sgt, %add3A, %sign3A : i32
    %sign3A_2 = arith.extui %sign3A_1 : i1 to i32
    %sign3A_3 = arith.constant 0 : i32
    %sign3A_4 = arith.cmpi slt, %add3A, %sign3A_3 : i32
    %sign3A_5 = arith.extui %sign3A_4 : i1 to i32
    %sign3A_6 = arith.subi %sign3A_2, %sign3A_5 : i32
    %sign3A_7 = arith.constant 0 : i32
    %sign3A_8 = arith.cmpi sgt, %jit3A, %sign3A_7 : i32
    %sign3A_9 = arith.extui %sign3A_8 : i1 to i32
    %sign3A_10 = arith.constant 0 : i32
    %sign3A_11 = arith.cmpi slt, %jit3A, %sign3A_10 : i32
    %sign3A_12 = arith.extui %sign3A_11 : i1 to i32
    %sign3A_13 = arith.subi %sign3A_9, %sign3A_12 : i32
    %ne3A = arith.cmpi ne, %sign3A_6, %sign3A_13 : i32
    %rem3A = arith.remsi %add3A, %jit3A : i32
    %ne3A_14 = arith.constant 0 : i32
    %ne3A_15 = arith.cmpi ne, %rem3A, %ne3A_14 : i32
    %and3A = arith.andi %ne3A, %ne3A_15 : i1
    %sub3A = arith.constant 1 : i32
    %sub3A_16 = arith.subi %div3A, %sub3A : i32
    %select_n3A = arith.select %and3A, %sub3A_16, %div3A : i32
    %jit3A_17 = arith.constant 8 : i32
    %eq3A = arith.constant 0 : i32
    %eq3A_18 = arith.cmpi eq, %jit3A_17, %eq3A : i32
    %jit3A_19 = arith.constant 1 : i32
    %select_n3A_20 = arith.select %eq3A_18, %jit3A_19, %jit3A_17 : i32
    %rem3A_21 = arith.remsi %add3A, %select_n3A_20 : i32
    %ne3A_22 = arith.constant 0 : i32
    %ne3A_23 = arith.cmpi ne, %rem3A_21, %ne3A_22 : i32
    %lt3A = arith.constant 0 : i32
    %lt3A_24 = arith.cmpi slt, %rem3A_21, %lt3A : i32
    %lt3A_25 = arith.constant 0 : i32
    %lt3A_26 = arith.cmpi slt, %select_n3A_20, %lt3A_25 : i32
    %ne3A_27 = arith.xori %lt3A_24, %lt3A_26 : i1
    %and3A_28 = arith.andi %ne3A_27, %ne3A_23 : i1
    %add3A_29 = arith.addi %rem3A_21, %select_n3A_20 : i32
    %select_n3A_30 = arith.select %and3A_28, %add3A_29, %rem3A_21 : i32
    %run_scoped3A = arith.constant 0 : i32
    "tpu.region"() ({
      %run_scoped3A_37 = tpu.sem_alloc : memref<!tpu.dma_semaphore, #tpu.memory_space<semaphore_mem>>
      %dma_start3A_38 = arith.constant 0 : i32
      %dma_start3A_39 = tpu.memref_slice %arg2[%add3A, %run_scoped3A, %dma_start3A_38] : memref<32x1x104xi32, #tpu.memory_space<hbm>> -> memref<1x1x104xi32, #tpu.memory_space<hbm>>
      %dma_start3A_40 = tpu.memref_squeeze %dma_start3A_39 : memref<1x1x104xi32, #tpu.memory_space<hbm>> -> memref<104xi32, #tpu.memory_space<hbm>>
      %dma_start3A_41 = arith.constant 0 : i32
      %dma_start3A_42 = tpu.memref_slice %arg2[%add3A, %run_scoped3A, %dma_start3A_41] : memref<32x1x104xi32, #tpu.memory_space<hbm>> -> memref<1x1x104xi32, #tpu.memory_space<hbm>>
      %dma_start3A_43 = tpu.memref_squeeze %dma_start3A_42 : memref<1x1x104xi32, #tpu.memory_space<hbm>> -> memref<104xi32, #tpu.memory_space<hbm>>
      tpu.enqueue_dma source(%dma_start3A_43 : memref<104xi32, #tpu.memory_space<hbm>>) target(%arg5 : memref<104xi32, #tpu.memory_space<vmem>>) target_semaphore(%run_scoped3A_37 : memref<!tpu.dma_semaphore, #tpu.memory_space<semaphore_mem>>)
      %dma_wait3A_44 = arith.constant 0 : i32
      %dma_wait3A_45 = tpu.memref_slice %arg2[%add3A, %run_scoped3A, %dma_wait3A_44] : memref<32x1x104xi32, #tpu.memory_space<hbm>> -> memref<1x1x104xi32, #tpu.memory_space<hbm>>
      %dma_wait3A_46 = tpu.memref_squeeze %dma_wait3A_45 : memref<1x1x104xi32, #tpu.memory_space<hbm>> -> memref<104xi32, #tpu.memory_space<hbm>>
      %dma_wait3A_47 = arith.constant 0 : i32
      %dma_wait3A_48 = tpu.memref_slice %arg2[%add3A, %run_scoped3A, %dma_wait3A_47] : memref<32x1x104xi32, #tpu.memory_space<hbm>> -> memref<1x1x104xi32, #tpu.memory_space<hbm>>
      %dma_wait3A_49 = tpu.memref_squeeze %dma_wait3A_48 : memref<1x1x104xi32, #tpu.memory_space<hbm>> -> memref<104xi32, #tpu.memory_space<hbm>>
      tpu.wait_dma2 semaphore(%run_scoped3A_37 : memref<!tpu.dma_semaphore, #tpu.memory_space<semaphore_mem>>) src(%dma_wait3A_49 : memref<104xi32, #tpu.memory_space<hbm>>) dst(%arg5 : memref<104xi32, #tpu.memory_space<vmem>>)
      tpu.yield
    }) : () -> ()
    %dma_start3A = arith.constant 0 : i32
    %dma_start3A_31 = arith.constant 0 : i32
    %dma_start3A_32 = tpu.memref_slice %arg3[%dma_start3A, %dma_start3A_31] : memref<4096x128xf32, #tpu.memory_space<hbm>> -> memref<4096x128xf32, #tpu.memory_space<hbm>>
    tpu.enqueue_indirect_dma source(%dma_start3A_32 : memref<4096x128xf32, #tpu.memory_space<hbm>>) target(%arg6 : memref<104x128xf32, #tpu.memory_space<vmem>>) offsets(%arg5 : memref<104xi32, #tpu.memory_space<vmem>>) semaphore(%arg7 : memref<!tpu.dma_semaphore, #tpu.memory_space<semaphore_mem>>)
    %dma_wait3A = arith.constant 0 : i32
    %dma_wait3A_33 = arith.constant 0 : i32
    %dma_wait3A_34 = tpu.memref_slice %arg3[%dma_wait3A, %dma_wait3A_33] : memref<4096x128xf32, #tpu.memory_space<hbm>> -> memref<4096x128xf32, #tpu.memory_space<hbm>>
    tpu.wait_indirect_dma semaphore(%arg7 : memref<!tpu.dma_semaphore, #tpu.memory_space<semaphore_mem>>) src(%dma_wait3A_34 : memref<4096x128xf32, #tpu.memory_space<hbm>>) dst(%arg6 : memref<104x128xf32, #tpu.memory_space<vmem>>)
    %mul3A_35 = arith.constant 104 : i32
    %mul3A_36 = arith.muli %mul3A_35, %select_n3A_30 : i32
    "tpu.region"() ({
      %run_scoped3A_37 = tpu.sem_alloc : memref<!tpu.dma_semaphore, #tpu.memory_space<semaphore_mem>>
      %dma_start3A_38 = arith.constant 0 : i32
      %dma_start3A_39 = tpu.memref_slice %arg4[%select_n3A, %mul3A_36, %dma_start3A_38] : memref<4x832x128xf32, #tpu.memory_space<hbm>> -> memref<1x104x128xf32, #tpu.memory_space<hbm>>
      %dma_start3A_40 = tpu.memref_squeeze %dma_start3A_39 : memref<1x104x128xf32, #tpu.memory_space<hbm>> -> memref<104x128xf32, #tpu.memory_space<hbm>>
      %dma_start3A_41 = arith.constant 0 : i32
      %dma_start3A_42 = tpu.memref_slice %arg4[%select_n3A, %mul3A_36, %dma_start3A_41] : memref<4x832x128xf32, #tpu.memory_space<hbm>> -> memref<1x104x128xf32, #tpu.memory_space<hbm>>
      %dma_start3A_43 = tpu.memref_squeeze %dma_start3A_42 : memref<1x104x128xf32, #tpu.memory_space<hbm>> -> memref<104x128xf32, #tpu.memory_space<hbm>>
      tpu.enqueue_dma source(%arg6 : memref<104x128xf32, #tpu.memory_space<vmem>>) target(%dma_start3A_43 : memref<104x128xf32, #tpu.memory_space<hbm>>) target_semaphore(%run_scoped3A_37 : memref<!tpu.dma_semaphore, #tpu.memory_space<semaphore_mem>>)
      %dma_wait3A_44 = arith.constant 0 : i32
      %dma_wait3A_45 = tpu.memref_slice %arg4[%select_n3A, %mul3A_36, %dma_wait3A_44] : memref<4x832x128xf32, #tpu.memory_space<hbm>> -> memref<1x104x128xf32, #tpu.memory_space<hbm>>
      %dma_wait3A_46 = tpu.memref_squeeze %dma_wait3A_45 : memref<1x104x128xf32, #tpu.memory_space<hbm>> -> memref<104x128xf32, #tpu.memory_space<hbm>>
      %dma_wait3A_47 = arith.constant 0 : i32
      %dma_wait3A_48 = tpu.memref_slice %arg4[%select_n3A, %mul3A_36, %dma_wait3A_47] : memref<4x832x128xf32, #tpu.memory_space<hbm>> -> memref<1x104x128xf32, #tpu.memory_space<hbm>>
      %dma_wait3A_49 = tpu.memref_squeeze %dma_wait3A_48 : memref<1x104x128xf32, #tpu.memory_space<hbm>> -> memref<104x128xf32, #tpu.memory_space<hbm>>
      tpu.wait_dma2 semaphore(%run_scoped3A_37 : memref<!tpu.dma_semaphore, #tpu.memory_space<semaphore_mem>>) src(%arg6 : memref<104x128xf32, #tpu.memory_space<vmem>>) dst(%dma_wait3A_49 : memref<104x128xf32, #tpu.memory_space<hbm>>)
      tpu.yield
    }) : () -> ()
    return
  }
}

module attributes {stable_mosaic.version = 14 : i64} {
  func.func @_scores_argmin_body(%arg0: i32, %arg1: memref<4x196x384xf32, #tpu.memory_space<vmem>>, %arg2: memref<4x1024x96xf32, #tpu.memory_space<vmem>>, %arg3: memref<4x1x784xi32, #tpu.memory_space<vmem>>, %arg4: memref<32x1x104xi32, #tpu.memory_space<vmem>>, %arg5: memref<4096x128xf32, #tpu.memory_space<vmem>>) attributes {dimension_semantics = [#tpu.dimension_semantics<arbitrary>], iteration_bounds = array<i64: 1>, scalar_prefetch = 0 : i64, scratch_operands = 0 : i64, tpu.core_type = #tpu.core_type<tc>, window_params = [{transform_indices = @transform_0, window_bounds = array<i64: 4, 196, 384>}, {transform_indices = @transform_1, window_bounds = array<i64: 4, 1024, 96>}, {pipeline_mode = #tpu.pipeline_mode<synchronous>, transform_indices = @transform_2, window_bounds = array<i64: 4, 1, 784>}, {pipeline_mode = #tpu.pipeline_mode<synchronous>, transform_indices = @transform_3, window_bounds = array<i64: 32, 1, 104>}, {pipeline_mode = #tpu.pipeline_mode<synchronous>, transform_indices = @transform_4, window_bounds = array<i64: 4096, 128>}]} {
    %get3A = arith.constant 0 : index
    %get3A_0 = arith.constant 0 : index
    %get3A_1 = arith.constant 0 : index
    %get3A_2 = vector.load %arg1[%get3A, %get3A_0, %get3A_1] : memref<4x196x384xf32, #tpu.memory_space<vmem>>, vector<1x196x384xf32>
    %get3A_3 = vector.shape_cast %get3A_2 : vector<1x196x384xf32> to vector<196x384xf32>
    %get3A_4 = arith.constant 1 : index
    %get3A_5 = arith.constant 0 : index
    %get3A_6 = arith.constant 0 : index
    %get3A_7 = vector.load %arg1[%get3A_4, %get3A_5, %get3A_6] : memref<4x196x384xf32, #tpu.memory_space<vmem>>, vector<1x196x384xf32>
    %get3A_8 = vector.shape_cast %get3A_7 : vector<1x196x384xf32> to vector<196x384xf32>
    %get3A_9 = arith.constant 2 : index
    %get3A_10 = arith.constant 0 : index
    %get3A_11 = arith.constant 0 : index
    %get3A_12 = vector.load %arg1[%get3A_9, %get3A_10, %get3A_11] : memref<4x196x384xf32, #tpu.memory_space<vmem>>, vector<1x196x384xf32>
    %get3A_13 = vector.shape_cast %get3A_12 : vector<1x196x384xf32> to vector<196x384xf32>
    %get3A_14 = arith.constant 3 : index
    %get3A_15 = arith.constant 0 : index
    %get3A_16 = arith.constant 0 : index
    %get3A_17 = vector.load %arg1[%get3A_14, %get3A_15, %get3A_16] : memref<4x196x384xf32, #tpu.memory_space<vmem>>, vector<1x196x384xf32>
    %get3A_18 = vector.shape_cast %get3A_17 : vector<1x196x384xf32> to vector<196x384xf32>
    %concatenate3A = tpu.concatenate %get3A_3, %get3A_8, %get3A_13, %get3A_18 in 0 : vector<196x384xf32>, vector<196x384xf32>, vector<196x384xf32>, vector<196x384xf32> -> vector<784x384xf32>
    %slice3A = vector.extract_strided_slice %concatenate3A {offsets = [0, 0], sizes = [784, 96], strides = [1, 1]} : vector<784x384xf32> to vector<784x96xf32>
    %get3A_19 = arith.constant 0 : index
    %get3A_20 = arith.constant 0 : index
    %get3A_21 = arith.constant 0 : index
    %get3A_22 = vector.load %arg2[%get3A_19, %get3A_20, %get3A_21] : memref<4x1024x96xf32, #tpu.memory_space<vmem>>, vector<1x1024x96xf32>
    %get3A_23 = vector.shape_cast %get3A_22 : vector<1x1024x96xf32> to vector<1024x96xf32>
    %swap3A = arith.constant 0 : index
    %swap3A_24 = arith.constant 0 : index
    %swap3A_25 = vector.load %arg5[%swap3A, %swap3A_24] : memref<4096x128xf32, #tpu.memory_space<vmem>>, vector<1024x96xf32>
    tpu.vector_store %arg5[%swap3A, %swap3A_24], %get3A_23 {strides = array<i32>} : memref<4096x128xf32, #tpu.memory_space<vmem>>, vector<1024x96xf32>,
    %mul3A = arith.mulf %get3A_23, %get3A_23 : vector<1024x96xf32>
    %reduce_sum3A = arith.constant dense<0.000000e+00> : vector<1024xf32>
    %reduce_sum3A_26 = vector.multi_reduction <add>, %mul3A, %reduce_sum3A [1] : vector<1024x96xf32> to vector<1024xf32>
    %broadcast_in_dim3A = vector.shape_cast %reduce_sum3A_26 : vector<1024xf32> to vector<1024x1xf32>
    %dot_general3A = arith.constant dense<0.000000e+00> : vector<1024x784xf32>
    %dot_general3A_27 = tpu.matmul %get3A_23, %slice3A, %dot_general3A {dimension_numbers = #tpu.dot_dimension_numbers<[1], [1], [0], [0], [0, 0, 1, 0], [], []>, precision = #tpu.contract_precision<fp32>, transpose_lhs_hint = false} : vector<1024x96xf32>, vector<784x96xf32>, vector<1024x784xf32> -> vector<1024x784xf32>
    %mul3A_28 = arith.constant 2.000000e+00 : f32
    %mul3A_29 = vector.broadcast %mul3A_28 : f32 to vector<1024x784xf32>
    %mul3A_30 = arith.mulf %mul3A_29, %dot_general3A_27 : vector<1024x784xf32>
    %sub3A = vector.broadcast %broadcast_in_dim3A : vector<1024x1xf32> to vector<1024x784xf32>
    %sub3A_31 = arith.subf %sub3A, %mul3A_30 : vector<1024x784xf32>
    %reduce_min3A = arith.constant dense<0x7F800000> : vector<784xf32>
    %reduce_min3A_32 = vector.multi_reduction <minimumf>, %sub3A_31, %reduce_min3A [0] : vector<1024x784xf32> to vector<784xf32>
    %broadcast_in_dim3A_33 = vector.shape_cast %reduce_min3A_32 : vector<784xf32> to vector<1x784xf32>
    %iota3A = tpu.iota {dimensions = array<i32: 0>} : vector<1024x784xi32>
    %eq3A = vector.broadcast %broadcast_in_dim3A_33 : vector<1x784xf32> to vector<1024x784xf32>
    %eq3A_34 = arith.cmpf oeq, %sub3A_31, %eq3A : vector<1024x784xf32>
    %jit3A = arith.constant 1073741824 : i32
    %broadcast_in_dim3A_35 = vector.broadcast %jit3A : i32 to vector<1024x784xi32>
    %select_n3A = arith.select %eq3A_34, %iota3A, %broadcast_in_dim3A_35 : vector<1024x784xi1>, vector<1024x784xi32>
    %reduce_min3A_36 = arith.constant dense<2147483647> : vector<784xi32>
    %reduce_min3A_37 = vector.multi_reduction <minsi>, %select_n3A, %reduce_min3A_36 [0] : vector<1024x784xi32> to vector<784xi32>
    %broadcast_in_dim3A_38 = vector.shape_cast %reduce_min3A_37 : vector<784xi32> to vector<1x784xi32>
    %swap3A_39 = arith.constant 0 : index
    %swap3A_40 = arith.constant 0 : index
    %swap3A_41 = arith.constant 0 : index
    %swap3A_42 = vector.load %arg3[%swap3A_39, %swap3A_40, %swap3A_41] : memref<4x1x784xi32, #tpu.memory_space<vmem>>, vector<1x1x784xi32>
    %swap3A_43 = vector.shape_cast %swap3A_42 : vector<1x1x784xi32> to vector<1x784xi32>
    %swap3A_44 = vector.shape_cast %broadcast_in_dim3A_38 : vector<1x784xi32> to vector<1x1x784xi32>
    tpu.vector_store %arg3[%swap3A_39, %swap3A_40, %swap3A_41], %swap3A_44 {strides = array<i32>} : memref<4x1x784xi32, #tpu.memory_space<vmem>>, vector<1x1x784xi32>,
    %add3A = arith.constant 0 : i32
    %add3A_45 = vector.broadcast %add3A : i32 to vector<1x784xi32>
    %add3A_46 = arith.addi %broadcast_in_dim3A_38, %add3A_45 : vector<1x784xi32>
    %broadcast_in_dim3A_47 = arith.constant 0 : i32
    %broadcast_in_dim3A_48 = vector.broadcast %broadcast_in_dim3A_47 : i32 to vector<1x48xi32>
    %concatenate3A_49 = tpu.concatenate %add3A_46, %broadcast_in_dim3A_48 in 1 : vector<1x784xi32>, vector<1x48xi32> -> vector<1x832xi32>
    %slice3A_50 = vector.extract_strided_slice %concatenate3A_49 {offsets = [0, 0], sizes = [1, 104], strides = [1, 1]} : vector<1x832xi32> to vector<1x104xi32>
    %swap3A_51 = arith.constant 0 : index
    %swap3A_52 = arith.constant 0 : index
    %swap3A_53 = arith.constant 0 : index
    %swap3A_54 = vector.load %arg4[%swap3A_51, %swap3A_52, %swap3A_53] : memref<32x1x104xi32, #tpu.memory_space<vmem>>, vector<1x1x104xi32>
    %swap3A_55 = vector.shape_cast %swap3A_54 : vector<1x1x104xi32> to vector<1x104xi32>
    %swap3A_56 = vector.shape_cast %slice3A_50 : vector<1x104xi32> to vector<1x1x104xi32>
    tpu.vector_store %arg4[%swap3A_51, %swap3A_52, %swap3A_53], %swap3A_56 {strides = array<i32>} : memref<32x1x104xi32, #tpu.memory_space<vmem>>, vector<1x1x104xi32>,
    %slice3A_57 = vector.extract_strided_slice %concatenate3A_49 {offsets = [0, 104], sizes = [1, 104], strides = [1, 1]} : vector<1x832xi32> to vector<1x104xi32>
    %swap3A_58 = arith.constant 1 : index
    %swap3A_59 = arith.constant 0 : index
    %swap3A_60 = arith.constant 0 : index
    %swap3A_61 = vector.load %arg4[%swap3A_58, %swap3A_59, %swap3A_60] : memref<32x1x104xi32, #tpu.memory_space<vmem>>, vector<1x1x104xi32>
    %swap3A_62 = vector.shape_cast %swap3A_61 : vector<1x1x104xi32> to vector<1x104xi32>
    %swap3A_63 = vector.shape_cast %slice3A_57 : vector<1x104xi32> to vector<1x1x104xi32>
    tpu.vector_store %arg4[%swap3A_58, %swap3A_59, %swap3A_60], %swap3A_63 {strides = array<i32>} : memref<32x1x104xi32, #tpu.memory_space<vmem>>, vector<1x1x104xi32>,
    %slice3A_64 = vector.extract_strided_slice %concatenate3A_49 {offsets = [0, 208], sizes = [1, 104], strides = [1, 1]} : vector<1x832xi32> to vector<1x104xi32>
    %swap3A_65 = arith.constant 2 : index
    %swap3A_66 = arith.constant 0 : index
    %swap3A_67 = arith.constant 0 : index
    %swap3A_68 = vector.load %arg4[%swap3A_65, %swap3A_66, %swap3A_67] : memref<32x1x104xi32, #tpu.memory_space<vmem>>, vector<1x1x104xi32>
    %swap3A_69 = vector.shape_cast %swap3A_68 : vector<1x1x104xi32> to vector<1x104xi32>
    %swap3A_70 = vector.shape_cast %slice3A_64 : vector<1x104xi32> to vector<1x1x104xi32>
    tpu.vector_store %arg4[%swap3A_65, %swap3A_66, %swap3A_67], %swap3A_70 {strides = array<i32>} : memref<32x1x104xi32, #tpu.memory_space<vmem>>, vector<1x1x104xi32>,
    %slice3A_71 = vector.extract_strided_slice %concatenate3A_49 {offsets = [0, 312], sizes = [1, 104], strides = [1, 1]} : vector<1x832xi32> to vector<1x104xi32>
    %swap3A_72 = arith.constant 3 : index
    %swap3A_73 = arith.constant 0 : index
    %swap3A_74 = arith.constant 0 : index
    %swap3A_75 = vector.load %arg4[%swap3A_72, %swap3A_73, %swap3A_74] : memref<32x1x104xi32, #tpu.memory_space<vmem>>, vector<1x1x104xi32>
    %swap3A_76 = vector.shape_cast %swap3A_75 : vector<1x1x104xi32> to vector<1x104xi32>
    %swap3A_77 = vector.shape_cast %slice3A_71 : vector<1x104xi32> to vector<1x1x104xi32>
    tpu.vector_store %arg4[%swap3A_72, %swap3A_73, %swap3A_74], %swap3A_77 {strides = array<i32>} : memref<32x1x104xi32, #tpu.memory_space<vmem>>, vector<1x1x104xi32>,
    %slice3A_78 = vector.extract_strided_slice %concatenate3A_49 {offsets = [0, 416], sizes = [1, 104], strides = [1, 1]} : vector<1x832xi32> to vector<1x104xi32>
    %swap3A_79 = arith.constant 4 : index
    %swap3A_80 = arith.constant 0 : index
    %swap3A_81 = arith.constant 0 : index
    %swap3A_82 = vector.load %arg4[%swap3A_79, %swap3A_80, %swap3A_81] : memref<32x1x104xi32, #tpu.memory_space<vmem>>, vector<1x1x104xi32>
    %swap3A_83 = vector.shape_cast %swap3A_82 : vector<1x1x104xi32> to vector<1x104xi32>
    %swap3A_84 = vector.shape_cast %slice3A_78 : vector<1x104xi32> to vector<1x1x104xi32>
    tpu.vector_store %arg4[%swap3A_79, %swap3A_80, %swap3A_81], %swap3A_84 {strides = array<i32>} : memref<32x1x104xi32, #tpu.memory_space<vmem>>, vector<1x1x104xi32>,
    %slice3A_85 = vector.extract_strided_slice %concatenate3A_49 {offsets = [0, 520], sizes = [1, 104], strides = [1, 1]} : vector<1x832xi32> to vector<1x104xi32>
    %swap3A_86 = arith.constant 5 : index
    %swap3A_87 = arith.constant 0 : index
    %swap3A_88 = arith.constant 0 : index
    %swap3A_89 = vector.load %arg4[%swap3A_86, %swap3A_87, %swap3A_88] : memref<32x1x104xi32, #tpu.memory_space<vmem>>, vector<1x1x104xi32>
    %swap3A_90 = vector.shape_cast %swap3A_89 : vector<1x1x104xi32> to vector<1x104xi32>
    %swap3A_91 = vector.shape_cast %slice3A_85 : vector<1x104xi32> to vector<1x1x104xi32>
    tpu.vector_store %arg4[%swap3A_86, %swap3A_87, %swap3A_88], %swap3A_91 {strides = array<i32>} : memref<32x1x104xi32, #tpu.memory_space<vmem>>, vector<1x1x104xi32>,
    %slice3A_92 = vector.extract_strided_slice %concatenate3A_49 {offsets = [0, 624], sizes = [1, 104], strides = [1, 1]} : vector<1x832xi32> to vector<1x104xi32>
    %swap3A_93 = arith.constant 6 : index
    %swap3A_94 = arith.constant 0 : index
    %swap3A_95 = arith.constant 0 : index
    %swap3A_96 = vector.load %arg4[%swap3A_93, %swap3A_94, %swap3A_95] : memref<32x1x104xi32, #tpu.memory_space<vmem>>, vector<1x1x104xi32>
    %swap3A_97 = vector.shape_cast %swap3A_96 : vector<1x1x104xi32> to vector<1x104xi32>
    %swap3A_98 = vector.shape_cast %slice3A_92 : vector<1x104xi32> to vector<1x1x104xi32>
    tpu.vector_store %arg4[%swap3A_93, %swap3A_94, %swap3A_95], %swap3A_98 {strides = array<i32>} : memref<32x1x104xi32, #tpu.memory_space<vmem>>, vector<1x1x104xi32>,
    %slice3A_99 = vector.extract_strided_slice %concatenate3A_49 {offsets = [0, 728], sizes = [1, 104], strides = [1, 1]} : vector<1x832xi32> to vector<1x104xi32>
    %swap3A_100 = arith.constant 7 : index
    %swap3A_101 = arith.constant 0 : index
    %swap3A_102 = arith.constant 0 : index
    %swap3A_103 = vector.load %arg4[%swap3A_100, %swap3A_101, %swap3A_102] : memref<32x1x104xi32, #tpu.memory_space<vmem>>, vector<1x1x104xi32>
    %swap3A_104 = vector.shape_cast %swap3A_103 : vector<1x1x104xi32> to vector<1x104xi32>
    %swap3A_105 = vector.shape_cast %slice3A_99 : vector<1x104xi32> to vector<1x1x104xi32>
    tpu.vector_store %arg4[%swap3A_100, %swap3A_101, %swap3A_102], %swap3A_105 {strides = array<i32>} : memref<32x1x104xi32, #tpu.memory_space<vmem>>, vector<1x1x104xi32>,
    %slice3A_106 = vector.extract_strided_slice %concatenate3A {offsets = [0, 96], sizes = [784, 96], strides = [1, 1]} : vector<784x384xf32> to vector<784x96xf32>
    %get3A_107 = arith.constant 1 : index
    %get3A_108 = arith.constant 0 : index
    %get3A_109 = arith.constant 0 : index
    %get3A_110 = vector.load %arg2[%get3A_107, %get3A_108, %get3A_109] : memref<4x1024x96xf32, #tpu.memory_space<vmem>>, vector<1x1024x96xf32>
    %get3A_111 = vector.shape_cast %get3A_110 : vector<1x1024x96xf32> to vector<1024x96xf32>
    %swap3A_112 = arith.constant 1024 : index
    %swap3A_113 = arith.constant 0 : index
    %swap3A_114 = vector.load %arg5[%swap3A_112, %swap3A_113] : memref<4096x128xf32, #tpu.memory_space<vmem>>, vector<1024x96xf32>
    tpu.vector_store %arg5[%swap3A_112, %swap3A_113], %get3A_111 {strides = array<i32>} : memref<4096x128xf32, #tpu.memory_space<vmem>>, vector<1024x96xf32>,
    %mul3A_115 = arith.mulf %get3A_111, %get3A_111 : vector<1024x96xf32>
    %reduce_sum3A_116 = arith.constant dense<0.000000e+00> : vector<1024xf32>
    %reduce_sum3A_117 = vector.multi_reduction <add>, %mul3A_115, %reduce_sum3A_116 [1] : vector<1024x96xf32> to vector<1024xf32>
    %broadcast_in_dim3A_118 = vector.shape_cast %reduce_sum3A_117 : vector<1024xf32> to vector<1024x1xf32>
    %dot_general3A_119 = arith.constant dense<0.000000e+00> : vector<1024x784xf32>
    %dot_general3A_120 = tpu.matmul %get3A_111, %slice3A_106, %dot_general3A_119 {dimension_numbers = #tpu.dot_dimension_numbers<[1], [1], [0], [0], [0, 0, 1, 0], [], []>, precision = #tpu.contract_precision<fp32>, transpose_lhs_hint = false} : vector<1024x96xf32>, vector<784x96xf32>, vector<1024x784xf32> -> vector<1024x784xf32>
    %mul3A_121 = arith.constant 2.000000e+00 : f32
    %mul3A_122 = vector.broadcast %mul3A_121 : f32 to vector<1024x784xf32>
    %mul3A_123 = arith.mulf %mul3A_122, %dot_general3A_120 : vector<1024x784xf32>
    %sub3A_124 = vector.broadcast %broadcast_in_dim3A_118 : vector<1024x1xf32> to vector<1024x784xf32>
    %sub3A_125 = arith.subf %sub3A_124, %mul3A_123 : vector<1024x784xf32>
    %reduce_min3A_126 = arith.constant dense<0x7F800000> : vector<784xf32>
    %reduce_min3A_127 = vector.multi_reduction <minimumf>, %sub3A_125, %reduce_min3A_126 [0] : vector<1024x784xf32> to vector<784xf32>
    %broadcast_in_dim3A_128 = vector.shape_cast %reduce_min3A_127 : vector<784xf32> to vector<1x784xf32>
    %iota3A_129 = tpu.iota {dimensions = array<i32: 0>} : vector<1024x784xi32>
    %eq3A_130 = vector.broadcast %broadcast_in_dim3A_128 : vector<1x784xf32> to vector<1024x784xf32>
    %eq3A_131 = arith.cmpf oeq, %sub3A_125, %eq3A_130 : vector<1024x784xf32>
    %jit3A_132 = arith.constant 1073741824 : i32
    %broadcast_in_dim3A_133 = vector.broadcast %jit3A_132 : i32 to vector<1024x784xi32>
    %select_n3A_134 = arith.select %eq3A_131, %iota3A_129, %broadcast_in_dim3A_133 : vector<1024x784xi1>, vector<1024x784xi32>
    %reduce_min3A_135 = arith.constant dense<2147483647> : vector<784xi32>
    %reduce_min3A_136 = vector.multi_reduction <minsi>, %select_n3A_134, %reduce_min3A_135 [0] : vector<1024x784xi32> to vector<784xi32>
    %broadcast_in_dim3A_137 = vector.shape_cast %reduce_min3A_136 : vector<784xi32> to vector<1x784xi32>
    %swap3A_138 = arith.constant 1 : index
    %swap3A_139 = arith.constant 0 : index
    %swap3A_140 = arith.constant 0 : index
    %swap3A_141 = vector.load %arg3[%swap3A_138, %swap3A_139, %swap3A_140] : memref<4x1x784xi32, #tpu.memory_space<vmem>>, vector<1x1x784xi32>
    %swap3A_142 = vector.shape_cast %swap3A_141 : vector<1x1x784xi32> to vector<1x784xi32>
    %swap3A_143 = vector.shape_cast %broadcast_in_dim3A_137 : vector<1x784xi32> to vector<1x1x784xi32>
    tpu.vector_store %arg3[%swap3A_138, %swap3A_139, %swap3A_140], %swap3A_143 {strides = array<i32>} : memref<4x1x784xi32, #tpu.memory_space<vmem>>, vector<1x1x784xi32>,
    %add3A_144 = arith.constant 1024 : i32
    %add3A_145 = vector.broadcast %add3A_144 : i32 to vector<1x784xi32>
    %add3A_146 = arith.addi %broadcast_in_dim3A_137, %add3A_145 : vector<1x784xi32>
    %broadcast_in_dim3A_147 = arith.constant 1024 : i32
    %broadcast_in_dim3A_148 = vector.broadcast %broadcast_in_dim3A_147 : i32 to vector<1x48xi32>
    %concatenate3A_149 = tpu.concatenate %add3A_146, %broadcast_in_dim3A_148 in 1 : vector<1x784xi32>, vector<1x48xi32> -> vector<1x832xi32>
    %slice3A_150 = vector.extract_strided_slice %concatenate3A_149 {offsets = [0, 0], sizes = [1, 104], strides = [1, 1]} : vector<1x832xi32> to vector<1x104xi32>
    %swap3A_151 = arith.constant 8 : index
    %swap3A_152 = arith.constant 0 : index
    %swap3A_153 = arith.constant 0 : index
    %swap3A_154 = vector.load %arg4[%swap3A_151, %swap3A_152, %swap3A_153] : memref<32x1x104xi32, #tpu.memory_space<vmem>>, vector<1x1x104xi32>
    %swap3A_155 = vector.shape_cast %swap3A_154 : vector<1x1x104xi32> to vector<1x104xi32>
    %swap3A_156 = vector.shape_cast %slice3A_150 : vector<1x104xi32> to vector<1x1x104xi32>
    tpu.vector_store %arg4[%swap3A_151, %swap3A_152, %swap3A_153], %swap3A_156 {strides = array<i32>} : memref<32x1x104xi32, #tpu.memory_space<vmem>>, vector<1x1x104xi32>,
    %slice3A_157 = vector.extract_strided_slice %concatenate3A_149 {offsets = [0, 104], sizes = [1, 104], strides = [1, 1]} : vector<1x832xi32> to vector<1x104xi32>
    %swap3A_158 = arith.constant 9 : index
    %swap3A_159 = arith.constant 0 : index
    %swap3A_160 = arith.constant 0 : index
    %swap3A_161 = vector.load %arg4[%swap3A_158, %swap3A_159, %swap3A_160] : memref<32x1x104xi32, #tpu.memory_space<vmem>>, vector<1x1x104xi32>
    %swap3A_162 = vector.shape_cast %swap3A_161 : vector<1x1x104xi32> to vector<1x104xi32>
    %swap3A_163 = vector.shape_cast %slice3A_157 : vector<1x104xi32> to vector<1x1x104xi32>
    tpu.vector_store %arg4[%swap3A_158, %swap3A_159, %swap3A_160], %swap3A_163 {strides = array<i32>} : memref<32x1x104xi32, #tpu.memory_space<vmem>>, vector<1x1x104xi32>,
    %slice3A_164 = vector.extract_strided_slice %concatenate3A_149 {offsets = [0, 208], sizes = [1, 104], strides = [1, 1]} : vector<1x832xi32> to vector<1x104xi32>
    %swap3A_165 = arith.constant 10 : index
    %swap3A_166 = arith.constant 0 : index
    %swap3A_167 = arith.constant 0 : index
    %swap3A_168 = vector.load %arg4[%swap3A_165, %swap3A_166, %swap3A_167] : memref<32x1x104xi32, #tpu.memory_space<vmem>>, vector<1x1x104xi32>
    %swap3A_169 = vector.shape_cast %swap3A_168 : vector<1x1x104xi32> to vector<1x104xi32>
    %swap3A_170 = vector.shape_cast %slice3A_164 : vector<1x104xi32> to vector<1x1x104xi32>
    tpu.vector_store %arg4[%swap3A_165, %swap3A_166, %swap3A_167], %swap3A_170 {strides = array<i32>} : memref<32x1x104xi32, #tpu.memory_space<vmem>>, vector<1x1x104xi32>,
    %slice3A_171 = vector.extract_strided_slice %concatenate3A_149 {offsets = [0, 312], sizes = [1, 104], strides = [1, 1]} : vector<1x832xi32> to vector<1x104xi32>
    %swap3A_172 = arith.constant 11 : index
    %swap3A_173 = arith.constant 0 : index
    %swap3A_174 = arith.constant 0 : index
    %swap3A_175 = vector.load %arg4[%swap3A_172, %swap3A_173, %swap3A_174] : memref<32x1x104xi32, #tpu.memory_space<vmem>>, vector<1x1x104xi32>
    %swap3A_176 = vector.shape_cast %swap3A_175 : vector<1x1x104xi32> to vector<1x104xi32>
    %swap3A_177 = vector.shape_cast %slice3A_171 : vector<1x104xi32> to vector<1x1x104xi32>
    tpu.vector_store %arg4[%swap3A_172, %swap3A_173, %swap3A_174], %swap3A_177 {strides = array<i32>} : memref<32x1x104xi32, #tpu.memory_space<vmem>>, vector<1x1x104xi32>,
    %slice3A_178 = vector.extract_strided_slice %concatenate3A_149 {offsets = [0, 416], sizes = [1, 104], strides = [1, 1]} : vector<1x832xi32> to vector<1x104xi32>
    %swap3A_179 = arith.constant 12 : index
    %swap3A_180 = arith.constant 0 : index
    %swap3A_181 = arith.constant 0 : index
    %swap3A_182 = vector.load %arg4[%swap3A_179, %swap3A_180, %swap3A_181] : memref<32x1x104xi32, #tpu.memory_space<vmem>>, vector<1x1x104xi32>
    %swap3A_183 = vector.shape_cast %swap3A_182 : vector<1x1x104xi32> to vector<1x104xi32>
    %swap3A_184 = vector.shape_cast %slice3A_178 : vector<1x104xi32> to vector<1x1x104xi32>
    tpu.vector_store %arg4[%swap3A_179, %swap3A_180, %swap3A_181], %swap3A_184 {strides = array<i32>} : memref<32x1x104xi32, #tpu.memory_space<vmem>>, vector<1x1x104xi32>,
    %slice3A_185 = vector.extract_strided_slice %concatenate3A_149 {offsets = [0, 520], sizes = [1, 104], strides = [1, 1]} : vector<1x832xi32> to vector<1x104xi32>
    %swap3A_186 = arith.constant 13 : index
    %swap3A_187 = arith.constant 0 : index
    %swap3A_188 = arith.constant 0 : index
    %swap3A_189 = vector.load %arg4[%swap3A_186, %swap3A_187, %swap3A_188] : memref<32x1x104xi32, #tpu.memory_space<vmem>>, vector<1x1x104xi32>
    %swap3A_190 = vector.shape_cast %swap3A_189 : vector<1x1x104xi32> to vector<1x104xi32>
    %swap3A_191 = vector.shape_cast %slice3A_185 : vector<1x104xi32> to vector<1x1x104xi32>
    tpu.vector_store %arg4[%swap3A_186, %swap3A_187, %swap3A_188], %swap3A_191 {strides = array<i32>} : memref<32x1x104xi32, #tpu.memory_space<vmem>>, vector<1x1x104xi32>,
    %slice3A_192 = vector.extract_strided_slice %concatenate3A_149 {offsets = [0, 624], sizes = [1, 104], strides = [1, 1]} : vector<1x832xi32> to vector<1x104xi32>
    %swap3A_193 = arith.constant 14 : index
    %swap3A_194 = arith.constant 0 : index
    %swap3A_195 = arith.constant 0 : index
    %swap3A_196 = vector.load %arg4[%swap3A_193, %swap3A_194, %swap3A_195] : memref<32x1x104xi32, #tpu.memory_space<vmem>>, vector<1x1x104xi32>
    %swap3A_197 = vector.shape_cast %swap3A_196 : vector<1x1x104xi32> to vector<1x104xi32>
    %swap3A_198 = vector.shape_cast %slice3A_192 : vector<1x104xi32> to vector<1x1x104xi32>
    tpu.vector_store %arg4[%swap3A_193, %swap3A_194, %swap3A_195], %swap3A_198 {strides = array<i32>} : memref<32x1x104xi32, #tpu.memory_space<vmem>>, vector<1x1x104xi32>,
    %slice3A_199 = vector.extract_strided_slice %concatenate3A_149 {offsets = [0, 728], sizes = [1, 104], strides = [1, 1]} : vector<1x832xi32> to vector<1x104xi32>
    %swap3A_200 = arith.constant 15 : index
    %swap3A_201 = arith.constant 0 : index
    %swap3A_202 = arith.constant 0 : index
    %swap3A_203 = vector.load %arg4[%swap3A_200, %swap3A_201, %swap3A_202] : memref<32x1x104xi32, #tpu.memory_space<vmem>>, vector<1x1x104xi32>
    %swap3A_204 = vector.shape_cast %swap3A_203 : vector<1x1x104xi32> to vector<1x104xi32>
    %swap3A_205 = vector.shape_cast %slice3A_199 : vector<1x104xi32> to vector<1x1x104xi32>
    tpu.vector_store %arg4[%swap3A_200, %swap3A_201, %swap3A_202], %swap3A_205 {strides = array<i32>} : memref<32x1x104xi32, #tpu.memory_space<vmem>>, vector<1x1x104xi32>,
    %slice3A_206 = vector.extract_strided_slice %concatenate3A {offsets = [0, 192], sizes = [784, 96], strides = [1, 1]} : vector<784x384xf32> to vector<784x96xf32>
    %get3A_207 = arith.constant 2 : index
    %get3A_208 = arith.constant 0 : index
    %get3A_209 = arith.constant 0 : index
    %get3A_210 = vector.load %arg2[%get3A_207, %get3A_208, %get3A_209] : memref<4x1024x96xf32, #tpu.memory_space<vmem>>, vector<1x1024x96xf32>
    %get3A_211 = vector.shape_cast %get3A_210 : vector<1x1024x96xf32> to vector<1024x96xf32>
    %swap3A_212 = arith.constant 2048 : index
    %swap3A_213 = arith.constant 0 : index
    %swap3A_214 = vector.load %arg5[%swap3A_212, %swap3A_213] : memref<4096x128xf32, #tpu.memory_space<vmem>>, vector<1024x96xf32>
    tpu.vector_store %arg5[%swap3A_212, %swap3A_213], %get3A_211 {strides = array<i32>} : memref<4096x128xf32, #tpu.memory_space<vmem>>, vector<1024x96xf32>,
    %mul3A_215 = arith.mulf %get3A_211, %get3A_211 : vector<1024x96xf32>
    %reduce_sum3A_216 = arith.constant dense<0.000000e+00> : vector<1024xf32>
    %reduce_sum3A_217 = vector.multi_reduction <add>, %mul3A_215, %reduce_sum3A_216 [1] : vector<1024x96xf32> to vector<1024xf32>
    %broadcast_in_dim3A_218 = vector.shape_cast %reduce_sum3A_217 : vector<1024xf32> to vector<1024x1xf32>
    %dot_general3A_219 = arith.constant dense<0.000000e+00> : vector<1024x784xf32>
    %dot_general3A_220 = tpu.matmul %get3A_211, %slice3A_206, %dot_general3A_219 {dimension_numbers = #tpu.dot_dimension_numbers<[1], [1], [0], [0], [0, 0, 1, 0], [], []>, precision = #tpu.contract_precision<fp32>, transpose_lhs_hint = false} : vector<1024x96xf32>, vector<784x96xf32>, vector<1024x784xf32> -> vector<1024x784xf32>
    %mul3A_221 = arith.constant 2.000000e+00 : f32
    %mul3A_222 = vector.broadcast %mul3A_221 : f32 to vector<1024x784xf32>
    %mul3A_223 = arith.mulf %mul3A_222, %dot_general3A_220 : vector<1024x784xf32>
    %sub3A_224 = vector.broadcast %broadcast_in_dim3A_218 : vector<1024x1xf32> to vector<1024x784xf32>
    %sub3A_225 = arith.subf %sub3A_224, %mul3A_223 : vector<1024x784xf32>
    %reduce_min3A_226 = arith.constant dense<0x7F800000> : vector<784xf32>
    %reduce_min3A_227 = vector.multi_reduction <minimumf>, %sub3A_225, %reduce_min3A_226 [0] : vector<1024x784xf32> to vector<784xf32>
    %broadcast_in_dim3A_228 = vector.shape_cast %reduce_min3A_227 : vector<784xf32> to vector<1x784xf32>
    %iota3A_229 = tpu.iota {dimensions = array<i32: 0>} : vector<1024x784xi32>
    %eq3A_230 = vector.broadcast %broadcast_in_dim3A_228 : vector<1x784xf32> to vector<1024x784xf32>
    %eq3A_231 = arith.cmpf oeq, %sub3A_225, %eq3A_230 : vector<1024x784xf32>
    %jit3A_232 = arith.constant 1073741824 : i32
    %broadcast_in_dim3A_233 = vector.broadcast %jit3A_232 : i32 to vector<1024x784xi32>
    %select_n3A_234 = arith.select %eq3A_231, %iota3A_229, %broadcast_in_dim3A_233 : vector<1024x784xi1>, vector<1024x784xi32>
    %reduce_min3A_235 = arith.constant dense<2147483647> : vector<784xi32>
    %reduce_min3A_236 = vector.multi_reduction <minsi>, %select_n3A_234, %reduce_min3A_235 [0] : vector<1024x784xi32> to vector<784xi32>
    %broadcast_in_dim3A_237 = vector.shape_cast %reduce_min3A_236 : vector<784xi32> to vector<1x784xi32>
    %swap3A_238 = arith.constant 2 : index
    %swap3A_239 = arith.constant 0 : index
    %swap3A_240 = arith.constant 0 : index
    %swap3A_241 = vector.load %arg3[%swap3A_238, %swap3A_239, %swap3A_240] : memref<4x1x784xi32, #tpu.memory_space<vmem>>, vector<1x1x784xi32>
    %swap3A_242 = vector.shape_cast %swap3A_241 : vector<1x1x784xi32> to vector<1x784xi32>
    %swap3A_243 = vector.shape_cast %broadcast_in_dim3A_237 : vector<1x784xi32> to vector<1x1x784xi32>
    tpu.vector_store %arg3[%swap3A_238, %swap3A_239, %swap3A_240], %swap3A_243 {strides = array<i32>} : memref<4x1x784xi32, #tpu.memory_space<vmem>>, vector<1x1x784xi32>,
    %add3A_244 = arith.constant 2048 : i32
    %add3A_245 = vector.broadcast %add3A_244 : i32 to vector<1x784xi32>
    %add3A_246 = arith.addi %broadcast_in_dim3A_237, %add3A_245 : vector<1x784xi32>
    %broadcast_in_dim3A_247 = arith.constant 2048 : i32
    %broadcast_in_dim3A_248 = vector.broadcast %broadcast_in_dim3A_247 : i32 to vector<1x48xi32>
    %concatenate3A_249 = tpu.concatenate %add3A_246, %broadcast_in_dim3A_248 in 1 : vector<1x784xi32>, vector<1x48xi32> -> vector<1x832xi32>
    %slice3A_250 = vector.extract_strided_slice %concatenate3A_249 {offsets = [0, 0], sizes = [1, 104], strides = [1, 1]} : vector<1x832xi32> to vector<1x104xi32>
    %swap3A_251 = arith.constant 16 : index
    %swap3A_252 = arith.constant 0 : index
    %swap3A_253 = arith.constant 0 : index
    %swap3A_254 = vector.load %arg4[%swap3A_251, %swap3A_252, %swap3A_253] : memref<32x1x104xi32, #tpu.memory_space<vmem>>, vector<1x1x104xi32>
    %swap3A_255 = vector.shape_cast %swap3A_254 : vector<1x1x104xi32> to vector<1x104xi32>
    %swap3A_256 = vector.shape_cast %slice3A_250 : vector<1x104xi32> to vector<1x1x104xi32>
    tpu.vector_store %arg4[%swap3A_251, %swap3A_252, %swap3A_253], %swap3A_256 {strides = array<i32>} : memref<32x1x104xi32, #tpu.memory_space<vmem>>, vector<1x1x104xi32>,
    %slice3A_257 = vector.extract_strided_slice %concatenate3A_249 {offsets = [0, 104], sizes = [1, 104], strides = [1, 1]} : vector<1x832xi32> to vector<1x104xi32>
    %swap3A_258 = arith.constant 17 : index
    %swap3A_259 = arith.constant 0 : index
    %swap3A_260 = arith.constant 0 : index
    %swap3A_261 = vector.load %arg4[%swap3A_258, %swap3A_259, %swap3A_260] : memref<32x1x104xi32, #tpu.memory_space<vmem>>, vector<1x1x104xi32>
    %swap3A_262 = vector.shape_cast %swap3A_261 : vector<1x1x104xi32> to vector<1x104xi32>
    %swap3A_263 = vector.shape_cast %slice3A_257 : vector<1x104xi32> to vector<1x1x104xi32>
    tpu.vector_store %arg4[%swap3A_258, %swap3A_259, %swap3A_260], %swap3A_263 {strides = array<i32>} : memref<32x1x104xi32, #tpu.memory_space<vmem>>, vector<1x1x104xi32>,
    %slice3A_264 = vector.extract_strided_slice %concatenate3A_249 {offsets = [0, 208], sizes = [1, 104], strides = [1, 1]} : vector<1x832xi32> to vector<1x104xi32>
    %swap3A_265 = arith.constant 18 : index
    %swap3A_266 = arith.constant 0 : index
    %swap3A_267 = arith.constant 0 : index
    %swap3A_268 = vector.load %arg4[%swap3A_265, %swap3A_266, %swap3A_267] : memref<32x1x104xi32, #tpu.memory_space<vmem>>, vector<1x1x104xi32>
    %swap3A_269 = vector.shape_cast %swap3A_268 : vector<1x1x104xi32> to vector<1x104xi32>
    %swap3A_270 = vector.shape_cast %slice3A_264 : vector<1x104xi32> to vector<1x1x104xi32>
    tpu.vector_store %arg4[%swap3A_265, %swap3A_266, %swap3A_267], %swap3A_270 {strides = array<i32>} : memref<32x1x104xi32, #tpu.memory_space<vmem>>, vector<1x1x104xi32>,
    %slice3A_271 = vector.extract_strided_slice %concatenate3A_249 {offsets = [0, 312], sizes = [1, 104], strides = [1, 1]} : vector<1x832xi32> to vector<1x104xi32>
    %swap3A_272 = arith.constant 19 : index
    %swap3A_273 = arith.constant 0 : index
    %swap3A_274 = arith.constant 0 : index
    %swap3A_275 = vector.load %arg4[%swap3A_272, %swap3A_273, %swap3A_274] : memref<32x1x104xi32, #tpu.memory_space<vmem>>, vector<1x1x104xi32>
    %swap3A_276 = vector.shape_cast %swap3A_275 : vector<1x1x104xi32> to vector<1x104xi32>
    %swap3A_277 = vector.shape_cast %slice3A_271 : vector<1x104xi32> to vector<1x1x104xi32>
    tpu.vector_store %arg4[%swap3A_272, %swap3A_273, %swap3A_274], %swap3A_277 {strides = array<i32>} : memref<32x1x104xi32, #tpu.memory_space<vmem>>, vector<1x1x104xi32>,
    %slice3A_278 = vector.extract_strided_slice %concatenate3A_249 {offsets = [0, 416], sizes = [1, 104], strides = [1, 1]} : vector<1x832xi32> to vector<1x104xi32>
    %swap3A_279 = arith.constant 20 : index
    %swap3A_280 = arith.constant 0 : index
    %swap3A_281 = arith.constant 0 : index
    %swap3A_282 = vector.load %arg4[%swap3A_279, %swap3A_280, %swap3A_281] : memref<32x1x104xi32, #tpu.memory_space<vmem>>, vector<1x1x104xi32>
    %swap3A_283 = vector.shape_cast %swap3A_282 : vector<1x1x104xi32> to vector<1x104xi32>
    %swap3A_284 = vector.shape_cast %slice3A_278 : vector<1x104xi32> to vector<1x1x104xi32>
    tpu.vector_store %arg4[%swap3A_279, %swap3A_280, %swap3A_281], %swap3A_284 {strides = array<i32>} : memref<32x1x104xi32, #tpu.memory_space<vmem>>, vector<1x1x104xi32>,
    %slice3A_285 = vector.extract_strided_slice %concatenate3A_249 {offsets = [0, 520], sizes = [1, 104], strides = [1, 1]} : vector<1x832xi32> to vector<1x104xi32>
    %swap3A_286 = arith.constant 21 : index
    %swap3A_287 = arith.constant 0 : index
    %swap3A_288 = arith.constant 0 : index
    %swap3A_289 = vector.load %arg4[%swap3A_286, %swap3A_287, %swap3A_288] : memref<32x1x104xi32, #tpu.memory_space<vmem>>, vector<1x1x104xi32>
    %swap3A_290 = vector.shape_cast %swap3A_289 : vector<1x1x104xi32> to vector<1x104xi32>
    %swap3A_291 = vector.shape_cast %slice3A_285 : vector<1x104xi32> to vector<1x1x104xi32>
    tpu.vector_store %arg4[%swap3A_286, %swap3A_287, %swap3A_288], %swap3A_291 {strides = array<i32>} : memref<32x1x104xi32, #tpu.memory_space<vmem>>, vector<1x1x104xi32>,
    %slice3A_292 = vector.extract_strided_slice %concatenate3A_249 {offsets = [0, 624], sizes = [1, 104], strides = [1, 1]} : vector<1x832xi32> to vector<1x104xi32>
    %swap3A_293 = arith.constant 22 : index
    %swap3A_294 = arith.constant 0 : index
    %swap3A_295 = arith.constant 0 : index
    %swap3A_296 = vector.load %arg4[%swap3A_293, %swap3A_294, %swap3A_295] : memref<32x1x104xi32, #tpu.memory_space<vmem>>, vector<1x1x104xi32>
    %swap3A_297 = vector.shape_cast %swap3A_296 : vector<1x1x104xi32> to vector<1x104xi32>
    %swap3A_298 = vector.shape_cast %slice3A_292 : vector<1x104xi32> to vector<1x1x104xi32>
    tpu.vector_store %arg4[%swap3A_293, %swap3A_294, %swap3A_295], %swap3A_298 {strides = array<i32>} : memref<32x1x104xi32, #tpu.memory_space<vmem>>, vector<1x1x104xi32>,
    %slice3A_299 = vector.extract_strided_slice %concatenate3A_249 {offsets = [0, 728], sizes = [1, 104], strides = [1, 1]} : vector<1x832xi32> to vector<1x104xi32>
    %swap3A_300 = arith.constant 23 : index
    %swap3A_301 = arith.constant 0 : index
    %swap3A_302 = arith.constant 0 : index
    %swap3A_303 = vector.load %arg4[%swap3A_300, %swap3A_301, %swap3A_302] : memref<32x1x104xi32, #tpu.memory_space<vmem>>, vector<1x1x104xi32>
    %swap3A_304 = vector.shape_cast %swap3A_303 : vector<1x1x104xi32> to vector<1x104xi32>
    %swap3A_305 = vector.shape_cast %slice3A_299 : vector<1x104xi32> to vector<1x1x104xi32>
    tpu.vector_store %arg4[%swap3A_300, %swap3A_301, %swap3A_302], %swap3A_305 {strides = array<i32>} : memref<32x1x104xi32, #tpu.memory_space<vmem>>, vector<1x1x104xi32>,
    %slice3A_306 = vector.extract_strided_slice %concatenate3A {offsets = [0, 288], sizes = [784, 96], strides = [1, 1]} : vector<784x384xf32> to vector<784x96xf32>
    %get3A_307 = arith.constant 3 : index
    %get3A_308 = arith.constant 0 : index
    %get3A_309 = arith.constant 0 : index
    %get3A_310 = vector.load %arg2[%get3A_307, %get3A_308, %get3A_309] : memref<4x1024x96xf32, #tpu.memory_space<vmem>>, vector<1x1024x96xf32>
    %get3A_311 = vector.shape_cast %get3A_310 : vector<1x1024x96xf32> to vector<1024x96xf32>
    %swap3A_312 = arith.constant 3072 : index
    %swap3A_313 = arith.constant 0 : index
    %swap3A_314 = vector.load %arg5[%swap3A_312, %swap3A_313] : memref<4096x128xf32, #tpu.memory_space<vmem>>, vector<1024x96xf32>
    tpu.vector_store %arg5[%swap3A_312, %swap3A_313], %get3A_311 {strides = array<i32>} : memref<4096x128xf32, #tpu.memory_space<vmem>>, vector<1024x96xf32>,
    %mul3A_315 = arith.mulf %get3A_311, %get3A_311 : vector<1024x96xf32>
    %reduce_sum3A_316 = arith.constant dense<0.000000e+00> : vector<1024xf32>
    %reduce_sum3A_317 = vector.multi_reduction <add>, %mul3A_315, %reduce_sum3A_316 [1] : vector<1024x96xf32> to vector<1024xf32>
    %broadcast_in_dim3A_318 = vector.shape_cast %reduce_sum3A_317 : vector<1024xf32> to vector<1024x1xf32>
    %dot_general3A_319 = arith.constant dense<0.000000e+00> : vector<1024x784xf32>
    %dot_general3A_320 = tpu.matmul %get3A_311, %slice3A_306, %dot_general3A_319 {dimension_numbers = #tpu.dot_dimension_numbers<[1], [1], [0], [0], [0, 0, 1, 0], [], []>, precision = #tpu.contract_precision<fp32>, transpose_lhs_hint = false} : vector<1024x96xf32>, vector<784x96xf32>, vector<1024x784xf32> -> vector<1024x784xf32>
    %mul3A_321 = arith.constant 2.000000e+00 : f32
    %mul3A_322 = vector.broadcast %mul3A_321 : f32 to vector<1024x784xf32>
    %mul3A_323 = arith.mulf %mul3A_322, %dot_general3A_320 : vector<1024x784xf32>
    %sub3A_324 = vector.broadcast %broadcast_in_dim3A_318 : vector<1024x1xf32> to vector<1024x784xf32>
    %sub3A_325 = arith.subf %sub3A_324, %mul3A_323 : vector<1024x784xf32>
    %reduce_min3A_326 = arith.constant dense<0x7F800000> : vector<784xf32>
    %reduce_min3A_327 = vector.multi_reduction <minimumf>, %sub3A_325, %reduce_min3A_326 [0] : vector<1024x784xf32> to vector<784xf32>
    %broadcast_in_dim3A_328 = vector.shape_cast %reduce_min3A_327 : vector<784xf32> to vector<1x784xf32>
    %iota3A_329 = tpu.iota {dimensions = array<i32: 0>} : vector<1024x784xi32>
    %eq3A_330 = vector.broadcast %broadcast_in_dim3A_328 : vector<1x784xf32> to vector<1024x784xf32>
    %eq3A_331 = arith.cmpf oeq, %sub3A_325, %eq3A_330 : vector<1024x784xf32>
    %jit3A_332 = arith.constant 1073741824 : i32
    %broadcast_in_dim3A_333 = vector.broadcast %jit3A_332 : i32 to vector<1024x784xi32>
    %select_n3A_334 = arith.select %eq3A_331, %iota3A_329, %broadcast_in_dim3A_333 : vector<1024x784xi1>, vector<1024x784xi32>
    %reduce_min3A_335 = arith.constant dense<2147483647> : vector<784xi32>
    %reduce_min3A_336 = vector.multi_reduction <minsi>, %select_n3A_334, %reduce_min3A_335 [0] : vector<1024x784xi32> to vector<784xi32>
    %broadcast_in_dim3A_337 = vector.shape_cast %reduce_min3A_336 : vector<784xi32> to vector<1x784xi32>
    %swap3A_338 = arith.constant 3 : index
    %swap3A_339 = arith.constant 0 : index
    %swap3A_340 = arith.constant 0 : index
    %swap3A_341 = vector.load %arg3[%swap3A_338, %swap3A_339, %swap3A_340] : memref<4x1x784xi32, #tpu.memory_space<vmem>>, vector<1x1x784xi32>
    %swap3A_342 = vector.shape_cast %swap3A_341 : vector<1x1x784xi32> to vector<1x784xi32>
    %swap3A_343 = vector.shape_cast %broadcast_in_dim3A_337 : vector<1x784xi32> to vector<1x1x784xi32>
    tpu.vector_store %arg3[%swap3A_338, %swap3A_339, %swap3A_340], %swap3A_343 {strides = array<i32>} : memref<4x1x784xi32, #tpu.memory_space<vmem>>, vector<1x1x784xi32>,
    %add3A_344 = arith.constant 3072 : i32
    %add3A_345 = vector.broadcast %add3A_344 : i32 to vector<1x784xi32>
    %add3A_346 = arith.addi %broadcast_in_dim3A_337, %add3A_345 : vector<1x784xi32>
    %broadcast_in_dim3A_347 = arith.constant 3072 : i32
    %broadcast_in_dim3A_348 = vector.broadcast %broadcast_in_dim3A_347 : i32 to vector<1x48xi32>
    %concatenate3A_349 = tpu.concatenate %add3A_346, %broadcast_in_dim3A_348 in 1 : vector<1x784xi32>, vector<1x48xi32> -> vector<1x832xi32>
    %slice3A_350 = vector.extract_strided_slice %concatenate3A_349 {offsets = [0, 0], sizes = [1, 104], strides = [1, 1]} : vector<1x832xi32> to vector<1x104xi32>
    %swap3A_351 = arith.constant 24 : index
    %swap3A_352 = arith.constant 0 : index
    %swap3A_353 = arith.constant 0 : index
    %swap3A_354 = vector.load %arg4[%swap3A_351, %swap3A_352, %swap3A_353] : memref<32x1x104xi32, #tpu.memory_space<vmem>>, vector<1x1x104xi32>
    %swap3A_355 = vector.shape_cast %swap3A_354 : vector<1x1x104xi32> to vector<1x104xi32>
    %swap3A_356 = vector.shape_cast %slice3A_350 : vector<1x104xi32> to vector<1x1x104xi32>
    tpu.vector_store %arg4[%swap3A_351, %swap3A_352, %swap3A_353], %swap3A_356 {strides = array<i32>} : memref<32x1x104xi32, #tpu.memory_space<vmem>>, vector<1x1x104xi32>,
    %slice3A_357 = vector.extract_strided_slice %concatenate3A_349 {offsets = [0, 104], sizes = [1, 104], strides = [1, 1]} : vector<1x832xi32> to vector<1x104xi32>
    %swap3A_358 = arith.constant 25 : index
    %swap3A_359 = arith.constant 0 : index
    %swap3A_360 = arith.constant 0 : index
    %swap3A_361 = vector.load %arg4[%swap3A_358, %swap3A_359, %swap3A_360] : memref<32x1x104xi32, #tpu.memory_space<vmem>>, vector<1x1x104xi32>
    %swap3A_362 = vector.shape_cast %swap3A_361 : vector<1x1x104xi32> to vector<1x104xi32>
    %swap3A_363 = vector.shape_cast %slice3A_357 : vector<1x104xi32> to vector<1x1x104xi32>
    tpu.vector_store %arg4[%swap3A_358, %swap3A_359, %swap3A_360], %swap3A_363 {strides = array<i32>} : memref<32x1x104xi32, #tpu.memory_space<vmem>>, vector<1x1x104xi32>,
    %slice3A_364 = vector.extract_strided_slice %concatenate3A_349 {offsets = [0, 208], sizes = [1, 104], strides = [1, 1]} : vector<1x832xi32> to vector<1x104xi32>
    %swap3A_365 = arith.constant 26 : index
    %swap3A_366 = arith.constant 0 : index
    %swap3A_367 = arith.constant 0 : index
    %swap3A_368 = vector.load %arg4[%swap3A_365, %swap3A_366, %swap3A_367] : memref<32x1x104xi32, #tpu.memory_space<vmem>>, vector<1x1x104xi32>
    %swap3A_369 = vector.shape_cast %swap3A_368 : vector<1x1x104xi32> to vector<1x104xi32>
    %swap3A_370 = vector.shape_cast %slice3A_364 : vector<1x104xi32> to vector<1x1x104xi32>
    tpu.vector_store %arg4[%swap3A_365, %swap3A_366, %swap3A_367], %swap3A_370 {strides = array<i32>} : memref<32x1x104xi32, #tpu.memory_space<vmem>>, vector<1x1x104xi32>,
    %slice3A_371 = vector.extract_strided_slice %concatenate3A_349 {offsets = [0, 312], sizes = [1, 104], strides = [1, 1]} : vector<1x832xi32> to vector<1x104xi32>
    %swap3A_372 = arith.constant 27 : index
    %swap3A_373 = arith.constant 0 : index
    %swap3A_374 = arith.constant 0 : index
    %swap3A_375 = vector.load %arg4[%swap3A_372, %swap3A_373, %swap3A_374] : memref<32x1x104xi32, #tpu.memory_space<vmem>>, vector<1x1x104xi32>
    %swap3A_376 = vector.shape_cast %swap3A_375 : vector<1x1x104xi32> to vector<1x104xi32>
    %swap3A_377 = vector.shape_cast %slice3A_371 : vector<1x104xi32> to vector<1x1x104xi32>
    tpu.vector_store %arg4[%swap3A_372, %swap3A_373, %swap3A_374], %swap3A_377 {strides = array<i32>} : memref<32x1x104xi32, #tpu.memory_space<vmem>>, vector<1x1x104xi32>,
    %slice3A_378 = vector.extract_strided_slice %concatenate3A_349 {offsets = [0, 416], sizes = [1, 104], strides = [1, 1]} : vector<1x832xi32> to vector<1x104xi32>
    %swap3A_379 = arith.constant 28 : index
    %swap3A_380 = arith.constant 0 : index
    %swap3A_381 = arith.constant 0 : index
    %swap3A_382 = vector.load %arg4[%swap3A_379, %swap3A_380, %swap3A_381] : memref<32x1x104xi32, #tpu.memory_space<vmem>>, vector<1x1x104xi32>
    %swap3A_383 = vector.shape_cast %swap3A_382 : vector<1x1x104xi32> to vector<1x104xi32>
    %swap3A_384 = vector.shape_cast %slice3A_378 : vector<1x104xi32> to vector<1x1x104xi32>
    tpu.vector_store %arg4[%swap3A_379, %swap3A_380, %swap3A_381], %swap3A_384 {strides = array<i32>} : memref<32x1x104xi32, #tpu.memory_space<vmem>>, vector<1x1x104xi32>,
    %slice3A_385 = vector.extract_strided_slice %concatenate3A_349 {offsets = [0, 520], sizes = [1, 104], strides = [1, 1]} : vector<1x832xi32> to vector<1x104xi32>
    %swap3A_386 = arith.constant 29 : index
    %swap3A_387 = arith.constant 0 : index
    %swap3A_388 = arith.constant 0 : index
    %swap3A_389 = vector.load %arg4[%swap3A_386, %swap3A_387, %swap3A_388] : memref<32x1x104xi32, #tpu.memory_space<vmem>>, vector<1x1x104xi32>
    %swap3A_390 = vector.shape_cast %swap3A_389 : vector<1x1x104xi32> to vector<1x104xi32>
    %swap3A_391 = vector.shape_cast %slice3A_385 : vector<1x104xi32> to vector<1x1x104xi32>
    tpu.vector_store %arg4[%swap3A_386, %swap3A_387, %swap3A_388], %swap3A_391 {strides = array<i32>} : memref<32x1x104xi32, #tpu.memory_space<vmem>>, vector<1x1x104xi32>,
    %slice3A_392 = vector.extract_strided_slice %concatenate3A_349 {offsets = [0, 624], sizes = [1, 104], strides = [1, 1]} : vector<1x832xi32> to vector<1x104xi32>
    %swap3A_393 = arith.constant 30 : index
    %swap3A_394 = arith.constant 0 : index
    %swap3A_395 = arith.constant 0 : index
    %swap3A_396 = vector.load %arg4[%swap3A_393, %swap3A_394, %swap3A_395] : memref<32x1x104xi32, #tpu.memory_space<vmem>>, vector<1x1x104xi32>
    %swap3A_397 = vector.shape_cast %swap3A_396 : vector<1x1x104xi32> to vector<1x104xi32>
    %swap3A_398 = vector.shape_cast %slice3A_392 : vector<1x104xi32> to vector<1x1x104xi32>
    tpu.vector_store %arg4[%swap3A_393, %swap3A_394, %swap3A_395], %swap3A_398 {strides = array<i32>} : memref<32x1x104xi32, #tpu.memory_space<vmem>>, vector<1x1x104xi32>,
    %slice3A_399 = vector.extract_strided_slice %concatenate3A_349 {offsets = [0, 728], sizes = [1, 104], strides = [1, 1]} : vector<1x832xi32> to vector<1x104xi32>
    %swap3A_400 = arith.constant 31 : index
    %swap3A_401 = arith.constant 0 : index
    %swap3A_402 = arith.constant 0 : index
    %swap3A_403 = vector.load %arg4[%swap3A_400, %swap3A_401, %swap3A_402] : memref<32x1x104xi32, #tpu.memory_space<vmem>>, vector<1x1x104xi32>
    %swap3A_404 = vector.shape_cast %swap3A_403 : vector<1x1x104xi32> to vector<1x104xi32>
    %swap3A_405 = vector.shape_cast %slice3A_399 : vector<1x104xi32> to vector<1x1x104xi32>
    tpu.vector_store %arg4[%swap3A_400, %swap3A_401, %swap3A_402], %swap3A_405 {strides = array<i32>} : memref<32x1x104xi32, #tpu.memory_space<vmem>>, vector<1x1x104xi32>,
    return
  }
  func.func @transform_0(%arg0: i32) -> (i32, i32, i32) {
    %c0_i32 = arith.constant 0 : i32
    %c0_i32_0 = arith.constant 0 : i32
    %c1_i32 = arith.constant 1 : i32
    %c0_i32_1 = arith.constant 0 : i32
    return %c0_i32, %c0_i32_0, %c1_i32 : i32, i32, i32
  }
  func.func @transform_1(%arg0: i32) -> (i32, i32, i32) {
    %c1_i32 = arith.constant 1 : i32
    %c0_i32 = arith.constant 0 : i32
    %c0_i32_0 = arith.constant 0 : i32
    %c0_i32_1 = arith.constant 0 : i32
    return %c1_i32, %c0_i32, %c0_i32_0 : i32, i32, i32
  }
  func.func @transform_2(%arg0: i32) -> (i32, i32, i32) {
    %c0_i32 = arith.constant 0 : i32
    %c0_i32_0 = arith.constant 0 : i32
    %c0_i32_1 = arith.constant 0 : i32
    %c0_i32_2 = arith.constant 0 : i32
    return %c0_i32, %c0_i32_0, %c0_i32_1 : i32, i32, i32
  }
  func.func @transform_3(%arg0: i32) -> (i32, i32, i32) {
    %c0_i32 = arith.constant 0 : i32
    %c0_i32_0 = arith.constant 0 : i32
    %c0_i32_1 = arith.constant 0 : i32
    %c0_i32_2 = arith.constant 0 : i32
    return %c0_i32, %c0_i32_0, %c0_i32_1 : i32, i32, i32
  }
  func.func @transform_4(%arg0: i32) -> (i32, i32) {
    %c0_i32 = arith.constant 0 : i32
    %c0_i32_0 = arith.constant 0 : i32
    %c0_i32_1 = arith.constant 0 : i32
    return %c0_i32, %c0_i32_0 : i32, i32
  }
}

module attributes {stable_mosaic.version = 14 : i64} {
  func.func @_scores_argmin_body(%arg0: i32, %arg1: memref<4x196x384xf32, #tpu.memory_space<vmem>>, %arg2: memref<4x1024x96xf32, #tpu.memory_space<vmem>>, %arg3: memref<4x1x784xi32, #tpu.memory_space<vmem>>, %arg4: memref<32x1x104xi32, #tpu.memory_space<vmem>>, %arg5: memref<4096x128xf32, #tpu.memory_space<vmem>>) attributes {dimension_semantics = [#tpu.dimension_semantics<arbitrary>], iteration_bounds = array<i64: 1>, scalar_prefetch = 0 : i64, scratch_operands = 0 : i64, tpu.core_type = #tpu.core_type<tc>, window_params = [{transform_indices = @transform_0, window_bounds = array<i64: 4, 196, 384>}, {transform_indices = @transform_1, window_bounds = array<i64: 4, 1024, 96>}, {pipeline_mode = #tpu.pipeline_mode<synchronous>, transform_indices = @transform_2, window_bounds = array<i64: 4, 1, 784>}, {pipeline_mode = #tpu.pipeline_mode<synchronous>, transform_indices = @transform_3, window_bounds = array<i64: 32, 1, 104>}, {pipeline_mode = #tpu.pipeline_mode<synchronous>, transform_indices = @transform_4, window_bounds = array<i64: 4096, 128>}]} {
    %get3A = arith.constant 0 : index
    %get3A_0 = arith.constant 0 : index
    %get3A_1 = arith.constant 0 : index
    %get3A_2 = vector.load %arg1[%get3A, %get3A_0, %get3A_1] : memref<4x196x384xf32, #tpu.memory_space<vmem>>, vector<1x196x384xf32>
    %get3A_3 = vector.shape_cast %get3A_2 : vector<1x196x384xf32> to vector<196x384xf32>
    %get3A_4 = arith.constant 1 : index
    %get3A_5 = arith.constant 0 : index
    %get3A_6 = arith.constant 0 : index
    %get3A_7 = vector.load %arg1[%get3A_4, %get3A_5, %get3A_6] : memref<4x196x384xf32, #tpu.memory_space<vmem>>, vector<1x196x384xf32>
    %get3A_8 = vector.shape_cast %get3A_7 : vector<1x196x384xf32> to vector<196x384xf32>
    %get3A_9 = arith.constant 2 : index
    %get3A_10 = arith.constant 0 : index
    %get3A_11 = arith.constant 0 : index
    %get3A_12 = vector.load %arg1[%get3A_9, %get3A_10, %get3A_11] : memref<4x196x384xf32, #tpu.memory_space<vmem>>, vector<1x196x384xf32>
    %get3A_13 = vector.shape_cast %get3A_12 : vector<1x196x384xf32> to vector<196x384xf32>
    %get3A_14 = arith.constant 3 : index
    %get3A_15 = arith.constant 0 : index
    %get3A_16 = arith.constant 0 : index
    %get3A_17 = vector.load %arg1[%get3A_14, %get3A_15, %get3A_16] : memref<4x196x384xf32, #tpu.memory_space<vmem>>, vector<1x196x384xf32>
    %get3A_18 = vector.shape_cast %get3A_17 : vector<1x196x384xf32> to vector<196x384xf32>
    %concatenate3A = tpu.concatenate %get3A_3, %get3A_8, %get3A_13, %get3A_18 in 0 : vector<196x384xf32>, vector<196x384xf32>, vector<196x384xf32>, vector<196x384xf32> -> vector<784x384xf32>
    %slice3A = vector.extract_strided_slice %concatenate3A {offsets = [0, 0], sizes = [784, 96], strides = [1, 1]} : vector<784x384xf32> to vector<784x96xf32>
    %get3A_19 = arith.constant 0 : index
    %get3A_20 = arith.constant 0 : index
    %get3A_21 = arith.constant 0 : index
    %get3A_22 = vector.load %arg2[%get3A_19, %get3A_20, %get3A_21] : memref<4x1024x96xf32, #tpu.memory_space<vmem>>, vector<1x1024x96xf32>
    %get3A_23 = vector.shape_cast %get3A_22 : vector<1x1024x96xf32> to vector<1024x96xf32>
    %swap3A = arith.constant 0 : index
    %swap3A_24 = arith.constant 0 : index
    %swap3A_25 = vector.load %arg5[%swap3A, %swap3A_24] : memref<4096x128xf32, #tpu.memory_space<vmem>>, vector<1024x96xf32>
    tpu.vector_store %arg5[%swap3A, %swap3A_24], %get3A_23 {strides = array<i32>} : memref<4096x128xf32, #tpu.memory_space<vmem>>, vector<1024x96xf32>,
    %mul3A = arith.mulf %get3A_23, %get3A_23 : vector<1024x96xf32>
    %reduce_sum3A = arith.constant dense<0.000000e+00> : vector<1024xf32>
    %reduce_sum3A_26 = vector.multi_reduction <add>, %mul3A, %reduce_sum3A [1] : vector<1024x96xf32> to vector<1024xf32>
    %broadcast_in_dim3A = vector.shape_cast %reduce_sum3A_26 : vector<1024xf32> to vector<1024x1xf32>
    %dot_general3A = arith.constant dense<0.000000e+00> : vector<1024x784xf32>
    %dot_general3A_27 = tpu.matmul %get3A_23, %slice3A, %dot_general3A {dimension_numbers = #tpu.dot_dimension_numbers<[1], [1], [0], [0], [0, 0, 1, 0], [], []>, precision = #tpu.contract_precision<fp32>, transpose_lhs_hint = false} : vector<1024x96xf32>, vector<784x96xf32>, vector<1024x784xf32> -> vector<1024x784xf32>
    %mul3A_28 = arith.constant 2.000000e+00 : f32
    %mul3A_29 = vector.broadcast %mul3A_28 : f32 to vector<1024x784xf32>
    %mul3A_30 = arith.mulf %mul3A_29, %dot_general3A_27 : vector<1024x784xf32>
    %sub3A = vector.broadcast %broadcast_in_dim3A : vector<1024x1xf32> to vector<1024x784xf32>
    %sub3A_31 = arith.subf %sub3A, %mul3A_30 : vector<1024x784xf32>
    %reduce_min3A = arith.constant dense<0x7F800000> : vector<784xf32>
    %reduce_min3A_32 = vector.multi_reduction <minimumf>, %sub3A_31, %reduce_min3A [0] : vector<1024x784xf32> to vector<784xf32>
    %broadcast_in_dim3A_33 = vector.shape_cast %reduce_min3A_32 : vector<784xf32> to vector<1x784xf32>
    %iota3A = tpu.iota {dimensions = array<i32: 0>} : vector<1024x784xi32>
    %eq3A = vector.broadcast %broadcast_in_dim3A_33 : vector<1x784xf32> to vector<1024x784xf32>
    %eq3A_34 = arith.cmpf oeq, %sub3A_31, %eq3A : vector<1024x784xf32>
    %jit3A = arith.constant 1073741824 : i32
    %broadcast_in_dim3A_35 = vector.broadcast %jit3A : i32 to vector<1024x784xi32>
    %select_n3A = arith.select %eq3A_34, %iota3A, %broadcast_in_dim3A_35 : vector<1024x784xi1>, vector<1024x784xi32>
    %reduce_min3A_36 = arith.constant dense<2147483647> : vector<784xi32>
    %reduce_min3A_37 = vector.multi_reduction <minsi>, %select_n3A, %reduce_min3A_36 [0] : vector<1024x784xi32> to vector<784xi32>
    %broadcast_in_dim3A_38 = vector.shape_cast %reduce_min3A_37 : vector<784xi32> to vector<1x784xi32>
    %swap3A_39 = arith.constant 0 : index
    %swap3A_40 = arith.constant 0 : index
    %swap3A_41 = arith.constant 0 : index
    %swap3A_42 = vector.load %arg3[%swap3A_39, %swap3A_40, %swap3A_41] : memref<4x1x784xi32, #tpu.memory_space<vmem>>, vector<1x1x784xi32>
    %swap3A_43 = vector.shape_cast %swap3A_42 : vector<1x1x784xi32> to vector<1x784xi32>
    %swap3A_44 = vector.shape_cast %broadcast_in_dim3A_38 : vector<1x784xi32> to vector<1x1x784xi32>
    tpu.vector_store %arg3[%swap3A_39, %swap3A_40, %swap3A_41], %swap3A_44 {strides = array<i32>} : memref<4x1x784xi32, #tpu.memory_space<vmem>>, vector<1x1x784xi32>,
    %add3A = arith.constant 0 : i32
    %add3A_45 = vector.broadcast %add3A : i32 to vector<1x784xi32>
    %add3A_46 = arith.addi %broadcast_in_dim3A_38, %add3A_45 : vector<1x784xi32>
    %broadcast_in_dim3A_47 = arith.constant 0 : i32
    %broadcast_in_dim3A_48 = vector.broadcast %broadcast_in_dim3A_47 : i32 to vector<1x48xi32>
    %concatenate3A_49 = tpu.concatenate %add3A_46, %broadcast_in_dim3A_48 in 1 : vector<1x784xi32>, vector<1x48xi32> -> vector<1x832xi32>
    %slice3A_50 = vector.extract_strided_slice %concatenate3A_49 {offsets = [0, 0], sizes = [1, 104], strides = [1, 1]} : vector<1x832xi32> to vector<1x104xi32>
    %swap3A_51 = arith.constant 0 : index
    %swap3A_52 = arith.constant 0 : index
    %swap3A_53 = arith.constant 0 : index
    %swap3A_54 = vector.load %arg4[%swap3A_51, %swap3A_52, %swap3A_53] : memref<32x1x104xi32, #tpu.memory_space<vmem>>, vector<1x1x104xi32>
    %swap3A_55 = vector.shape_cast %swap3A_54 : vector<1x1x104xi32> to vector<1x104xi32>
    %swap3A_56 = vector.shape_cast %slice3A_50 : vector<1x104xi32> to vector<1x1x104xi32>
    tpu.vector_store %arg4[%swap3A_51, %swap3A_52, %swap3A_53], %swap3A_56 {strides = array<i32>} : memref<32x1x104xi32, #tpu.memory_space<vmem>>, vector<1x1x104xi32>,
    %slice3A_57 = vector.extract_strided_slice %concatenate3A_49 {offsets = [0, 104], sizes = [1, 104], strides = [1, 1]} : vector<1x832xi32> to vector<1x104xi32>
    %swap3A_58 = arith.constant 1 : index
    %swap3A_59 = arith.constant 0 : index
    %swap3A_60 = arith.constant 0 : index
    %swap3A_61 = vector.load %arg4[%swap3A_58, %swap3A_59, %swap3A_60] : memref<32x1x104xi32, #tpu.memory_space<vmem>>, vector<1x1x104xi32>
    %swap3A_62 = vector.shape_cast %swap3A_61 : vector<1x1x104xi32> to vector<1x104xi32>
    %swap3A_63 = vector.shape_cast %slice3A_57 : vector<1x104xi32> to vector<1x1x104xi32>
    tpu.vector_store %arg4[%swap3A_58, %swap3A_59, %swap3A_60], %swap3A_63 {strides = array<i32>} : memref<32x1x104xi32, #tpu.memory_space<vmem>>, vector<1x1x104xi32>,
    %slice3A_64 = vector.extract_strided_slice %concatenate3A_49 {offsets = [0, 208], sizes = [1, 104], strides = [1, 1]} : vector<1x832xi32> to vector<1x104xi32>
    %swap3A_65 = arith.constant 2 : index
    %swap3A_66 = arith.constant 0 : index
    %swap3A_67 = arith.constant 0 : index
    %swap3A_68 = vector.load %arg4[%swap3A_65, %swap3A_66, %swap3A_67] : memref<32x1x104xi32, #tpu.memory_space<vmem>>, vector<1x1x104xi32>
    %swap3A_69 = vector.shape_cast %swap3A_68 : vector<1x1x104xi32> to vector<1x104xi32>
    %swap3A_70 = vector.shape_cast %slice3A_64 : vector<1x104xi32> to vector<1x1x104xi32>
    tpu.vector_store %arg4[%swap3A_65, %swap3A_66, %swap3A_67], %swap3A_70 {strides = array<i32>} : memref<32x1x104xi32, #tpu.memory_space<vmem>>, vector<1x1x104xi32>,
    %slice3A_71 = vector.extract_strided_slice %concatenate3A_49 {offsets = [0, 312], sizes = [1, 104], strides = [1, 1]} : vector<1x832xi32> to vector<1x104xi32>
    %swap3A_72 = arith.constant 3 : index
    %swap3A_73 = arith.constant 0 : index
    %swap3A_74 = arith.constant 0 : index
    %swap3A_75 = vector.load %arg4[%swap3A_72, %swap3A_73, %swap3A_74] : memref<32x1x104xi32, #tpu.memory_space<vmem>>, vector<1x1x104xi32>
    %swap3A_76 = vector.shape_cast %swap3A_75 : vector<1x1x104xi32> to vector<1x104xi32>
    %swap3A_77 = vector.shape_cast %slice3A_71 : vector<1x104xi32> to vector<1x1x104xi32>
    tpu.vector_store %arg4[%swap3A_72, %swap3A_73, %swap3A_74], %swap3A_77 {strides = array<i32>} : memref<32x1x104xi32, #tpu.memory_space<vmem>>, vector<1x1x104xi32>,
    %slice3A_78 = vector.extract_strided_slice %concatenate3A_49 {offsets = [0, 416], sizes = [1, 104], strides = [1, 1]} : vector<1x832xi32> to vector<1x104xi32>
    %swap3A_79 = arith.constant 4 : index
    %swap3A_80 = arith.constant 0 : index
    %swap3A_81 = arith.constant 0 : index
    %swap3A_82 = vector.load %arg4[%swap3A_79, %swap3A_80, %swap3A_81] : memref<32x1x104xi32, #tpu.memory_space<vmem>>, vector<1x1x104xi32>
    %swap3A_83 = vector.shape_cast %swap3A_82 : vector<1x1x104xi32> to vector<1x104xi32>
    %swap3A_84 = vector.shape_cast %slice3A_78 : vector<1x104xi32> to vector<1x1x104xi32>
    tpu.vector_store %arg4[%swap3A_79, %swap3A_80, %swap3A_81], %swap3A_84 {strides = array<i32>} : memref<32x1x104xi32, #tpu.memory_space<vmem>>, vector<1x1x104xi32>,
    %slice3A_85 = vector.extract_strided_slice %concatenate3A_49 {offsets = [0, 520], sizes = [1, 104], strides = [1, 1]} : vector<1x832xi32> to vector<1x104xi32>
    %swap3A_86 = arith.constant 5 : index
    %swap3A_87 = arith.constant 0 : index
    %swap3A_88 = arith.constant 0 : index
    %swap3A_89 = vector.load %arg4[%swap3A_86, %swap3A_87, %swap3A_88] : memref<32x1x104xi32, #tpu.memory_space<vmem>>, vector<1x1x104xi32>
    %swap3A_90 = vector.shape_cast %swap3A_89 : vector<1x1x104xi32> to vector<1x104xi32>
    %swap3A_91 = vector.shape_cast %slice3A_85 : vector<1x104xi32> to vector<1x1x104xi32>
    tpu.vector_store %arg4[%swap3A_86, %swap3A_87, %swap3A_88], %swap3A_91 {strides = array<i32>} : memref<32x1x104xi32, #tpu.memory_space<vmem>>, vector<1x1x104xi32>,
    %slice3A_92 = vector.extract_strided_slice %concatenate3A_49 {offsets = [0, 624], sizes = [1, 104], strides = [1, 1]} : vector<1x832xi32> to vector<1x104xi32>
    %swap3A_93 = arith.constant 6 : index
    %swap3A_94 = arith.constant 0 : index
    %swap3A_95 = arith.constant 0 : index
    %swap3A_96 = vector.load %arg4[%swap3A_93, %swap3A_94, %swap3A_95] : memref<32x1x104xi32, #tpu.memory_space<vmem>>, vector<1x1x104xi32>
    %swap3A_97 = vector.shape_cast %swap3A_96 : vector<1x1x104xi32> to vector<1x104xi32>
    %swap3A_98 = vector.shape_cast %slice3A_92 : vector<1x104xi32> to vector<1x1x104xi32>
    tpu.vector_store %arg4[%swap3A_93, %swap3A_94, %swap3A_95], %swap3A_98 {strides = array<i32>} : memref<32x1x104xi32, #tpu.memory_space<vmem>>, vector<1x1x104xi32>,
    %slice3A_99 = vector.extract_strided_slice %concatenate3A_49 {offsets = [0, 728], sizes = [1, 104], strides = [1, 1]} : vector<1x832xi32> to vector<1x104xi32>
    %swap3A_100 = arith.constant 7 : index
    %swap3A_101 = arith.constant 0 : index
    %swap3A_102 = arith.constant 0 : index
    %swap3A_103 = vector.load %arg4[%swap3A_100, %swap3A_101, %swap3A_102] : memref<32x1x104xi32, #tpu.memory_space<vmem>>, vector<1x1x104xi32>
    %swap3A_104 = vector.shape_cast %swap3A_103 : vector<1x1x104xi32> to vector<1x104xi32>
    %swap3A_105 = vector.shape_cast %slice3A_99 : vector<1x104xi32> to vector<1x1x104xi32>
    tpu.vector_store %arg4[%swap3A_100, %swap3A_101, %swap3A_102], %swap3A_105 {strides = array<i32>} : memref<32x1x104xi32, #tpu.memory_space<vmem>>, vector<1x1x104xi32>,
    %slice3A_106 = vector.extract_strided_slice %concatenate3A {offsets = [0, 96], sizes = [784, 96], strides = [1, 1]} : vector<784x384xf32> to vector<784x96xf32>
    %get3A_107 = arith.constant 1 : index
    %get3A_108 = arith.constant 0 : index
    %get3A_109 = arith.constant 0 : index
    %get3A_110 = vector.load %arg2[%get3A_107, %get3A_108, %get3A_109] : memref<4x1024x96xf32, #tpu.memory_space<vmem>>, vector<1x1024x96xf32>
    %get3A_111 = vector.shape_cast %get3A_110 : vector<1x1024x96xf32> to vector<1024x96xf32>
    %swap3A_112 = arith.constant 1024 : index
    %swap3A_113 = arith.constant 0 : index
    %swap3A_114 = vector.load %arg5[%swap3A_112, %swap3A_113] : memref<4096x128xf32, #tpu.memory_space<vmem>>, vector<1024x96xf32>
    tpu.vector_store %arg5[%swap3A_112, %swap3A_113], %get3A_111 {strides = array<i32>} : memref<4096x128xf32, #tpu.memory_space<vmem>>, vector<1024x96xf32>,
    %mul3A_115 = arith.mulf %get3A_111, %get3A_111 : vector<1024x96xf32>
    %reduce_sum3A_116 = arith.constant dense<0.000000e+00> : vector<1024xf32>
    %reduce_sum3A_117 = vector.multi_reduction <add>, %mul3A_115, %reduce_sum3A_116 [1] : vector<1024x96xf32> to vector<1024xf32>
    %broadcast_in_dim3A_118 = vector.shape_cast %reduce_sum3A_117 : vector<1024xf32> to vector<1024x1xf32>
    %dot_general3A_119 = arith.constant dense<0.000000e+00> : vector<1024x784xf32>
    %dot_general3A_120 = tpu.matmul %get3A_111, %slice3A_106, %dot_general3A_119 {dimension_numbers = #tpu.dot_dimension_numbers<[1], [1], [0], [0], [0, 0, 1, 0], [], []>, precision = #tpu.contract_precision<fp32>, transpose_lhs_hint = false} : vector<1024x96xf32>, vector<784x96xf32>, vector<1024x784xf32> -> vector<1024x784xf32>
    %mul3A_121 = arith.constant 2.000000e+00 : f32
    %mul3A_122 = vector.broadcast %mul3A_121 : f32 to vector<1024x784xf32>
    %mul3A_123 = arith.mulf %mul3A_122, %dot_general3A_120 : vector<1024x784xf32>
    %sub3A_124 = vector.broadcast %broadcast_in_dim3A_118 : vector<1024x1xf32> to vector<1024x784xf32>
    %sub3A_125 = arith.subf %sub3A_124, %mul3A_123 : vector<1024x784xf32>
    %reduce_min3A_126 = arith.constant dense<0x7F800000> : vector<784xf32>
    %reduce_min3A_127 = vector.multi_reduction <minimumf>, %sub3A_125, %reduce_min3A_126 [0] : vector<1024x784xf32> to vector<784xf32>
    %broadcast_in_dim3A_128 = vector.shape_cast %reduce_min3A_127 : vector<784xf32> to vector<1x784xf32>
    %iota3A_129 = tpu.iota {dimensions = array<i32: 0>} : vector<1024x784xi32>
    %eq3A_130 = vector.broadcast %broadcast_in_dim3A_128 : vector<1x784xf32> to vector<1024x784xf32>
    %eq3A_131 = arith.cmpf oeq, %sub3A_125, %eq3A_130 : vector<1024x784xf32>
    %jit3A_132 = arith.constant 1073741824 : i32
    %broadcast_in_dim3A_133 = vector.broadcast %jit3A_132 : i32 to vector<1024x784xi32>
    %select_n3A_134 = arith.select %eq3A_131, %iota3A_129, %broadcast_in_dim3A_133 : vector<1024x784xi1>, vector<1024x784xi32>
    %reduce_min3A_135 = arith.constant dense<2147483647> : vector<784xi32>
    %reduce_min3A_136 = vector.multi_reduction <minsi>, %select_n3A_134, %reduce_min3A_135 [0] : vector<1024x784xi32> to vector<784xi32>
    %broadcast_in_dim3A_137 = vector.shape_cast %reduce_min3A_136 : vector<784xi32> to vector<1x784xi32>
    %swap3A_138 = arith.constant 1 : index
    %swap3A_139 = arith.constant 0 : index
    %swap3A_140 = arith.constant 0 : index
    %swap3A_141 = vector.load %arg3[%swap3A_138, %swap3A_139, %swap3A_140] : memref<4x1x784xi32, #tpu.memory_space<vmem>>, vector<1x1x784xi32>
    %swap3A_142 = vector.shape_cast %swap3A_141 : vector<1x1x784xi32> to vector<1x784xi32>
    %swap3A_143 = vector.shape_cast %broadcast_in_dim3A_137 : vector<1x784xi32> to vector<1x1x784xi32>
    tpu.vector_store %arg3[%swap3A_138, %swap3A_139, %swap3A_140], %swap3A_143 {strides = array<i32>} : memref<4x1x784xi32, #tpu.memory_space<vmem>>, vector<1x1x784xi32>,
    %add3A_144 = arith.constant 1024 : i32
    %add3A_145 = vector.broadcast %add3A_144 : i32 to vector<1x784xi32>
    %add3A_146 = arith.addi %broadcast_in_dim3A_137, %add3A_145 : vector<1x784xi32>
    %broadcast_in_dim3A_147 = arith.constant 1024 : i32
    %broadcast_in_dim3A_148 = vector.broadcast %broadcast_in_dim3A_147 : i32 to vector<1x48xi32>
    %concatenate3A_149 = tpu.concatenate %add3A_146, %broadcast_in_dim3A_148 in 1 : vector<1x784xi32>, vector<1x48xi32> -> vector<1x832xi32>
    %slice3A_150 = vector.extract_strided_slice %concatenate3A_149 {offsets = [0, 0], sizes = [1, 104], strides = [1, 1]} : vector<1x832xi32> to vector<1x104xi32>
    %swap3A_151 = arith.constant 8 : index
    %swap3A_152 = arith.constant 0 : index
    %swap3A_153 = arith.constant 0 : index
    %swap3A_154 = vector.load %arg4[%swap3A_151, %swap3A_152, %swap3A_153] : memref<32x1x104xi32, #tpu.memory_space<vmem>>, vector<1x1x104xi32>
    %swap3A_155 = vector.shape_cast %swap3A_154 : vector<1x1x104xi32> to vector<1x104xi32>
    %swap3A_156 = vector.shape_cast %slice3A_150 : vector<1x104xi32> to vector<1x1x104xi32>
    tpu.vector_store %arg4[%swap3A_151, %swap3A_152, %swap3A_153], %swap3A_156 {strides = array<i32>} : memref<32x1x104xi32, #tpu.memory_space<vmem>>, vector<1x1x104xi32>,
    %slice3A_157 = vector.extract_strided_slice %concatenate3A_149 {offsets = [0, 104], sizes = [1, 104], strides = [1, 1]} : vector<1x832xi32> to vector<1x104xi32>
    %swap3A_158 = arith.constant 9 : index
    %swap3A_159 = arith.constant 0 : index
    %swap3A_160 = arith.constant 0 : index
    %swap3A_161 = vector.load %arg4[%swap3A_158, %swap3A_159, %swap3A_160] : memref<32x1x104xi32, #tpu.memory_space<vmem>>, vector<1x1x104xi32>
    %swap3A_162 = vector.shape_cast %swap3A_161 : vector<1x1x104xi32> to vector<1x104xi32>
    %swap3A_163 = vector.shape_cast %slice3A_157 : vector<1x104xi32> to vector<1x1x104xi32>
    tpu.vector_store %arg4[%swap3A_158, %swap3A_159, %swap3A_160], %swap3A_163 {strides = array<i32>} : memref<32x1x104xi32, #tpu.memory_space<vmem>>, vector<1x1x104xi32>,
    %slice3A_164 = vector.extract_strided_slice %concatenate3A_149 {offsets = [0, 208], sizes = [1, 104], strides = [1, 1]} : vector<1x832xi32> to vector<1x104xi32>
    %swap3A_165 = arith.constant 10 : index
    %swap3A_166 = arith.constant 0 : index
    %swap3A_167 = arith.constant 0 : index
    %swap3A_168 = vector.load %arg4[%swap3A_165, %swap3A_166, %swap3A_167] : memref<32x1x104xi32, #tpu.memory_space<vmem>>, vector<1x1x104xi32>
    %swap3A_169 = vector.shape_cast %swap3A_168 : vector<1x1x104xi32> to vector<1x104xi32>
    %swap3A_170 = vector.shape_cast %slice3A_164 : vector<1x104xi32> to vector<1x1x104xi32>
    tpu.vector_store %arg4[%swap3A_165, %swap3A_166, %swap3A_167], %swap3A_170 {strides = array<i32>} : memref<32x1x104xi32, #tpu.memory_space<vmem>>, vector<1x1x104xi32>,
    %slice3A_171 = vector.extract_strided_slice %concatenate3A_149 {offsets = [0, 312], sizes = [1, 104], strides = [1, 1]} : vector<1x832xi32> to vector<1x104xi32>
    %swap3A_172 = arith.constant 11 : index
    %swap3A_173 = arith.constant 0 : index
    %swap3A_174 = arith.constant 0 : index
    %swap3A_175 = vector.load %arg4[%swap3A_172, %swap3A_173, %swap3A_174] : memref<32x1x104xi32, #tpu.memory_space<vmem>>, vector<1x1x104xi32>
    %swap3A_176 = vector.shape_cast %swap3A_175 : vector<1x1x104xi32> to vector<1x104xi32>
    %swap3A_177 = vector.shape_cast %slice3A_171 : vector<1x104xi32> to vector<1x1x104xi32>
    tpu.vector_store %arg4[%swap3A_172, %swap3A_173, %swap3A_174], %swap3A_177 {strides = array<i32>} : memref<32x1x104xi32, #tpu.memory_space<vmem>>, vector<1x1x104xi32>,
    %slice3A_178 = vector.extract_strided_slice %concatenate3A_149 {offsets = [0, 416], sizes = [1, 104], strides = [1, 1]} : vector<1x832xi32> to vector<1x104xi32>
    %swap3A_179 = arith.constant 12 : index
    %swap3A_180 = arith.constant 0 : index
    %swap3A_181 = arith.constant 0 : index
    %swap3A_182 = vector.load %arg4[%swap3A_179, %swap3A_180, %swap3A_181] : memref<32x1x104xi32, #tpu.memory_space<vmem>>, vector<1x1x104xi32>
    %swap3A_183 = vector.shape_cast %swap3A_182 : vector<1x1x104xi32> to vector<1x104xi32>
    %swap3A_184 = vector.shape_cast %slice3A_178 : vector<1x104xi32> to vector<1x1x104xi32>
    tpu.vector_store %arg4[%swap3A_179, %swap3A_180, %swap3A_181], %swap3A_184 {strides = array<i32>} : memref<32x1x104xi32, #tpu.memory_space<vmem>>, vector<1x1x104xi32>,
    %slice3A_185 = vector.extract_strided_slice %concatenate3A_149 {offsets = [0, 520], sizes = [1, 104], strides = [1, 1]} : vector<1x832xi32> to vector<1x104xi32>
    %swap3A_186 = arith.constant 13 : index
    %swap3A_187 = arith.constant 0 : index
    %swap3A_188 = arith.constant 0 : index
    %swap3A_189 = vector.load %arg4[%swap3A_186, %swap3A_187, %swap3A_188] : memref<32x1x104xi32, #tpu.memory_space<vmem>>, vector<1x1x104xi32>
    %swap3A_190 = vector.shape_cast %swap3A_189 : vector<1x1x104xi32> to vector<1x104xi32>
    %swap3A_191 = vector.shape_cast %slice3A_185 : vector<1x104xi32> to vector<1x1x104xi32>
    tpu.vector_store %arg4[%swap3A_186, %swap3A_187, %swap3A_188], %swap3A_191 {strides = array<i32>} : memref<32x1x104xi32, #tpu.memory_space<vmem>>, vector<1x1x104xi32>,
    %slice3A_192 = vector.extract_strided_slice %concatenate3A_149 {offsets = [0, 624], sizes = [1, 104], strides = [1, 1]} : vector<1x832xi32> to vector<1x104xi32>
    %swap3A_193 = arith.constant 14 : index
    %swap3A_194 = arith.constant 0 : index
    %swap3A_195 = arith.constant 0 : index
    %swap3A_196 = vector.load %arg4[%swap3A_193, %swap3A_194, %swap3A_195] : memref<32x1x104xi32, #tpu.memory_space<vmem>>, vector<1x1x104xi32>
    %swap3A_197 = vector.shape_cast %swap3A_196 : vector<1x1x104xi32> to vector<1x104xi32>
    %swap3A_198 = vector.shape_cast %slice3A_192 : vector<1x104xi32> to vector<1x1x104xi32>
    tpu.vector_store %arg4[%swap3A_193, %swap3A_194, %swap3A_195], %swap3A_198 {strides = array<i32>} : memref<32x1x104xi32, #tpu.memory_space<vmem>>, vector<1x1x104xi32>,
    %slice3A_199 = vector.extract_strided_slice %concatenate3A_149 {offsets = [0, 728], sizes = [1, 104], strides = [1, 1]} : vector<1x832xi32> to vector<1x104xi32>
    %swap3A_200 = arith.constant 15 : index
    %swap3A_201 = arith.constant 0 : index
    %swap3A_202 = arith.constant 0 : index
    %swap3A_203 = vector.load %arg4[%swap3A_200, %swap3A_201, %swap3A_202] : memref<32x1x104xi32, #tpu.memory_space<vmem>>, vector<1x1x104xi32>
    %swap3A_204 = vector.shape_cast %swap3A_203 : vector<1x1x104xi32> to vector<1x104xi32>
    %swap3A_205 = vector.shape_cast %slice3A_199 : vector<1x104xi32> to vector<1x1x104xi32>
    tpu.vector_store %arg4[%swap3A_200, %swap3A_201, %swap3A_202], %swap3A_205 {strides = array<i32>} : memref<32x1x104xi32, #tpu.memory_space<vmem>>, vector<1x1x104xi32>,
    %slice3A_206 = vector.extract_strided_slice %concatenate3A {offsets = [0, 192], sizes = [784, 96], strides = [1, 1]} : vector<784x384xf32> to vector<784x96xf32>
    %get3A_207 = arith.constant 2 : index
    %get3A_208 = arith.constant 0 : index
    %get3A_209 = arith.constant 0 : index
    %get3A_210 = vector.load %arg2[%get3A_207, %get3A_208, %get3A_209] : memref<4x1024x96xf32, #tpu.memory_space<vmem>>, vector<1x1024x96xf32>
    %get3A_211 = vector.shape_cast %get3A_210 : vector<1x1024x96xf32> to vector<1024x96xf32>
    %swap3A_212 = arith.constant 2048 : index
    %swap3A_213 = arith.constant 0 : index
    %swap3A_214 = vector.load %arg5[%swap3A_212, %swap3A_213] : memref<4096x128xf32, #tpu.memory_space<vmem>>, vector<1024x96xf32>
    tpu.vector_store %arg5[%swap3A_212, %swap3A_213], %get3A_211 {strides = array<i32>} : memref<4096x128xf32, #tpu.memory_space<vmem>>, vector<1024x96xf32>,
    %mul3A_215 = arith.mulf %get3A_211, %get3A_211 : vector<1024x96xf32>
    %reduce_sum3A_216 = arith.constant dense<0.000000e+00> : vector<1024xf32>
    %reduce_sum3A_217 = vector.multi_reduction <add>, %mul3A_215, %reduce_sum3A_216 [1] : vector<1024x96xf32> to vector<1024xf32>
    %broadcast_in_dim3A_218 = vector.shape_cast %reduce_sum3A_217 : vector<1024xf32> to vector<1024x1xf32>
    %dot_general3A_219 = arith.constant dense<0.000000e+00> : vector<1024x784xf32>
    %dot_general3A_220 = tpu.matmul %get3A_211, %slice3A_206, %dot_general3A_219 {dimension_numbers = #tpu.dot_dimension_numbers<[1], [1], [0], [0], [0, 0, 1, 0], [], []>, precision = #tpu.contract_precision<fp32>, transpose_lhs_hint = false} : vector<1024x96xf32>, vector<784x96xf32>, vector<1024x784xf32> -> vector<1024x784xf32>
    %mul3A_221 = arith.constant 2.000000e+00 : f32
    %mul3A_222 = vector.broadcast %mul3A_221 : f32 to vector<1024x784xf32>
    %mul3A_223 = arith.mulf %mul3A_222, %dot_general3A_220 : vector<1024x784xf32>
    %sub3A_224 = vector.broadcast %broadcast_in_dim3A_218 : vector<1024x1xf32> to vector<1024x784xf32>
    %sub3A_225 = arith.subf %sub3A_224, %mul3A_223 : vector<1024x784xf32>
    %reduce_min3A_226 = arith.constant dense<0x7F800000> : vector<784xf32>
    %reduce_min3A_227 = vector.multi_reduction <minimumf>, %sub3A_225, %reduce_min3A_226 [0] : vector<1024x784xf32> to vector<784xf32>
    %broadcast_in_dim3A_228 = vector.shape_cast %reduce_min3A_227 : vector<784xf32> to vector<1x784xf32>
    %iota3A_229 = tpu.iota {dimensions = array<i32: 0>} : vector<1024x784xi32>
    %eq3A_230 = vector.broadcast %broadcast_in_dim3A_228 : vector<1x784xf32> to vector<1024x784xf32>
    %eq3A_231 = arith.cmpf oeq, %sub3A_225, %eq3A_230 : vector<1024x784xf32>
    %jit3A_232 = arith.constant 1073741824 : i32
    %broadcast_in_dim3A_233 = vector.broadcast %jit3A_232 : i32 to vector<1024x784xi32>
    %select_n3A_234 = arith.select %eq3A_231, %iota3A_229, %broadcast_in_dim3A_233 : vector<1024x784xi1>, vector<1024x784xi32>
    %reduce_min3A_235 = arith.constant dense<2147483647> : vector<784xi32>
    %reduce_min3A_236 = vector.multi_reduction <minsi>, %select_n3A_234, %reduce_min3A_235 [0] : vector<1024x784xi32> to vector<784xi32>
    %broadcast_in_dim3A_237 = vector.shape_cast %reduce_min3A_236 : vector<784xi32> to vector<1x784xi32>
    %swap3A_238 = arith.constant 2 : index
    %swap3A_239 = arith.constant 0 : index
    %swap3A_240 = arith.constant 0 : index
    %swap3A_241 = vector.load %arg3[%swap3A_238, %swap3A_239, %swap3A_240] : memref<4x1x784xi32, #tpu.memory_space<vmem>>, vector<1x1x784xi32>
    %swap3A_242 = vector.shape_cast %swap3A_241 : vector<1x1x784xi32> to vector<1x784xi32>
    %swap3A_243 = vector.shape_cast %broadcast_in_dim3A_237 : vector<1x784xi32> to vector<1x1x784xi32>
    tpu.vector_store %arg3[%swap3A_238, %swap3A_239, %swap3A_240], %swap3A_243 {strides = array<i32>} : memref<4x1x784xi32, #tpu.memory_space<vmem>>, vector<1x1x784xi32>,
    %add3A_244 = arith.constant 2048 : i32
    %add3A_245 = vector.broadcast %add3A_244 : i32 to vector<1x784xi32>
    %add3A_246 = arith.addi %broadcast_in_dim3A_237, %add3A_245 : vector<1x784xi32>
    %broadcast_in_dim3A_247 = arith.constant 2048 : i32
    %broadcast_in_dim3A_248 = vector.broadcast %broadcast_in_dim3A_247 : i32 to vector<1x48xi32>
    %concatenate3A_249 = tpu.concatenate %add3A_246, %broadcast_in_dim3A_248 in 1 : vector<1x784xi32>, vector<1x48xi32> -> vector<1x832xi32>
    %slice3A_250 = vector.extract_strided_slice %concatenate3A_249 {offsets = [0, 0], sizes = [1, 104], strides = [1, 1]} : vector<1x832xi32> to vector<1x104xi32>
    %swap3A_251 = arith.constant 16 : index
    %swap3A_252 = arith.constant 0 : index
    %swap3A_253 = arith.constant 0 : index
    %swap3A_254 = vector.load %arg4[%swap3A_251, %swap3A_252, %swap3A_253] : memref<32x1x104xi32, #tpu.memory_space<vmem>>, vector<1x1x104xi32>
    %swap3A_255 = vector.shape_cast %swap3A_254 : vector<1x1x104xi32> to vector<1x104xi32>
    %swap3A_256 = vector.shape_cast %slice3A_250 : vector<1x104xi32> to vector<1x1x104xi32>
    tpu.vector_store %arg4[%swap3A_251, %swap3A_252, %swap3A_253], %swap3A_256 {strides = array<i32>} : memref<32x1x104xi32, #tpu.memory_space<vmem>>, vector<1x1x104xi32>,
    %slice3A_257 = vector.extract_strided_slice %concatenate3A_249 {offsets = [0, 104], sizes = [1, 104], strides = [1, 1]} : vector<1x832xi32> to vector<1x104xi32>
    %swap3A_258 = arith.constant 17 : index
    %swap3A_259 = arith.constant 0 : index
    %swap3A_260 = arith.constant 0 : index
    %swap3A_261 = vector.load %arg4[%swap3A_258, %swap3A_259, %swap3A_260] : memref<32x1x104xi32, #tpu.memory_space<vmem>>, vector<1x1x104xi32>
    %swap3A_262 = vector.shape_cast %swap3A_261 : vector<1x1x104xi32> to vector<1x104xi32>
    %swap3A_263 = vector.shape_cast %slice3A_257 : vector<1x104xi32> to vector<1x1x104xi32>
    tpu.vector_store %arg4[%swap3A_258, %swap3A_259, %swap3A_260], %swap3A_263 {strides = array<i32>} : memref<32x1x104xi32, #tpu.memory_space<vmem>>, vector<1x1x104xi32>,
    %slice3A_264 = vector.extract_strided_slice %concatenate3A_249 {offsets = [0, 208], sizes = [1, 104], strides = [1, 1]} : vector<1x832xi32> to vector<1x104xi32>
    %swap3A_265 = arith.constant 18 : index
    %swap3A_266 = arith.constant 0 : index
    %swap3A_267 = arith.constant 0 : index
    %swap3A_268 = vector.load %arg4[%swap3A_265, %swap3A_266, %swap3A_267] : memref<32x1x104xi32, #tpu.memory_space<vmem>>, vector<1x1x104xi32>
    %swap3A_269 = vector.shape_cast %swap3A_268 : vector<1x1x104xi32> to vector<1x104xi32>
    %swap3A_270 = vector.shape_cast %slice3A_264 : vector<1x104xi32> to vector<1x1x104xi32>
    tpu.vector_store %arg4[%swap3A_265, %swap3A_266, %swap3A_267], %swap3A_270 {strides = array<i32>} : memref<32x1x104xi32, #tpu.memory_space<vmem>>, vector<1x1x104xi32>,
    %slice3A_271 = vector.extract_strided_slice %concatenate3A_249 {offsets = [0, 312], sizes = [1, 104], strides = [1, 1]} : vector<1x832xi32> to vector<1x104xi32>
    %swap3A_272 = arith.constant 19 : index
    %swap3A_273 = arith.constant 0 : index
    %swap3A_274 = arith.constant 0 : index
    %swap3A_275 = vector.load %arg4[%swap3A_272, %swap3A_273, %swap3A_274] : memref<32x1x104xi32, #tpu.memory_space<vmem>>, vector<1x1x104xi32>
    %swap3A_276 = vector.shape_cast %swap3A_275 : vector<1x1x104xi32> to vector<1x104xi32>
    %swap3A_277 = vector.shape_cast %slice3A_271 : vector<1x104xi32> to vector<1x1x104xi32>
    tpu.vector_store %arg4[%swap3A_272, %swap3A_273, %swap3A_274], %swap3A_277 {strides = array<i32>} : memref<32x1x104xi32, #tpu.memory_space<vmem>>, vector<1x1x104xi32>,
    %slice3A_278 = vector.extract_strided_slice %concatenate3A_249 {offsets = [0, 416], sizes = [1, 104], strides = [1, 1]} : vector<1x832xi32> to vector<1x104xi32>
    %swap3A_279 = arith.constant 20 : index
    %swap3A_280 = arith.constant 0 : index
    %swap3A_281 = arith.constant 0 : index
    %swap3A_282 = vector.load %arg4[%swap3A_279, %swap3A_280, %swap3A_281] : memref<32x1x104xi32, #tpu.memory_space<vmem>>, vector<1x1x104xi32>
    %swap3A_283 = vector.shape_cast %swap3A_282 : vector<1x1x104xi32> to vector<1x104xi32>
    %swap3A_284 = vector.shape_cast %slice3A_278 : vector<1x104xi32> to vector<1x1x104xi32>
    tpu.vector_store %arg4[%swap3A_279, %swap3A_280, %swap3A_281], %swap3A_284 {strides = array<i32>} : memref<32x1x104xi32, #tpu.memory_space<vmem>>, vector<1x1x104xi32>,
    %slice3A_285 = vector.extract_strided_slice %concatenate3A_249 {offsets = [0, 520], sizes = [1, 104], strides = [1, 1]} : vector<1x832xi32> to vector<1x104xi32>
    %swap3A_286 = arith.constant 21 : index
    %swap3A_287 = arith.constant 0 : index
    %swap3A_288 = arith.constant 0 : index
    %swap3A_289 = vector.load %arg4[%swap3A_286, %swap3A_287, %swap3A_288] : memref<32x1x104xi32, #tpu.memory_space<vmem>>, vector<1x1x104xi32>
    %swap3A_290 = vector.shape_cast %swap3A_289 : vector<1x1x104xi32> to vector<1x104xi32>
    %swap3A_291 = vector.shape_cast %slice3A_285 : vector<1x104xi32> to vector<1x1x104xi32>
    tpu.vector_store %arg4[%swap3A_286, %swap3A_287, %swap3A_288], %swap3A_291 {strides = array<i32>} : memref<32x1x104xi32, #tpu.memory_space<vmem>>, vector<1x1x104xi32>,
    %slice3A_292 = vector.extract_strided_slice %concatenate3A_249 {offsets = [0, 624], sizes = [1, 104], strides = [1, 1]} : vector<1x832xi32> to vector<1x104xi32>
    %swap3A_293 = arith.constant 22 : index
    %swap3A_294 = arith.constant 0 : index
    %swap3A_295 = arith.constant 0 : index
    %swap3A_296 = vector.load %arg4[%swap3A_293, %swap3A_294, %swap3A_295] : memref<32x1x104xi32, #tpu.memory_space<vmem>>, vector<1x1x104xi32>
    %swap3A_297 = vector.shape_cast %swap3A_296 : vector<1x1x104xi32> to vector<1x104xi32>
    %swap3A_298 = vector.shape_cast %slice3A_292 : vector<1x104xi32> to vector<1x1x104xi32>
    tpu.vector_store %arg4[%swap3A_293, %swap3A_294, %swap3A_295], %swap3A_298 {strides = array<i32>} : memref<32x1x104xi32, #tpu.memory_space<vmem>>, vector<1x1x104xi32>,
    %slice3A_299 = vector.extract_strided_slice %concatenate3A_249 {offsets = [0, 728], sizes = [1, 104], strides = [1, 1]} : vector<1x832xi32> to vector<1x104xi32>
    %swap3A_300 = arith.constant 23 : index
    %swap3A_301 = arith.constant 0 : index
    %swap3A_302 = arith.constant 0 : index
    %swap3A_303 = vector.load %arg4[%swap3A_300, %swap3A_301, %swap3A_302] : memref<32x1x104xi32, #tpu.memory_space<vmem>>, vector<1x1x104xi32>
    %swap3A_304 = vector.shape_cast %swap3A_303 : vector<1x1x104xi32> to vector<1x104xi32>
    %swap3A_305 = vector.shape_cast %slice3A_299 : vector<1x104xi32> to vector<1x1x104xi32>
    tpu.vector_store %arg4[%swap3A_300, %swap3A_301, %swap3A_302], %swap3A_305 {strides = array<i32>} : memref<32x1x104xi32, #tpu.memory_space<vmem>>, vector<1x1x104xi32>,
    %slice3A_306 = vector.extract_strided_slice %concatenate3A {offsets = [0, 288], sizes = [784, 96], strides = [1, 1]} : vector<784x384xf32> to vector<784x96xf32>
    %get3A_307 = arith.constant 3 : index
    %get3A_308 = arith.constant 0 : index
    %get3A_309 = arith.constant 0 : index
    %get3A_310 = vector.load %arg2[%get3A_307, %get3A_308, %get3A_309] : memref<4x1024x96xf32, #tpu.memory_space<vmem>>, vector<1x1024x96xf32>
    %get3A_311 = vector.shape_cast %get3A_310 : vector<1x1024x96xf32> to vector<1024x96xf32>
    %swap3A_312 = arith.constant 3072 : index
    %swap3A_313 = arith.constant 0 : index
    %swap3A_314 = vector.load %arg5[%swap3A_312, %swap3A_313] : memref<4096x128xf32, #tpu.memory_space<vmem>>, vector<1024x96xf32>
    tpu.vector_store %arg5[%swap3A_312, %swap3A_313], %get3A_311 {strides = array<i32>} : memref<4096x128xf32, #tpu.memory_space<vmem>>, vector<1024x96xf32>,
    %mul3A_315 = arith.mulf %get3A_311, %get3A_311 : vector<1024x96xf32>
    %reduce_sum3A_316 = arith.constant dense<0.000000e+00> : vector<1024xf32>
    %reduce_sum3A_317 = vector.multi_reduction <add>, %mul3A_315, %reduce_sum3A_316 [1] : vector<1024x96xf32> to vector<1024xf32>
    %broadcast_in_dim3A_318 = vector.shape_cast %reduce_sum3A_317 : vector<1024xf32> to vector<1024x1xf32>
    %dot_general3A_319 = arith.constant dense<0.000000e+00> : vector<1024x784xf32>
    %dot_general3A_320 = tpu.matmul %get3A_311, %slice3A_306, %dot_general3A_319 {dimension_numbers = #tpu.dot_dimension_numbers<[1], [1], [0], [0], [0, 0, 1, 0], [], []>, precision = #tpu.contract_precision<fp32>, transpose_lhs_hint = false} : vector<1024x96xf32>, vector<784x96xf32>, vector<1024x784xf32> -> vector<1024x784xf32>
    %mul3A_321 = arith.constant 2.000000e+00 : f32
    %mul3A_322 = vector.broadcast %mul3A_321 : f32 to vector<1024x784xf32>
    %mul3A_323 = arith.mulf %mul3A_322, %dot_general3A_320 : vector<1024x784xf32>
    %sub3A_324 = vector.broadcast %broadcast_in_dim3A_318 : vector<1024x1xf32> to vector<1024x784xf32>
    %sub3A_325 = arith.subf %sub3A_324, %mul3A_323 : vector<1024x784xf32>
    %reduce_min3A_326 = arith.constant dense<0x7F800000> : vector<784xf32>
    %reduce_min3A_327 = vector.multi_reduction <minimumf>, %sub3A_325, %reduce_min3A_326 [0] : vector<1024x784xf32> to vector<784xf32>
    %broadcast_in_dim3A_328 = vector.shape_cast %reduce_min3A_327 : vector<784xf32> to vector<1x784xf32>
    %iota3A_329 = tpu.iota {dimensions = array<i32: 0>} : vector<1024x784xi32>
    %eq3A_330 = vector.broadcast %broadcast_in_dim3A_328 : vector<1x784xf32> to vector<1024x784xf32>
    %eq3A_331 = arith.cmpf oeq, %sub3A_325, %eq3A_330 : vector<1024x784xf32>
    %jit3A_332 = arith.constant 1073741824 : i32
    %broadcast_in_dim3A_333 = vector.broadcast %jit3A_332 : i32 to vector<1024x784xi32>
    %select_n3A_334 = arith.select %eq3A_331, %iota3A_329, %broadcast_in_dim3A_333 : vector<1024x784xi1>, vector<1024x784xi32>
    %reduce_min3A_335 = arith.constant dense<2147483647> : vector<784xi32>
    %reduce_min3A_336 = vector.multi_reduction <minsi>, %select_n3A_334, %reduce_min3A_335 [0] : vector<1024x784xi32> to vector<784xi32>
    %broadcast_in_dim3A_337 = vector.shape_cast %reduce_min3A_336 : vector<784xi32> to vector<1x784xi32>
    %swap3A_338 = arith.constant 3 : index
    %swap3A_339 = arith.constant 0 : index
    %swap3A_340 = arith.constant 0 : index
    %swap3A_341 = vector.load %arg3[%swap3A_338, %swap3A_339, %swap3A_340] : memref<4x1x784xi32, #tpu.memory_space<vmem>>, vector<1x1x784xi32>
    %swap3A_342 = vector.shape_cast %swap3A_341 : vector<1x1x784xi32> to vector<1x784xi32>
    %swap3A_343 = vector.shape_cast %broadcast_in_dim3A_337 : vector<1x784xi32> to vector<1x1x784xi32>
    tpu.vector_store %arg3[%swap3A_338, %swap3A_339, %swap3A_340], %swap3A_343 {strides = array<i32>} : memref<4x1x784xi32, #tpu.memory_space<vmem>>, vector<1x1x784xi32>,
    %add3A_344 = arith.constant 3072 : i32
    %add3A_345 = vector.broadcast %add3A_344 : i32 to vector<1x784xi32>
    %add3A_346 = arith.addi %broadcast_in_dim3A_337, %add3A_345 : vector<1x784xi32>
    %broadcast_in_dim3A_347 = arith.constant 3072 : i32
    %broadcast_in_dim3A_348 = vector.broadcast %broadcast_in_dim3A_347 : i32 to vector<1x48xi32>
    %concatenate3A_349 = tpu.concatenate %add3A_346, %broadcast_in_dim3A_348 in 1 : vector<1x784xi32>, vector<1x48xi32> -> vector<1x832xi32>
    %slice3A_350 = vector.extract_strided_slice %concatenate3A_349 {offsets = [0, 0], sizes = [1, 104], strides = [1, 1]} : vector<1x832xi32> to vector<1x104xi32>
    %swap3A_351 = arith.constant 24 : index
    %swap3A_352 = arith.constant 0 : index
    %swap3A_353 = arith.constant 0 : index
    %swap3A_354 = vector.load %arg4[%swap3A_351, %swap3A_352, %swap3A_353] : memref<32x1x104xi32, #tpu.memory_space<vmem>>, vector<1x1x104xi32>
    %swap3A_355 = vector.shape_cast %swap3A_354 : vector<1x1x104xi32> to vector<1x104xi32>
    %swap3A_356 = vector.shape_cast %slice3A_350 : vector<1x104xi32> to vector<1x1x104xi32>
    tpu.vector_store %arg4[%swap3A_351, %swap3A_352, %swap3A_353], %swap3A_356 {strides = array<i32>} : memref<32x1x104xi32, #tpu.memory_space<vmem>>, vector<1x1x104xi32>,
    %slice3A_357 = vector.extract_strided_slice %concatenate3A_349 {offsets = [0, 104], sizes = [1, 104], strides = [1, 1]} : vector<1x832xi32> to vector<1x104xi32>
    %swap3A_358 = arith.constant 25 : index
    %swap3A_359 = arith.constant 0 : index
    %swap3A_360 = arith.constant 0 : index
    %swap3A_361 = vector.load %arg4[%swap3A_358, %swap3A_359, %swap3A_360] : memref<32x1x104xi32, #tpu.memory_space<vmem>>, vector<1x1x104xi32>
    %swap3A_362 = vector.shape_cast %swap3A_361 : vector<1x1x104xi32> to vector<1x104xi32>
    %swap3A_363 = vector.shape_cast %slice3A_357 : vector<1x104xi32> to vector<1x1x104xi32>
    tpu.vector_store %arg4[%swap3A_358, %swap3A_359, %swap3A_360], %swap3A_363 {strides = array<i32>} : memref<32x1x104xi32, #tpu.memory_space<vmem>>, vector<1x1x104xi32>,
    %slice3A_364 = vector.extract_strided_slice %concatenate3A_349 {offsets = [0, 208], sizes = [1, 104], strides = [1, 1]} : vector<1x832xi32> to vector<1x104xi32>
    %swap3A_365 = arith.constant 26 : index
    %swap3A_366 = arith.constant 0 : index
    %swap3A_367 = arith.constant 0 : index
    %swap3A_368 = vector.load %arg4[%swap3A_365, %swap3A_366, %swap3A_367] : memref<32x1x104xi32, #tpu.memory_space<vmem>>, vector<1x1x104xi32>
    %swap3A_369 = vector.shape_cast %swap3A_368 : vector<1x1x104xi32> to vector<1x104xi32>
    %swap3A_370 = vector.shape_cast %slice3A_364 : vector<1x104xi32> to vector<1x1x104xi32>
    tpu.vector_store %arg4[%swap3A_365, %swap3A_366, %swap3A_367], %swap3A_370 {strides = array<i32>} : memref<32x1x104xi32, #tpu.memory_space<vmem>>, vector<1x1x104xi32>,
    %slice3A_371 = vector.extract_strided_slice %concatenate3A_349 {offsets = [0, 312], sizes = [1, 104], strides = [1, 1]} : vector<1x832xi32> to vector<1x104xi32>
    %swap3A_372 = arith.constant 27 : index
    %swap3A_373 = arith.constant 0 : index
    %swap3A_374 = arith.constant 0 : index
    %swap3A_375 = vector.load %arg4[%swap3A_372, %swap3A_373, %swap3A_374] : memref<32x1x104xi32, #tpu.memory_space<vmem>>, vector<1x1x104xi32>
    %swap3A_376 = vector.shape_cast %swap3A_375 : vector<1x1x104xi32> to vector<1x104xi32>
    %swap3A_377 = vector.shape_cast %slice3A_371 : vector<1x104xi32> to vector<1x1x104xi32>
    tpu.vector_store %arg4[%swap3A_372, %swap3A_373, %swap3A_374], %swap3A_377 {strides = array<i32>} : memref<32x1x104xi32, #tpu.memory_space<vmem>>, vector<1x1x104xi32>,
    %slice3A_378 = vector.extract_strided_slice %concatenate3A_349 {offsets = [0, 416], sizes = [1, 104], strides = [1, 1]} : vector<1x832xi32> to vector<1x104xi32>
    %swap3A_379 = arith.constant 28 : index
    %swap3A_380 = arith.constant 0 : index
    %swap3A_381 = arith.constant 0 : index
    %swap3A_382 = vector.load %arg4[%swap3A_379, %swap3A_380, %swap3A_381] : memref<32x1x104xi32, #tpu.memory_space<vmem>>, vector<1x1x104xi32>
    %swap3A_383 = vector.shape_cast %swap3A_382 : vector<1x1x104xi32> to vector<1x104xi32>
    %swap3A_384 = vector.shape_cast %slice3A_378 : vector<1x104xi32> to vector<1x1x104xi32>
    tpu.vector_store %arg4[%swap3A_379, %swap3A_380, %swap3A_381], %swap3A_384 {strides = array<i32>} : memref<32x1x104xi32, #tpu.memory_space<vmem>>, vector<1x1x104xi32>,
    %slice3A_385 = vector.extract_strided_slice %concatenate3A_349 {offsets = [0, 520], sizes = [1, 104], strides = [1, 1]} : vector<1x832xi32> to vector<1x104xi32>
    %swap3A_386 = arith.constant 29 : index
    %swap3A_387 = arith.constant 0 : index
    %swap3A_388 = arith.constant 0 : index
    %swap3A_389 = vector.load %arg4[%swap3A_386, %swap3A_387, %swap3A_388] : memref<32x1x104xi32, #tpu.memory_space<vmem>>, vector<1x1x104xi32>
    %swap3A_390 = vector.shape_cast %swap3A_389 : vector<1x1x104xi32> to vector<1x104xi32>
    %swap3A_391 = vector.shape_cast %slice3A_385 : vector<1x104xi32> to vector<1x1x104xi32>
    tpu.vector_store %arg4[%swap3A_386, %swap3A_387, %swap3A_388], %swap3A_391 {strides = array<i32>} : memref<32x1x104xi32, #tpu.memory_space<vmem>>, vector<1x1x104xi32>,
    %slice3A_392 = vector.extract_strided_slice %concatenate3A_349 {offsets = [0, 624], sizes = [1, 104], strides = [1, 1]} : vector<1x832xi32> to vector<1x104xi32>
    %swap3A_393 = arith.constant 30 : index
    %swap3A_394 = arith.constant 0 : index
    %swap3A_395 = arith.constant 0 : index
    %swap3A_396 = vector.load %arg4[%swap3A_393, %swap3A_394, %swap3A_395] : memref<32x1x104xi32, #tpu.memory_space<vmem>>, vector<1x1x104xi32>
    %swap3A_397 = vector.shape_cast %swap3A_396 : vector<1x1x104xi32> to vector<1x104xi32>
    %swap3A_398 = vector.shape_cast %slice3A_392 : vector<1x104xi32> to vector<1x1x104xi32>
    tpu.vector_store %arg4[%swap3A_393, %swap3A_394, %swap3A_395], %swap3A_398 {strides = array<i32>} : memref<32x1x104xi32, #tpu.memory_space<vmem>>, vector<1x1x104xi32>,
    %slice3A_399 = vector.extract_strided_slice %concatenate3A_349 {offsets = [0, 728], sizes = [1, 104], strides = [1, 1]} : vector<1x832xi32> to vector<1x104xi32>
    %swap3A_400 = arith.constant 31 : index
    %swap3A_401 = arith.constant 0 : index
    %swap3A_402 = arith.constant 0 : index
    %swap3A_403 = vector.load %arg4[%swap3A_400, %swap3A_401, %swap3A_402] : memref<32x1x104xi32, #tpu.memory_space<vmem>>, vector<1x1x104xi32>
    %swap3A_404 = vector.shape_cast %swap3A_403 : vector<1x1x104xi32> to vector<1x104xi32>
    %swap3A_405 = vector.shape_cast %slice3A_399 : vector<1x104xi32> to vector<1x1x104xi32>
    tpu.vector_store %arg4[%swap3A_400, %swap3A_401, %swap3A_402], %swap3A_405 {strides = array<i32>} : memref<32x1x104xi32, #tpu.memory_space<vmem>>, vector<1x1x104xi32>,
    return
  }
  func.func @transform_0(%arg0: i32) -> (i32, i32, i32) {
    %c0_i32 = arith.constant 0 : i32
    %c0_i32_0 = arith.constant 0 : i32
    %c0_i32_1 = arith.constant 0 : i32
    %c0_i32_2 = arith.constant 0 : i32
    return %c0_i32, %c0_i32_0, %c0_i32_1 : i32, i32, i32
  }
  func.func @transform_1(%arg0: i32) -> (i32, i32, i32) {
    %c0_i32 = arith.constant 0 : i32
    %c0_i32_0 = arith.constant 0 : i32
    %c0_i32_1 = arith.constant 0 : i32
    %c0_i32_2 = arith.constant 0 : i32
    return %c0_i32, %c0_i32_0, %c0_i32_1 : i32, i32, i32
  }
  func.func @transform_2(%arg0: i32) -> (i32, i32, i32) {
    %c0_i32 = arith.constant 0 : i32
    %c0_i32_0 = arith.constant 0 : i32
    %c0_i32_1 = arith.constant 0 : i32
    %c0_i32_2 = arith.constant 0 : i32
    return %c0_i32, %c0_i32_0, %c0_i32_1 : i32, i32, i32
  }
  func.func @transform_3(%arg0: i32) -> (i32, i32, i32) {
    %c0_i32 = arith.constant 0 : i32
    %c0_i32_0 = arith.constant 0 : i32
    %c0_i32_1 = arith.constant 0 : i32
    %c0_i32_2 = arith.constant 0 : i32
    return %c0_i32, %c0_i32_0, %c0_i32_1 : i32, i32, i32
  }
  func.func @transform_4(%arg0: i32) -> (i32, i32) {
    %c0_i32 = arith.constant 0 : i32
    %c0_i32_0 = arith.constant 0 : i32
    %c0_i32_1 = arith.constant 0 : i32
    return %c0_i32, %c0_i32_0 : i32, i32
  }
}

module attributes {stable_mosaic.version = 14 : i64} {
  func.func @_assemble_body(%arg0: memref<4x196x768xf32, #tpu.memory_space<vmem>>, %arg1: memref<4x832x128xf32, #tpu.memory_space<vmem>>, %arg2: memref<4x832x128xf32, #tpu.memory_space<vmem>>, %arg3: memref<4x1x784xi32, #tpu.memory_space<vmem>>, %arg4: memref<4x1x784xi32, #tpu.memory_space<vmem>>, %arg5: memref<1x4x196x768xf32, #tpu.memory_space<vmem>>, %arg6: memref<1x4x196x768xf32, #tpu.memory_space<vmem>>, %arg7: memref<8x4x196xi32, #tpu.memory_space<vmem>>) attributes {dimension_semantics = [], scalar_prefetch = 0 : i64, scratch_operands = 0 : i64, tpu.core_type = #tpu.core_type<tc>} {
    %get3A = arith.constant 0 : index
    %get3A_0 = arith.constant 0 : index
    %get3A_1 = arith.constant 0 : index
    %get3A_2 = vector.load %arg1[%get3A, %get3A_0, %get3A_1] : memref<4x832x128xf32, #tpu.memory_space<vmem>>, vector<1x196x96xf32>
    %get3A_3 = vector.shape_cast %get3A_2 : vector<1x196x96xf32> to vector<196x96xf32>
    %get3A_4 = arith.constant 0 : index
    %get3A_5 = arith.constant 0 : index
    %get3A_6 = arith.constant 0 : index
    %get3A_7 = vector.load %arg0[%get3A_4, %get3A_5, %get3A_6] : memref<4x196x768xf32, #tpu.memory_space<vmem>>, vector<1x196x96xf32>
    %get3A_8 = vector.shape_cast %get3A_7 : vector<1x196x96xf32> to vector<196x96xf32>
    %sub3A = arith.subf %get3A_3, %get3A_8 : vector<196x96xf32>
    %add3A = arith.addf %get3A_8, %sub3A : vector<196x96xf32>
    %swap3A = arith.constant 0 : index
    %swap3A_9 = arith.constant 0 : index
    %swap3A_10 = arith.constant 0 : index
    %swap3A_11 = arith.constant 0 : index
    %swap3A_12 = vector.load %arg5[%swap3A, %swap3A_9, %swap3A_10, %swap3A_11] : memref<1x4x196x768xf32, #tpu.memory_space<vmem>>, vector<1x1x196x96xf32>
    %swap3A_13 = vector.shape_cast %swap3A_12 : vector<1x1x196x96xf32> to vector<196x96xf32>
    %swap3A_14 = vector.shape_cast %add3A : vector<196x96xf32> to vector<1x1x196x96xf32>
    tpu.vector_store %arg5[%swap3A, %swap3A_9, %swap3A_10, %swap3A_11], %swap3A_14 {strides = array<i32>} : memref<1x4x196x768xf32, #tpu.memory_space<vmem>>, vector<1x1x196x96xf32>,
    %sub3A_15 = arith.subf %add3A, %get3A_8 : vector<196x96xf32>
    %sub3A_16 = arith.subf %add3A, %get3A_8 : vector<196x96xf32>
    %mul3A = arith.mulf %sub3A_15, %sub3A_16 : vector<196x96xf32>
    %swap3A_17 = arith.constant 0 : index
    %swap3A_18 = arith.constant 0 : index
    %swap3A_19 = arith.constant 0 : index
    %swap3A_20 = arith.constant 0 : index
    %swap3A_21 = vector.load %arg6[%swap3A_17, %swap3A_18, %swap3A_19, %swap3A_20] : memref<1x4x196x768xf32, #tpu.memory_space<vmem>>, vector<1x1x196x96xf32>
    %swap3A_22 = vector.shape_cast %swap3A_21 : vector<1x1x196x96xf32> to vector<196x96xf32>
    %swap3A_23 = vector.shape_cast %mul3A : vector<196x96xf32> to vector<1x1x196x96xf32>
    tpu.vector_store %arg6[%swap3A_17, %swap3A_18, %swap3A_19, %swap3A_20], %swap3A_23 {strides = array<i32>} : memref<1x4x196x768xf32, #tpu.memory_space<vmem>>, vector<1x1x196x96xf32>,
    %get3A_24 = arith.constant 0 : index
    %get3A_25 = arith.constant 196 : index
    %get3A_26 = arith.constant 0 : index
    %get3A_27 = vector.load %arg1[%get3A_24, %get3A_25, %get3A_26] : memref<4x832x128xf32, #tpu.memory_space<vmem>>, vector<1x196x96xf32>
    %get3A_28 = vector.shape_cast %get3A_27 : vector<1x196x96xf32> to vector<196x96xf32>
    %get3A_29 = arith.constant 1 : index
    %get3A_30 = arith.constant 0 : index
    %get3A_31 = arith.constant 0 : index
    %get3A_32 = vector.load %arg0[%get3A_29, %get3A_30, %get3A_31] : memref<4x196x768xf32, #tpu.memory_space<vmem>>, vector<1x196x96xf32>
    %get3A_33 = vector.shape_cast %get3A_32 : vector<1x196x96xf32> to vector<196x96xf32>
    %sub3A_34 = arith.subf %get3A_28, %get3A_33 : vector<196x96xf32>
    %add3A_35 = arith.addf %get3A_33, %sub3A_34 : vector<196x96xf32>
    %swap3A_36 = arith.constant 0 : index
    %swap3A_37 = arith.constant 1 : index
    %swap3A_38 = arith.constant 0 : index
    %swap3A_39 = arith.constant 0 : index
    %swap3A_40 = vector.load %arg5[%swap3A_36, %swap3A_37, %swap3A_38, %swap3A_39] : memref<1x4x196x768xf32, #tpu.memory_space<vmem>>, vector<1x1x196x96xf32>
    %swap3A_41 = vector.shape_cast %swap3A_40 : vector<1x1x196x96xf32> to vector<196x96xf32>
    %swap3A_42 = vector.shape_cast %add3A_35 : vector<196x96xf32> to vector<1x1x196x96xf32>
    tpu.vector_store %arg5[%swap3A_36, %swap3A_37, %swap3A_38, %swap3A_39], %swap3A_42 {strides = array<i32>} : memref<1x4x196x768xf32, #tpu.memory_space<vmem>>, vector<1x1x196x96xf32>,
    %sub3A_43 = arith.subf %add3A_35, %get3A_33 : vector<196x96xf32>
    %sub3A_44 = arith.subf %add3A_35, %get3A_33 : vector<196x96xf32>
    %mul3A_45 = arith.mulf %sub3A_43, %sub3A_44 : vector<196x96xf32>
    %swap3A_46 = arith.constant 0 : index
    %swap3A_47 = arith.constant 1 : index
    %swap3A_48 = arith.constant 0 : index
    %swap3A_49 = arith.constant 0 : index
    %swap3A_50 = vector.load %arg6[%swap3A_46, %swap3A_47, %swap3A_48, %swap3A_49] : memref<1x4x196x768xf32, #tpu.memory_space<vmem>>, vector<1x1x196x96xf32>
    %swap3A_51 = vector.shape_cast %swap3A_50 : vector<1x1x196x96xf32> to vector<196x96xf32>
    %swap3A_52 = vector.shape_cast %mul3A_45 : vector<196x96xf32> to vector<1x1x196x96xf32>
    tpu.vector_store %arg6[%swap3A_46, %swap3A_47, %swap3A_48, %swap3A_49], %swap3A_52 {strides = array<i32>} : memref<1x4x196x768xf32, #tpu.memory_space<vmem>>, vector<1x1x196x96xf32>,
    %get3A_53 = arith.constant 0 : index
    %get3A_54 = arith.constant 392 : index
    %get3A_55 = arith.constant 0 : index
    %get3A_56 = vector.load %arg1[%get3A_53, %get3A_54, %get3A_55] : memref<4x832x128xf32, #tpu.memory_space<vmem>>, vector<1x196x96xf32>
    %get3A_57 = vector.shape_cast %get3A_56 : vector<1x196x96xf32> to vector<196x96xf32>
    %get3A_58 = arith.constant 2 : index
    %get3A_59 = arith.constant 0 : index
    %get3A_60 = arith.constant 0 : index
    %get3A_61 = vector.load %arg0[%get3A_58, %get3A_59, %get3A_60] : memref<4x196x768xf32, #tpu.memory_space<vmem>>, vector<1x196x96xf32>
    %get3A_62 = vector.shape_cast %get3A_61 : vector<1x196x96xf32> to vector<196x96xf32>
    %sub3A_63 = arith.subf %get3A_57, %get3A_62 : vector<196x96xf32>
    %add3A_64 = arith.addf %get3A_62, %sub3A_63 : vector<196x96xf32>
    %swap3A_65 = arith.constant 0 : index
    %swap3A_66 = arith.constant 2 : index
    %swap3A_67 = arith.constant 0 : index
    %swap3A_68 = arith.constant 0 : index
    %swap3A_69 = vector.load %arg5[%swap3A_65, %swap3A_66, %swap3A_67, %swap3A_68] : memref<1x4x196x768xf32, #tpu.memory_space<vmem>>, vector<1x1x196x96xf32>
    %swap3A_70 = vector.shape_cast %swap3A_69 : vector<1x1x196x96xf32> to vector<196x96xf32>
    %swap3A_71 = vector.shape_cast %add3A_64 : vector<196x96xf32> to vector<1x1x196x96xf32>
    tpu.vector_store %arg5[%swap3A_65, %swap3A_66, %swap3A_67, %swap3A_68], %swap3A_71 {strides = array<i32>} : memref<1x4x196x768xf32, #tpu.memory_space<vmem>>, vector<1x1x196x96xf32>,
    %sub3A_72 = arith.subf %add3A_64, %get3A_62 : vector<196x96xf32>
    %sub3A_73 = arith.subf %add3A_64, %get3A_62 : vector<196x96xf32>
    %mul3A_74 = arith.mulf %sub3A_72, %sub3A_73 : vector<196x96xf32>
    %swap3A_75 = arith.constant 0 : index
    %swap3A_76 = arith.constant 2 : index
    %swap3A_77 = arith.constant 0 : index
    %swap3A_78 = arith.constant 0 : index
    %swap3A_79 = vector.load %arg6[%swap3A_75, %swap3A_76, %swap3A_77, %swap3A_78] : memref<1x4x196x768xf32, #tpu.memory_space<vmem>>, vector<1x1x196x96xf32>
    %swap3A_80 = vector.shape_cast %swap3A_79 : vector<1x1x196x96xf32> to vector<196x96xf32>
    %swap3A_81 = vector.shape_cast %mul3A_74 : vector<196x96xf32> to vector<1x1x196x96xf32>
    tpu.vector_store %arg6[%swap3A_75, %swap3A_76, %swap3A_77, %swap3A_78], %swap3A_81 {strides = array<i32>} : memref<1x4x196x768xf32, #tpu.memory_space<vmem>>, vector<1x1x196x96xf32>,
    %get3A_82 = arith.constant 0 : index
    %get3A_83 = arith.constant 588 : index
    %get3A_84 = arith.constant 0 : index
    %get3A_85 = vector.load %arg1[%get3A_82, %get3A_83, %get3A_84] : memref<4x832x128xf32, #tpu.memory_space<vmem>>, vector<1x196x96xf32>
    %get3A_86 = vector.shape_cast %get3A_85 : vector<1x196x96xf32> to vector<196x96xf32>
    %get3A_87 = arith.constant 3 : index
    %get3A_88 = arith.constant 0 : index
    %get3A_89 = arith.constant 0 : index
    %get3A_90 = vector.load %arg0[%get3A_87, %get3A_88, %get3A_89] : memref<4x196x768xf32, #tpu.memory_space<vmem>>, vector<1x196x96xf32>
    %get3A_91 = vector.shape_cast %get3A_90 : vector<1x196x96xf32> to vector<196x96xf32>
    %sub3A_92 = arith.subf %get3A_86, %get3A_91 : vector<196x96xf32>
    %add3A_93 = arith.addf %get3A_91, %sub3A_92 : vector<196x96xf32>
    %swap3A_94 = arith.constant 0 : index
    %swap3A_95 = arith.constant 3 : index
    %swap3A_96 = arith.constant 0 : index
    %swap3A_97 = arith.constant 0 : index
    %swap3A_98 = vector.load %arg5[%swap3A_94, %swap3A_95, %swap3A_96, %swap3A_97] : memref<1x4x196x768xf32, #tpu.memory_space<vmem>>, vector<1x1x196x96xf32>
    %swap3A_99 = vector.shape_cast %swap3A_98 : vector<1x1x196x96xf32> to vector<196x96xf32>
    %swap3A_100 = vector.shape_cast %add3A_93 : vector<196x96xf32> to vector<1x1x196x96xf32>
    tpu.vector_store %arg5[%swap3A_94, %swap3A_95, %swap3A_96, %swap3A_97], %swap3A_100 {strides = array<i32>} : memref<1x4x196x768xf32, #tpu.memory_space<vmem>>, vector<1x1x196x96xf32>,
    %sub3A_101 = arith.subf %add3A_93, %get3A_91 : vector<196x96xf32>
    %sub3A_102 = arith.subf %add3A_93, %get3A_91 : vector<196x96xf32>
    %mul3A_103 = arith.mulf %sub3A_101, %sub3A_102 : vector<196x96xf32>
    %swap3A_104 = arith.constant 0 : index
    %swap3A_105 = arith.constant 3 : index
    %swap3A_106 = arith.constant 0 : index
    %swap3A_107 = arith.constant 0 : index
    %swap3A_108 = vector.load %arg6[%swap3A_104, %swap3A_105, %swap3A_106, %swap3A_107] : memref<1x4x196x768xf32, #tpu.memory_space<vmem>>, vector<1x1x196x96xf32>
    %swap3A_109 = vector.shape_cast %swap3A_108 : vector<1x1x196x96xf32> to vector<196x96xf32>
    %swap3A_110 = vector.shape_cast %mul3A_103 : vector<196x96xf32> to vector<1x1x196x96xf32>
    tpu.vector_store %arg6[%swap3A_104, %swap3A_105, %swap3A_106, %swap3A_107], %swap3A_110 {strides = array<i32>} : memref<1x4x196x768xf32, #tpu.memory_space<vmem>>, vector<1x1x196x96xf32>,
    %get3A_111 = arith.constant 0 : index
    %get3A_112 = arith.constant 0 : index
    %get3A_113 = arith.constant 0 : index
    %get3A_114 = vector.load %arg3[%get3A_111, %get3A_112, %get3A_113] : memref<4x1x784xi32, #tpu.memory_space<vmem>>, vector<1x1x784xi32>
    %get3A_115 = vector.shape_cast %get3A_114 : vector<1x1x784xi32> to vector<1x784xi32>
    %slice3A = vector.extract_strided_slice %get3A_115 {offsets = [0, 0], sizes = [1, 196], strides = [1, 1]} : vector<1x784xi32> to vector<1x196xi32>
    %slice3A_116 = vector.extract_strided_slice %get3A_115 {offsets = [0, 196], sizes = [1, 196], strides = [1, 1]} : vector<1x784xi32> to vector<1x196xi32>
    %slice3A_117 = vector.extract_strided_slice %get3A_115 {offsets = [0, 392], sizes = [1, 196], strides = [1, 1]} : vector<1x784xi32> to vector<1x196xi32>
    %slice3A_118 = vector.extract_strided_slice %get3A_115 {offsets = [0, 588], sizes = [1, 196], strides = [1, 1]} : vector<1x784xi32> to vector<1x196xi32>
    %concatenate3A = tpu.concatenate %slice3A, %slice3A_116, %slice3A_117, %slice3A_118 in 0 : vector<1x196xi32>, vector<1x196xi32>, vector<1x196xi32>, vector<1x196xi32> -> vector<4x196xi32>
    %swap3A_119 = arith.constant 0 : index
    %swap3A_120 = arith.constant 0 : index
    %swap3A_121 = arith.constant 0 : index
    %swap3A_122 = vector.load %arg7[%swap3A_119, %swap3A_120, %swap3A_121] : memref<8x4x196xi32, #tpu.memory_space<vmem>>, vector<1x4x196xi32>
    %swap3A_123 = vector.shape_cast %swap3A_122 : vector<1x4x196xi32> to vector<4x196xi32>
    %swap3A_124 = vector.shape_cast %concatenate3A : vector<4x196xi32> to vector<1x4x196xi32>
    tpu.vector_store %arg7[%swap3A_119, %swap3A_120, %swap3A_121], %swap3A_124 {strides = array<i32>} : memref<8x4x196xi32, #tpu.memory_space<vmem>>, vector<1x4x196xi32>,
    %get3A_125 = arith.constant 1 : index
    %get3A_126 = arith.constant 0 : index
    %get3A_127 = arith.constant 0 : index
    %get3A_128 = vector.load %arg1[%get3A_125, %get3A_126, %get3A_127] : memref<4x832x128xf32, #tpu.memory_space<vmem>>, vector<1x196x96xf32>
    %get3A_129 = vector.shape_cast %get3A_128 : vector<1x196x96xf32> to vector<196x96xf32>
    %get3A_130 = arith.constant 0 : index
    %get3A_131 = arith.constant 0 : index
    %get3A_132 = arith.constant 96 : index
    %get3A_133 = vector.load %arg0[%get3A_130, %get3A_131, %get3A_132] : memref<4x196x768xf32, #tpu.memory_space<vmem>>, vector<1x196x96xf32>
    %get3A_134 = vector.shape_cast %get3A_133 : vector<1x196x96xf32> to vector<196x96xf32>
    %sub3A_135 = arith.subf %get3A_129, %get3A_134 : vector<196x96xf32>
    %add3A_136 = arith.addf %get3A_134, %sub3A_135 : vector<196x96xf32>
    %swap3A_137 = arith.constant 0 : index
    %swap3A_138 = arith.constant 0 : index
    %swap3A_139 = arith.constant 0 : index
    %swap3A_140 = arith.constant 96 : index
    %swap3A_141 = vector.load %arg5[%swap3A_137, %swap3A_138, %swap3A_139, %swap3A_140] : memref<1x4x196x768xf32, #tpu.memory_space<vmem>>, vector<1x1x196x96xf32>
    %swap3A_142 = vector.shape_cast %swap3A_141 : vector<1x1x196x96xf32> to vector<196x96xf32>
    %swap3A_143 = vector.shape_cast %add3A_136 : vector<196x96xf32> to vector<1x1x196x96xf32>
    tpu.vector_store %arg5[%swap3A_137, %swap3A_138, %swap3A_139, %swap3A_140], %swap3A_143 {strides = array<i32>} : memref<1x4x196x768xf32, #tpu.memory_space<vmem>>, vector<1x1x196x96xf32>,
    %sub3A_144 = arith.subf %add3A_136, %get3A_134 : vector<196x96xf32>
    %sub3A_145 = arith.subf %add3A_136, %get3A_134 : vector<196x96xf32>
    %mul3A_146 = arith.mulf %sub3A_144, %sub3A_145 : vector<196x96xf32>
    %swap3A_147 = arith.constant 0 : index
    %swap3A_148 = arith.constant 0 : index
    %swap3A_149 = arith.constant 0 : index
    %swap3A_150 = arith.constant 96 : index
    %swap3A_151 = vector.load %arg6[%swap3A_147, %swap3A_148, %swap3A_149, %swap3A_150] : memref<1x4x196x768xf32, #tpu.memory_space<vmem>>, vector<1x1x196x96xf32>
    %swap3A_152 = vector.shape_cast %swap3A_151 : vector<1x1x196x96xf32> to vector<196x96xf32>
    %swap3A_153 = vector.shape_cast %mul3A_146 : vector<196x96xf32> to vector<1x1x196x96xf32>
    tpu.vector_store %arg6[%swap3A_147, %swap3A_148, %swap3A_149, %swap3A_150], %swap3A_153 {strides = array<i32>} : memref<1x4x196x768xf32, #tpu.memory_space<vmem>>, vector<1x1x196x96xf32>,
    %get3A_154 = arith.constant 1 : index
    %get3A_155 = arith.constant 196 : index
    %get3A_156 = arith.constant 0 : index
    %get3A_157 = vector.load %arg1[%get3A_154, %get3A_155, %get3A_156] : memref<4x832x128xf32, #tpu.memory_space<vmem>>, vector<1x196x96xf32>
    %get3A_158 = vector.shape_cast %get3A_157 : vector<1x196x96xf32> to vector<196x96xf32>
    %get3A_159 = arith.constant 1 : index
    %get3A_160 = arith.constant 0 : index
    %get3A_161 = arith.constant 96 : index
    %get3A_162 = vector.load %arg0[%get3A_159, %get3A_160, %get3A_161] : memref<4x196x768xf32, #tpu.memory_space<vmem>>, vector<1x196x96xf32>
    %get3A_163 = vector.shape_cast %get3A_162 : vector<1x196x96xf32> to vector<196x96xf32>
    %sub3A_164 = arith.subf %get3A_158, %get3A_163 : vector<196x96xf32>
    %add3A_165 = arith.addf %get3A_163, %sub3A_164 : vector<196x96xf32>
    %swap3A_166 = arith.constant 0 : index
    %swap3A_167 = arith.constant 1 : index
    %swap3A_168 = arith.constant 0 : index
    %swap3A_169 = arith.constant 96 : index
    %swap3A_170 = vector.load %arg5[%swap3A_166, %swap3A_167, %swap3A_168, %swap3A_169] : memref<1x4x196x768xf32, #tpu.memory_space<vmem>>, vector<1x1x196x96xf32>
    %swap3A_171 = vector.shape_cast %swap3A_170 : vector<1x1x196x96xf32> to vector<196x96xf32>
    %swap3A_172 = vector.shape_cast %add3A_165 : vector<196x96xf32> to vector<1x1x196x96xf32>
    tpu.vector_store %arg5[%swap3A_166, %swap3A_167, %swap3A_168, %swap3A_169], %swap3A_172 {strides = array<i32>} : memref<1x4x196x768xf32, #tpu.memory_space<vmem>>, vector<1x1x196x96xf32>,
    %sub3A_173 = arith.subf %add3A_165, %get3A_163 : vector<196x96xf32>
    %sub3A_174 = arith.subf %add3A_165, %get3A_163 : vector<196x96xf32>
    %mul3A_175 = arith.mulf %sub3A_173, %sub3A_174 : vector<196x96xf32>
    %swap3A_176 = arith.constant 0 : index
    %swap3A_177 = arith.constant 1 : index
    %swap3A_178 = arith.constant 0 : index
    %swap3A_179 = arith.constant 96 : index
    %swap3A_180 = vector.load %arg6[%swap3A_176, %swap3A_177, %swap3A_178, %swap3A_179] : memref<1x4x196x768xf32, #tpu.memory_space<vmem>>, vector<1x1x196x96xf32>
    %swap3A_181 = vector.shape_cast %swap3A_180 : vector<1x1x196x96xf32> to vector<196x96xf32>
    %swap3A_182 = vector.shape_cast %mul3A_175 : vector<196x96xf32> to vector<1x1x196x96xf32>
    tpu.vector_store %arg6[%swap3A_176, %swap3A_177, %swap3A_178, %swap3A_179], %swap3A_182 {strides = array<i32>} : memref<1x4x196x768xf32, #tpu.memory_space<vmem>>, vector<1x1x196x96xf32>,
    %get3A_183 = arith.constant 1 : index
    %get3A_184 = arith.constant 392 : index
    %get3A_185 = arith.constant 0 : index
    %get3A_186 = vector.load %arg1[%get3A_183, %get3A_184, %get3A_185] : memref<4x832x128xf32, #tpu.memory_space<vmem>>, vector<1x196x96xf32>
    %get3A_187 = vector.shape_cast %get3A_186 : vector<1x196x96xf32> to vector<196x96xf32>
    %get3A_188 = arith.constant 2 : index
    %get3A_189 = arith.constant 0 : index
    %get3A_190 = arith.constant 96 : index
    %get3A_191 = vector.load %arg0[%get3A_188, %get3A_189, %get3A_190] : memref<4x196x768xf32, #tpu.memory_space<vmem>>, vector<1x196x96xf32>
    %get3A_192 = vector.shape_cast %get3A_191 : vector<1x196x96xf32> to vector<196x96xf32>
    %sub3A_193 = arith.subf %get3A_187, %get3A_192 : vector<196x96xf32>
    %add3A_194 = arith.addf %get3A_192, %sub3A_193 : vector<196x96xf32>
    %swap3A_195 = arith.constant 0 : index
    %swap3A_196 = arith.constant 2 : index
    %swap3A_197 = arith.constant 0 : index
    %swap3A_198 = arith.constant 96 : index
    %swap3A_199 = vector.load %arg5[%swap3A_195, %swap3A_196, %swap3A_197, %swap3A_198] : memref<1x4x196x768xf32, #tpu.memory_space<vmem>>, vector<1x1x196x96xf32>
    %swap3A_200 = vector.shape_cast %swap3A_199 : vector<1x1x196x96xf32> to vector<196x96xf32>
    %swap3A_201 = vector.shape_cast %add3A_194 : vector<196x96xf32> to vector<1x1x196x96xf32>
    tpu.vector_store %arg5[%swap3A_195, %swap3A_196, %swap3A_197, %swap3A_198], %swap3A_201 {strides = array<i32>} : memref<1x4x196x768xf32, #tpu.memory_space<vmem>>, vector<1x1x196x96xf32>,
    %sub3A_202 = arith.subf %add3A_194, %get3A_192 : vector<196x96xf32>
    %sub3A_203 = arith.subf %add3A_194, %get3A_192 : vector<196x96xf32>
    %mul3A_204 = arith.mulf %sub3A_202, %sub3A_203 : vector<196x96xf32>
    %swap3A_205 = arith.constant 0 : index
    %swap3A_206 = arith.constant 2 : index
    %swap3A_207 = arith.constant 0 : index
    %swap3A_208 = arith.constant 96 : index
    %swap3A_209 = vector.load %arg6[%swap3A_205, %swap3A_206, %swap3A_207, %swap3A_208] : memref<1x4x196x768xf32, #tpu.memory_space<vmem>>, vector<1x1x196x96xf32>
    %swap3A_210 = vector.shape_cast %swap3A_209 : vector<1x1x196x96xf32> to vector<196x96xf32>
    %swap3A_211 = vector.shape_cast %mul3A_204 : vector<196x96xf32> to vector<1x1x196x96xf32>
    tpu.vector_store %arg6[%swap3A_205, %swap3A_206, %swap3A_207, %swap3A_208], %swap3A_211 {strides = array<i32>} : memref<1x4x196x768xf32, #tpu.memory_space<vmem>>, vector<1x1x196x96xf32>,
    %get3A_212 = arith.constant 1 : index
    %get3A_213 = arith.constant 588 : index
    %get3A_214 = arith.constant 0 : index
    %get3A_215 = vector.load %arg1[%get3A_212, %get3A_213, %get3A_214] : memref<4x832x128xf32, #tpu.memory_space<vmem>>, vector<1x196x96xf32>
    %get3A_216 = vector.shape_cast %get3A_215 : vector<1x196x96xf32> to vector<196x96xf32>
    %get3A_217 = arith.constant 3 : index
    %get3A_218 = arith.constant 0 : index
    %get3A_219 = arith.constant 96 : index
    %get3A_220 = vector.load %arg0[%get3A_217, %get3A_218, %get3A_219] : memref<4x196x768xf32, #tpu.memory_space<vmem>>, vector<1x196x96xf32>
    %get3A_221 = vector.shape_cast %get3A_220 : vector<1x196x96xf32> to vector<196x96xf32>
    %sub3A_222 = arith.subf %get3A_216, %get3A_221 : vector<196x96xf32>
    %add3A_223 = arith.addf %get3A_221, %sub3A_222 : vector<196x96xf32>
    %swap3A_224 = arith.constant 0 : index
    %swap3A_225 = arith.constant 3 : index
    %swap3A_226 = arith.constant 0 : index
    %swap3A_227 = arith.constant 96 : index
    %swap3A_228 = vector.load %arg5[%swap3A_224, %swap3A_225, %swap3A_226, %swap3A_227] : memref<1x4x196x768xf32, #tpu.memory_space<vmem>>, vector<1x1x196x96xf32>
    %swap3A_229 = vector.shape_cast %swap3A_228 : vector<1x1x196x96xf32> to vector<196x96xf32>
    %swap3A_230 = vector.shape_cast %add3A_223 : vector<196x96xf32> to vector<1x1x196x96xf32>
    tpu.vector_store %arg5[%swap3A_224, %swap3A_225, %swap3A_226, %swap3A_227], %swap3A_230 {strides = array<i32>} : memref<1x4x196x768xf32, #tpu.memory_space<vmem>>, vector<1x1x196x96xf32>,
    %sub3A_231 = arith.subf %add3A_223, %get3A_221 : vector<196x96xf32>
    %sub3A_232 = arith.subf %add3A_223, %get3A_221 : vector<196x96xf32>
    %mul3A_233 = arith.mulf %sub3A_231, %sub3A_232 : vector<196x96xf32>
    %swap3A_234 = arith.constant 0 : index
    %swap3A_235 = arith.constant 3 : index
    %swap3A_236 = arith.constant 0 : index
    %swap3A_237 = arith.constant 96 : index
    %swap3A_238 = vector.load %arg6[%swap3A_234, %swap3A_235, %swap3A_236, %swap3A_237] : memref<1x4x196x768xf32, #tpu.memory_space<vmem>>, vector<1x1x196x96xf32>
    %swap3A_239 = vector.shape_cast %swap3A_238 : vector<1x1x196x96xf32> to vector<196x96xf32>
    %swap3A_240 = vector.shape_cast %mul3A_233 : vector<196x96xf32> to vector<1x1x196x96xf32>
    tpu.vector_store %arg6[%swap3A_234, %swap3A_235, %swap3A_236, %swap3A_237], %swap3A_240 {strides = array<i32>} : memref<1x4x196x768xf32, #tpu.memory_space<vmem>>, vector<1x1x196x96xf32>,
    %get3A_241 = arith.constant 1 : index
    %get3A_242 = arith.constant 0 : index
    %get3A_243 = arith.constant 0 : index
    %get3A_244 = vector.load %arg3[%get3A_241, %get3A_242, %get3A_243] : memref<4x1x784xi32, #tpu.memory_space<vmem>>, vector<1x1x784xi32>
    %get3A_245 = vector.shape_cast %get3A_244 : vector<1x1x784xi32> to vector<1x784xi32>
    %slice3A_246 = vector.extract_strided_slice %get3A_245 {offsets = [0, 0], sizes = [1, 196], strides = [1, 1]} : vector<1x784xi32> to vector<1x196xi32>
    %slice3A_247 = vector.extract_strided_slice %get3A_245 {offsets = [0, 196], sizes = [1, 196], strides = [1, 1]} : vector<1x784xi32> to vector<1x196xi32>
    %slice3A_248 = vector.extract_strided_slice %get3A_245 {offsets = [0, 392], sizes = [1, 196], strides = [1, 1]} : vector<1x784xi32> to vector<1x196xi32>
    %slice3A_249 = vector.extract_strided_slice %get3A_245 {offsets = [0, 588], sizes = [1, 196], strides = [1, 1]} : vector<1x784xi32> to vector<1x196xi32>
    %concatenate3A_250 = tpu.concatenate %slice3A_246, %slice3A_247, %slice3A_248, %slice3A_249 in 0 : vector<1x196xi32>, vector<1x196xi32>, vector<1x196xi32>, vector<1x196xi32> -> vector<4x196xi32>
    %swap3A_251 = arith.constant 1 : index
    %swap3A_252 = arith.constant 0 : index
    %swap3A_253 = arith.constant 0 : index
    %swap3A_254 = vector.load %arg7[%swap3A_251, %swap3A_252, %swap3A_253] : memref<8x4x196xi32, #tpu.memory_space<vmem>>, vector<1x4x196xi32>
    %swap3A_255 = vector.shape_cast %swap3A_254 : vector<1x4x196xi32> to vector<4x196xi32>
    %swap3A_256 = vector.shape_cast %concatenate3A_250 : vector<4x196xi32> to vector<1x4x196xi32>
    tpu.vector_store %arg7[%swap3A_251, %swap3A_252, %swap3A_253], %swap3A_256 {strides = array<i32>} : memref<8x4x196xi32, #tpu.memory_space<vmem>>, vector<1x4x196xi32>,
    %get3A_257 = arith.constant 2 : index
    %get3A_258 = arith.constant 0 : index
    %get3A_259 = arith.constant 0 : index
    %get3A_260 = vector.load %arg1[%get3A_257, %get3A_258, %get3A_259] : memref<4x832x128xf32, #tpu.memory_space<vmem>>, vector<1x196x96xf32>
    %get3A_261 = vector.shape_cast %get3A_260 : vector<1x196x96xf32> to vector<196x96xf32>
    %get3A_262 = arith.constant 0 : index
    %get3A_263 = arith.constant 0 : index
    %get3A_264 = arith.constant 192 : index
    %get3A_265 = vector.load %arg0[%get3A_262, %get3A_263, %get3A_264] : memref<4x196x768xf32, #tpu.memory_space<vmem>>, vector<1x196x96xf32>
    %get3A_266 = vector.shape_cast %get3A_265 : vector<1x196x96xf32> to vector<196x96xf32>
    %sub3A_267 = arith.subf %get3A_261, %get3A_266 : vector<196x96xf32>
    %add3A_268 = arith.addf %get3A_266, %sub3A_267 : vector<196x96xf32>
    %swap3A_269 = arith.constant 0 : index
    %swap3A_270 = arith.constant 0 : index
    %swap3A_271 = arith.constant 0 : index
    %swap3A_272 = arith.constant 192 : index
    %swap3A_273 = vector.load %arg5[%swap3A_269, %swap3A_270, %swap3A_271, %swap3A_272] : memref<1x4x196x768xf32, #tpu.memory_space<vmem>>, vector<1x1x196x96xf32>
    %swap3A_274 = vector.shape_cast %swap3A_273 : vector<1x1x196x96xf32> to vector<196x96xf32>
    %swap3A_275 = vector.shape_cast %add3A_268 : vector<196x96xf32> to vector<1x1x196x96xf32>
    tpu.vector_store %arg5[%swap3A_269, %swap3A_270, %swap3A_271, %swap3A_272], %swap3A_275 {strides = array<i32>} : memref<1x4x196x768xf32, #tpu.memory_space<vmem>>, vector<1x1x196x96xf32>,
    %sub3A_276 = arith.subf %add3A_268, %get3A_266 : vector<196x96xf32>
    %sub3A_277 = arith.subf %add3A_268, %get3A_266 : vector<196x96xf32>
    %mul3A_278 = arith.mulf %sub3A_276, %sub3A_277 : vector<196x96xf32>
    %swap3A_279 = arith.constant 0 : index
    %swap3A_280 = arith.constant 0 : index
    %swap3A_281 = arith.constant 0 : index
    %swap3A_282 = arith.constant 192 : index
    %swap3A_283 = vector.load %arg6[%swap3A_279, %swap3A_280, %swap3A_281, %swap3A_282] : memref<1x4x196x768xf32, #tpu.memory_space<vmem>>, vector<1x1x196x96xf32>
    %swap3A_284 = vector.shape_cast %swap3A_283 : vector<1x1x196x96xf32> to vector<196x96xf32>
    %swap3A_285 = vector.shape_cast %mul3A_278 : vector<196x96xf32> to vector<1x1x196x96xf32>
    tpu.vector_store %arg6[%swap3A_279, %swap3A_280, %swap3A_281, %swap3A_282], %swap3A_285 {strides = array<i32>} : memref<1x4x196x768xf32, #tpu.memory_space<vmem>>, vector<1x1x196x96xf32>,
    %get3A_286 = arith.constant 2 : index
    %get3A_287 = arith.constant 196 : index
    %get3A_288 = arith.constant 0 : index
    %get3A_289 = vector.load %arg1[%get3A_286, %get3A_287, %get3A_288] : memref<4x832x128xf32, #tpu.memory_space<vmem>>, vector<1x196x96xf32>
    %get3A_290 = vector.shape_cast %get3A_289 : vector<1x196x96xf32> to vector<196x96xf32>
    %get3A_291 = arith.constant 1 : index
    %get3A_292 = arith.constant 0 : index
    %get3A_293 = arith.constant 192 : index
    %get3A_294 = vector.load %arg0[%get3A_291, %get3A_292, %get3A_293] : memref<4x196x768xf32, #tpu.memory_space<vmem>>, vector<1x196x96xf32>
    %get3A_295 = vector.shape_cast %get3A_294 : vector<1x196x96xf32> to vector<196x96xf32>
    %sub3A_296 = arith.subf %get3A_290, %get3A_295 : vector<196x96xf32>
    %add3A_297 = arith.addf %get3A_295, %sub3A_296 : vector<196x96xf32>
    %swap3A_298 = arith.constant 0 : index
    %swap3A_299 = arith.constant 1 : index
    %swap3A_300 = arith.constant 0 : index
    %swap3A_301 = arith.constant 192 : index
    %swap3A_302 = vector.load %arg5[%swap3A_298, %swap3A_299, %swap3A_300, %swap3A_301] : memref<1x4x196x768xf32, #tpu.memory_space<vmem>>, vector<1x1x196x96xf32>
    %swap3A_303 = vector.shape_cast %swap3A_302 : vector<1x1x196x96xf32> to vector<196x96xf32>
    %swap3A_304 = vector.shape_cast %add3A_297 : vector<196x96xf32> to vector<1x1x196x96xf32>
    tpu.vector_store %arg5[%swap3A_298, %swap3A_299, %swap3A_300, %swap3A_301], %swap3A_304 {strides = array<i32>} : memref<1x4x196x768xf32, #tpu.memory_space<vmem>>, vector<1x1x196x96xf32>,
    %sub3A_305 = arith.subf %add3A_297, %get3A_295 : vector<196x96xf32>
    %sub3A_306 = arith.subf %add3A_297, %get3A_295 : vector<196x96xf32>
    %mul3A_307 = arith.mulf %sub3A_305, %sub3A_306 : vector<196x96xf32>
    %swap3A_308 = arith.constant 0 : index
    %swap3A_309 = arith.constant 1 : index
    %swap3A_310 = arith.constant 0 : index
    %swap3A_311 = arith.constant 192 : index
    %swap3A_312 = vector.load %arg6[%swap3A_308, %swap3A_309, %swap3A_310, %swap3A_311] : memref<1x4x196x768xf32, #tpu.memory_space<vmem>>, vector<1x1x196x96xf32>
    %swap3A_313 = vector.shape_cast %swap3A_312 : vector<1x1x196x96xf32> to vector<196x96xf32>
    %swap3A_314 = vector.shape_cast %mul3A_307 : vector<196x96xf32> to vector<1x1x196x96xf32>
    tpu.vector_store %arg6[%swap3A_308, %swap3A_309, %swap3A_310, %swap3A_311], %swap3A_314 {strides = array<i32>} : memref<1x4x196x768xf32, #tpu.memory_space<vmem>>, vector<1x1x196x96xf32>,
    %get3A_315 = arith.constant 2 : index
    %get3A_316 = arith.constant 392 : index
    %get3A_317 = arith.constant 0 : index
    %get3A_318 = vector.load %arg1[%get3A_315, %get3A_316, %get3A_317] : memref<4x832x128xf32, #tpu.memory_space<vmem>>, vector<1x196x96xf32>
    %get3A_319 = vector.shape_cast %get3A_318 : vector<1x196x96xf32> to vector<196x96xf32>
    %get3A_320 = arith.constant 2 : index
    %get3A_321 = arith.constant 0 : index
    %get3A_322 = arith.constant 192 : index
    %get3A_323 = vector.load %arg0[%get3A_320, %get3A_321, %get3A_322] : memref<4x196x768xf32, #tpu.memory_space<vmem>>, vector<1x196x96xf32>
    %get3A_324 = vector.shape_cast %get3A_323 : vector<1x196x96xf32> to vector<196x96xf32>
    %sub3A_325 = arith.subf %get3A_319, %get3A_324 : vector<196x96xf32>
    %add3A_326 = arith.addf %get3A_324, %sub3A_325 : vector<196x96xf32>
    %swap3A_327 = arith.constant 0 : index
    %swap3A_328 = arith.constant 2 : index
    %swap3A_329 = arith.constant 0 : index
    %swap3A_330 = arith.constant 192 : index
    %swap3A_331 = vector.load %arg5[%swap3A_327, %swap3A_328, %swap3A_329, %swap3A_330] : memref<1x4x196x768xf32, #tpu.memory_space<vmem>>, vector<1x1x196x96xf32>
    %swap3A_332 = vector.shape_cast %swap3A_331 : vector<1x1x196x96xf32> to vector<196x96xf32>
    %swap3A_333 = vector.shape_cast %add3A_326 : vector<196x96xf32> to vector<1x1x196x96xf32>
    tpu.vector_store %arg5[%swap3A_327, %swap3A_328, %swap3A_329, %swap3A_330], %swap3A_333 {strides = array<i32>} : memref<1x4x196x768xf32, #tpu.memory_space<vmem>>, vector<1x1x196x96xf32>,
    %sub3A_334 = arith.subf %add3A_326, %get3A_324 : vector<196x96xf32>
    %sub3A_335 = arith.subf %add3A_326, %get3A_324 : vector<196x96xf32>
    %mul3A_336 = arith.mulf %sub3A_334, %sub3A_335 : vector<196x96xf32>
    %swap3A_337 = arith.constant 0 : index
    %swap3A_338 = arith.constant 2 : index
    %swap3A_339 = arith.constant 0 : index
    %swap3A_340 = arith.constant 192 : index
    %swap3A_341 = vector.load %arg6[%swap3A_337, %swap3A_338, %swap3A_339, %swap3A_340] : memref<1x4x196x768xf32, #tpu.memory_space<vmem>>, vector<1x1x196x96xf32>
    %swap3A_342 = vector.shape_cast %swap3A_341 : vector<1x1x196x96xf32> to vector<196x96xf32>
    %swap3A_343 = vector.shape_cast %mul3A_336 : vector<196x96xf32> to vector<1x1x196x96xf32>
    tpu.vector_store %arg6[%swap3A_337, %swap3A_338, %swap3A_339, %swap3A_340], %swap3A_343 {strides = array<i32>} : memref<1x4x196x768xf32, #tpu.memory_space<vmem>>, vector<1x1x196x96xf32>,
    %get3A_344 = arith.constant 2 : index
    %get3A_345 = arith.constant 588 : index
    %get3A_346 = arith.constant 0 : index
    %get3A_347 = vector.load %arg1[%get3A_344, %get3A_345, %get3A_346] : memref<4x832x128xf32, #tpu.memory_space<vmem>>, vector<1x196x96xf32>
    %get3A_348 = vector.shape_cast %get3A_347 : vector<1x196x96xf32> to vector<196x96xf32>
    %get3A_349 = arith.constant 3 : index
    %get3A_350 = arith.constant 0 : index
    %get3A_351 = arith.constant 192 : index
    %get3A_352 = vector.load %arg0[%get3A_349, %get3A_350, %get3A_351] : memref<4x196x768xf32, #tpu.memory_space<vmem>>, vector<1x196x96xf32>
    %get3A_353 = vector.shape_cast %get3A_352 : vector<1x196x96xf32> to vector<196x96xf32>
    %sub3A_354 = arith.subf %get3A_348, %get3A_353 : vector<196x96xf32>
    %add3A_355 = arith.addf %get3A_353, %sub3A_354 : vector<196x96xf32>
    %swap3A_356 = arith.constant 0 : index
    %swap3A_357 = arith.constant 3 : index
    %swap3A_358 = arith.constant 0 : index
    %swap3A_359 = arith.constant 192 : index
    %swap3A_360 = vector.load %arg5[%swap3A_356, %swap3A_357, %swap3A_358, %swap3A_359] : memref<1x4x196x768xf32, #tpu.memory_space<vmem>>, vector<1x1x196x96xf32>
    %swap3A_361 = vector.shape_cast %swap3A_360 : vector<1x1x196x96xf32> to vector<196x96xf32>
    %swap3A_362 = vector.shape_cast %add3A_355 : vector<196x96xf32> to vector<1x1x196x96xf32>
    tpu.vector_store %arg5[%swap3A_356, %swap3A_357, %swap3A_358, %swap3A_359], %swap3A_362 {strides = array<i32>} : memref<1x4x196x768xf32, #tpu.memory_space<vmem>>, vector<1x1x196x96xf32>,
    %sub3A_363 = arith.subf %add3A_355, %get3A_353 : vector<196x96xf32>
    %sub3A_364 = arith.subf %add3A_355, %get3A_353 : vector<196x96xf32>
    %mul3A_365 = arith.mulf %sub3A_363, %sub3A_364 : vector<196x96xf32>
    %swap3A_366 = arith.constant 0 : index
    %swap3A_367 = arith.constant 3 : index
    %swap3A_368 = arith.constant 0 : index
    %swap3A_369 = arith.constant 192 : index
    %swap3A_370 = vector.load %arg6[%swap3A_366, %swap3A_367, %swap3A_368, %swap3A_369] : memref<1x4x196x768xf32, #tpu.memory_space<vmem>>, vector<1x1x196x96xf32>
    %swap3A_371 = vector.shape_cast %swap3A_370 : vector<1x1x196x96xf32> to vector<196x96xf32>
    %swap3A_372 = vector.shape_cast %mul3A_365 : vector<196x96xf32> to vector<1x1x196x96xf32>
    tpu.vector_store %arg6[%swap3A_366, %swap3A_367, %swap3A_368, %swap3A_369], %swap3A_372 {strides = array<i32>} : memref<1x4x196x768xf32, #tpu.memory_space<vmem>>, vector<1x1x196x96xf32>,
    %get3A_373 = arith.constant 2 : index
    %get3A_374 = arith.constant 0 : index
    %get3A_375 = arith.constant 0 : index
    %get3A_376 = vector.load %arg3[%get3A_373, %get3A_374, %get3A_375] : memref<4x1x784xi32, #tpu.memory_space<vmem>>, vector<1x1x784xi32>
    %get3A_377 = vector.shape_cast %get3A_376 : vector<1x1x784xi32> to vector<1x784xi32>
    %slice3A_378 = vector.extract_strided_slice %get3A_377 {offsets = [0, 0], sizes = [1, 196], strides = [1, 1]} : vector<1x784xi32> to vector<1x196xi32>
    %slice3A_379 = vector.extract_strided_slice %get3A_377 {offsets = [0, 196], sizes = [1, 196], strides = [1, 1]} : vector<1x784xi32> to vector<1x196xi32>
    %slice3A_380 = vector.extract_strided_slice %get3A_377 {offsets = [0, 392], sizes = [1, 196], strides = [1, 1]} : vector<1x784xi32> to vector<1x196xi32>
    %slice3A_381 = vector.extract_strided_slice %get3A_377 {offsets = [0, 588], sizes = [1, 196], strides = [1, 1]} : vector<1x784xi32> to vector<1x196xi32>
    %concatenate3A_382 = tpu.concatenate %slice3A_378, %slice3A_379, %slice3A_380, %slice3A_381 in 0 : vector<1x196xi32>, vector<1x196xi32>, vector<1x196xi32>, vector<1x196xi32> -> vector<4x196xi32>
    %swap3A_383 = arith.constant 2 : index
    %swap3A_384 = arith.constant 0 : index
    %swap3A_385 = arith.constant 0 : index
    %swap3A_386 = vector.load %arg7[%swap3A_383, %swap3A_384, %swap3A_385] : memref<8x4x196xi32, #tpu.memory_space<vmem>>, vector<1x4x196xi32>
    %swap3A_387 = vector.shape_cast %swap3A_386 : vector<1x4x196xi32> to vector<4x196xi32>
    %swap3A_388 = vector.shape_cast %concatenate3A_382 : vector<4x196xi32> to vector<1x4x196xi32>
    tpu.vector_store %arg7[%swap3A_383, %swap3A_384, %swap3A_385], %swap3A_388 {strides = array<i32>} : memref<8x4x196xi32, #tpu.memory_space<vmem>>, vector<1x4x196xi32>,
    %get3A_389 = arith.constant 3 : index
    %get3A_390 = arith.constant 0 : index
    %get3A_391 = arith.constant 0 : index
    %get3A_392 = vector.load %arg1[%get3A_389, %get3A_390, %get3A_391] : memref<4x832x128xf32, #tpu.memory_space<vmem>>, vector<1x196x96xf32>
    %get3A_393 = vector.shape_cast %get3A_392 : vector<1x196x96xf32> to vector<196x96xf32>
    %get3A_394 = arith.constant 0 : index
    %get3A_395 = arith.constant 0 : index
    %get3A_396 = arith.constant 288 : index
    %get3A_397 = vector.load %arg0[%get3A_394, %get3A_395, %get3A_396] : memref<4x196x768xf32, #tpu.memory_space<vmem>>, vector<1x196x96xf32>
    %get3A_398 = vector.shape_cast %get3A_397 : vector<1x196x96xf32> to vector<196x96xf32>
    %sub3A_399 = arith.subf %get3A_393, %get3A_398 : vector<196x96xf32>
    %add3A_400 = arith.addf %get3A_398, %sub3A_399 : vector<196x96xf32>
    %swap3A_401 = arith.constant 0 : index
    %swap3A_402 = arith.constant 0 : index
    %swap3A_403 = arith.constant 0 : index
    %swap3A_404 = arith.constant 288 : index
    %swap3A_405 = vector.load %arg5[%swap3A_401, %swap3A_402, %swap3A_403, %swap3A_404] : memref<1x4x196x768xf32, #tpu.memory_space<vmem>>, vector<1x1x196x96xf32>
    %swap3A_406 = vector.shape_cast %swap3A_405 : vector<1x1x196x96xf32> to vector<196x96xf32>
    %swap3A_407 = vector.shape_cast %add3A_400 : vector<196x96xf32> to vector<1x1x196x96xf32>
    tpu.vector_store %arg5[%swap3A_401, %swap3A_402, %swap3A_403, %swap3A_404], %swap3A_407 {strides = array<i32>} : memref<1x4x196x768xf32, #tpu.memory_space<vmem>>, vector<1x1x196x96xf32>,
    %sub3A_408 = arith.subf %add3A_400, %get3A_398 : vector<196x96xf32>
    %sub3A_409 = arith.subf %add3A_400, %get3A_398 : vector<196x96xf32>
    %mul3A_410 = arith.mulf %sub3A_408, %sub3A_409 : vector<196x96xf32>
    %swap3A_411 = arith.constant 0 : index
    %swap3A_412 = arith.constant 0 : index
    %swap3A_413 = arith.constant 0 : index
    %swap3A_414 = arith.constant 288 : index
    %swap3A_415 = vector.load %arg6[%swap3A_411, %swap3A_412, %swap3A_413, %swap3A_414] : memref<1x4x196x768xf32, #tpu.memory_space<vmem>>, vector<1x1x196x96xf32>
    %swap3A_416 = vector.shape_cast %swap3A_415 : vector<1x1x196x96xf32> to vector<196x96xf32>
    %swap3A_417 = vector.shape_cast %mul3A_410 : vector<196x96xf32> to vector<1x1x196x96xf32>
    tpu.vector_store %arg6[%swap3A_411, %swap3A_412, %swap3A_413, %swap3A_414], %swap3A_417 {strides = array<i32>} : memref<1x4x196x768xf32, #tpu.memory_space<vmem>>, vector<1x1x196x96xf32>,
    %get3A_418 = arith.constant 3 : index
    %get3A_419 = arith.constant 196 : index
    %get3A_420 = arith.constant 0 : index
    %get3A_421 = vector.load %arg1[%get3A_418, %get3A_419, %get3A_420] : memref<4x832x128xf32, #tpu.memory_space<vmem>>, vector<1x196x96xf32>
    %get3A_422 = vector.shape_cast %get3A_421 : vector<1x196x96xf32> to vector<196x96xf32>
    %get3A_423 = arith.constant 1 : index
    %get3A_424 = arith.constant 0 : index
    %get3A_425 = arith.constant 288 : index
    %get3A_426 = vector.load %arg0[%get3A_423, %get3A_424, %get3A_425] : memref<4x196x768xf32, #tpu.memory_space<vmem>>, vector<1x196x96xf32>
    %get3A_427 = vector.shape_cast %get3A_426 : vector<1x196x96xf32> to vector<196x96xf32>
    %sub3A_428 = arith.subf %get3A_422, %get3A_427 : vector<196x96xf32>
    %add3A_429 = arith.addf %get3A_427, %sub3A_428 : vector<196x96xf32>
    %swap3A_430 = arith.constant 0 : index
    %swap3A_431 = arith.constant 1 : index
    %swap3A_432 = arith.constant 0 : index
    %swap3A_433 = arith.constant 288 : index
    %swap3A_434 = vector.load %arg5[%swap3A_430, %swap3A_431, %swap3A_432, %swap3A_433] : memref<1x4x196x768xf32, #tpu.memory_space<vmem>>, vector<1x1x196x96xf32>
    %swap3A_435 = vector.shape_cast %swap3A_434 : vector<1x1x196x96xf32> to vector<196x96xf32>
    %swap3A_436 = vector.shape_cast %add3A_429 : vector<196x96xf32> to vector<1x1x196x96xf32>
    tpu.vector_store %arg5[%swap3A_430, %swap3A_431, %swap3A_432, %swap3A_433], %swap3A_436 {strides = array<i32>} : memref<1x4x196x768xf32, #tpu.memory_space<vmem>>, vector<1x1x196x96xf32>,
    %sub3A_437 = arith.subf %add3A_429, %get3A_427 : vector<196x96xf32>
    %sub3A_438 = arith.subf %add3A_429, %get3A_427 : vector<196x96xf32>
    %mul3A_439 = arith.mulf %sub3A_437, %sub3A_438 : vector<196x96xf32>
    %swap3A_440 = arith.constant 0 : index
    %swap3A_441 = arith.constant 1 : index
    %swap3A_442 = arith.constant 0 : index
    %swap3A_443 = arith.constant 288 : index
    %swap3A_444 = vector.load %arg6[%swap3A_440, %swap3A_441, %swap3A_442, %swap3A_443] : memref<1x4x196x768xf32, #tpu.memory_space<vmem>>, vector<1x1x196x96xf32>
    %swap3A_445 = vector.shape_cast %swap3A_444 : vector<1x1x196x96xf32> to vector<196x96xf32>
    %swap3A_446 = vector.shape_cast %mul3A_439 : vector<196x96xf32> to vector<1x1x196x96xf32>
    tpu.vector_store %arg6[%swap3A_440, %swap3A_441, %swap3A_442, %swap3A_443], %swap3A_446 {strides = array<i32>} : memref<1x4x196x768xf32, #tpu.memory_space<vmem>>, vector<1x1x196x96xf32>,
    %get3A_447 = arith.constant 3 : index
    %get3A_448 = arith.constant 392 : index
    %get3A_449 = arith.constant 0 : index
    %get3A_450 = vector.load %arg1[%get3A_447, %get3A_448, %get3A_449] : memref<4x832x128xf32, #tpu.memory_space<vmem>>, vector<1x196x96xf32>
    %get3A_451 = vector.shape_cast %get3A_450 : vector<1x196x96xf32> to vector<196x96xf32>
    %get3A_452 = arith.constant 2 : index
    %get3A_453 = arith.constant 0 : index
    %get3A_454 = arith.constant 288 : index
    %get3A_455 = vector.load %arg0[%get3A_452, %get3A_453, %get3A_454] : memref<4x196x768xf32, #tpu.memory_space<vmem>>, vector<1x196x96xf32>
    %get3A_456 = vector.shape_cast %get3A_455 : vector<1x196x96xf32> to vector<196x96xf32>
    %sub3A_457 = arith.subf %get3A_451, %get3A_456 : vector<196x96xf32>
    %add3A_458 = arith.addf %get3A_456, %sub3A_457 : vector<196x96xf32>
    %swap3A_459 = arith.constant 0 : index
    %swap3A_460 = arith.constant 2 : index
    %swap3A_461 = arith.constant 0 : index
    %swap3A_462 = arith.constant 288 : index
    %swap3A_463 = vector.load %arg5[%swap3A_459, %swap3A_460, %swap3A_461, %swap3A_462] : memref<1x4x196x768xf32, #tpu.memory_space<vmem>>, vector<1x1x196x96xf32>
    %swap3A_464 = vector.shape_cast %swap3A_463 : vector<1x1x196x96xf32> to vector<196x96xf32>
    %swap3A_465 = vector.shape_cast %add3A_458 : vector<196x96xf32> to vector<1x1x196x96xf32>
    tpu.vector_store %arg5[%swap3A_459, %swap3A_460, %swap3A_461, %swap3A_462], %swap3A_465 {strides = array<i32>} : memref<1x4x196x768xf32, #tpu.memory_space<vmem>>, vector<1x1x196x96xf32>,
    %sub3A_466 = arith.subf %add3A_458, %get3A_456 : vector<196x96xf32>
    %sub3A_467 = arith.subf %add3A_458, %get3A_456 : vector<196x96xf32>
    %mul3A_468 = arith.mulf %sub3A_466, %sub3A_467 : vector<196x96xf32>
    %swap3A_469 = arith.constant 0 : index
    %swap3A_470 = arith.constant 2 : index
    %swap3A_471 = arith.constant 0 : index
    %swap3A_472 = arith.constant 288 : index
    %swap3A_473 = vector.load %arg6[%swap3A_469, %swap3A_470, %swap3A_471, %swap3A_472] : memref<1x4x196x768xf32, #tpu.memory_space<vmem>>, vector<1x1x196x96xf32>
    %swap3A_474 = vector.shape_cast %swap3A_473 : vector<1x1x196x96xf32> to vector<196x96xf32>
    %swap3A_475 = vector.shape_cast %mul3A_468 : vector<196x96xf32> to vector<1x1x196x96xf32>
    tpu.vector_store %arg6[%swap3A_469, %swap3A_470, %swap3A_471, %swap3A_472], %swap3A_475 {strides = array<i32>} : memref<1x4x196x768xf32, #tpu.memory_space<vmem>>, vector<1x1x196x96xf32>,
    %get3A_476 = arith.constant 3 : index
    %get3A_477 = arith.constant 588 : index
    %get3A_478 = arith.constant 0 : index
    %get3A_479 = vector.load %arg1[%get3A_476, %get3A_477, %get3A_478] : memref<4x832x128xf32, #tpu.memory_space<vmem>>, vector<1x196x96xf32>
    %get3A_480 = vector.shape_cast %get3A_479 : vector<1x196x96xf32> to vector<196x96xf32>
    %get3A_481 = arith.constant 3 : index
    %get3A_482 = arith.constant 0 : index
    %get3A_483 = arith.constant 288 : index
    %get3A_484 = vector.load %arg0[%get3A_481, %get3A_482, %get3A_483] : memref<4x196x768xf32, #tpu.memory_space<vmem>>, vector<1x196x96xf32>
    %get3A_485 = vector.shape_cast %get3A_484 : vector<1x196x96xf32> to vector<196x96xf32>
    %sub3A_486 = arith.subf %get3A_480, %get3A_485 : vector<196x96xf32>
    %add3A_487 = arith.addf %get3A_485, %sub3A_486 : vector<196x96xf32>
    %swap3A_488 = arith.constant 0 : index
    %swap3A_489 = arith.constant 3 : index
    %swap3A_490 = arith.constant 0 : index
    %swap3A_491 = arith.constant 288 : index
    %swap3A_492 = vector.load %arg5[%swap3A_488, %swap3A_489, %swap3A_490, %swap3A_491] : memref<1x4x196x768xf32, #tpu.memory_space<vmem>>, vector<1x1x196x96xf32>
    %swap3A_493 = vector.shape_cast %swap3A_492 : vector<1x1x196x96xf32> to vector<196x96xf32>
    %swap3A_494 = vector.shape_cast %add3A_487 : vector<196x96xf32> to vector<1x1x196x96xf32>
    tpu.vector_store %arg5[%swap3A_488, %swap3A_489, %swap3A_490, %swap3A_491], %swap3A_494 {strides = array<i32>} : memref<1x4x196x768xf32, #tpu.memory_space<vmem>>, vector<1x1x196x96xf32>,
    %sub3A_495 = arith.subf %add3A_487, %get3A_485 : vector<196x96xf32>
    %sub3A_496 = arith.subf %add3A_487, %get3A_485 : vector<196x96xf32>
    %mul3A_497 = arith.mulf %sub3A_495, %sub3A_496 : vector<196x96xf32>
    %swap3A_498 = arith.constant 0 : index
    %swap3A_499 = arith.constant 3 : index
    %swap3A_500 = arith.constant 0 : index
    %swap3A_501 = arith.constant 288 : index
    %swap3A_502 = vector.load %arg6[%swap3A_498, %swap3A_499, %swap3A_500, %swap3A_501] : memref<1x4x196x768xf32, #tpu.memory_space<vmem>>, vector<1x1x196x96xf32>
    %swap3A_503 = vector.shape_cast %swap3A_502 : vector<1x1x196x96xf32> to vector<196x96xf32>
    %swap3A_504 = vector.shape_cast %mul3A_497 : vector<196x96xf32> to vector<1x1x196x96xf32>
    tpu.vector_store %arg6[%swap3A_498, %swap3A_499, %swap3A_500, %swap3A_501], %swap3A_504 {strides = array<i32>} : memref<1x4x196x768xf32, #tpu.memory_space<vmem>>, vector<1x1x196x96xf32>,
    %get3A_505 = arith.constant 3 : index
    %get3A_506 = arith.constant 0 : index
    %get3A_507 = arith.constant 0 : index
    %get3A_508 = vector.load %arg3[%get3A_505, %get3A_506, %get3A_507] : memref<4x1x784xi32, #tpu.memory_space<vmem>>, vector<1x1x784xi32>
    %get3A_509 = vector.shape_cast %get3A_508 : vector<1x1x784xi32> to vector<1x784xi32>
    %slice3A_510 = vector.extract_strided_slice %get3A_509 {offsets = [0, 0], sizes = [1, 196], strides = [1, 1]} : vector<1x784xi32> to vector<1x196xi32>
    %slice3A_511 = vector.extract_strided_slice %get3A_509 {offsets = [0, 196], sizes = [1, 196], strides = [1, 1]} : vector<1x784xi32> to vector<1x196xi32>
    %slice3A_512 = vector.extract_strided_slice %get3A_509 {offsets = [0, 392], sizes = [1, 196], strides = [1, 1]} : vector<1x784xi32> to vector<1x196xi32>
    %slice3A_513 = vector.extract_strided_slice %get3A_509 {offsets = [0, 588], sizes = [1, 196], strides = [1, 1]} : vector<1x784xi32> to vector<1x196xi32>
    %concatenate3A_514 = tpu.concatenate %slice3A_510, %slice3A_511, %slice3A_512, %slice3A_513 in 0 : vector<1x196xi32>, vector<1x196xi32>, vector<1x196xi32>, vector<1x196xi32> -> vector<4x196xi32>
    %swap3A_515 = arith.constant 3 : index
    %swap3A_516 = arith.constant 0 : index
    %swap3A_517 = arith.constant 0 : index
    %swap3A_518 = vector.load %arg7[%swap3A_515, %swap3A_516, %swap3A_517] : memref<8x4x196xi32, #tpu.memory_space<vmem>>, vector<1x4x196xi32>
    %swap3A_519 = vector.shape_cast %swap3A_518 : vector<1x4x196xi32> to vector<4x196xi32>
    %swap3A_520 = vector.shape_cast %concatenate3A_514 : vector<4x196xi32> to vector<1x4x196xi32>
    tpu.vector_store %arg7[%swap3A_515, %swap3A_516, %swap3A_517], %swap3A_520 {strides = array<i32>} : memref<8x4x196xi32, #tpu.memory_space<vmem>>, vector<1x4x196xi32>,
    %get3A_521 = arith.constant 0 : index
    %get3A_522 = arith.constant 0 : index
    %get3A_523 = arith.constant 0 : index
    %get3A_524 = vector.load %arg2[%get3A_521, %get3A_522, %get3A_523] : memref<4x832x128xf32, #tpu.memory_space<vmem>>, vector<1x196x96xf32>
    %get3A_525 = vector.shape_cast %get3A_524 : vector<1x196x96xf32> to vector<196x96xf32>
    %get3A_526 = arith.constant 0 : index
    %get3A_527 = arith.constant 0 : index
    %get3A_528 = arith.constant 384 : index
    %get3A_529 = vector.load %arg0[%get3A_526, %get3A_527, %get3A_528] : memref<4x196x768xf32, #tpu.memory_space<vmem>>, vector<1x196x96xf32>
    %get3A_530 = vector.shape_cast %get3A_529 : vector<1x196x96xf32> to vector<196x96xf32>
    %sub3A_531 = arith.subf %get3A_525, %get3A_530 : vector<196x96xf32>
    %add3A_532 = arith.addf %get3A_530, %sub3A_531 : vector<196x96xf32>
    %swap3A_533 = arith.constant 0 : index
    %swap3A_534 = arith.constant 0 : index
    %swap3A_535 = arith.constant 0 : index
    %swap3A_536 = arith.constant 384 : index
    %swap3A_537 = vector.load %arg5[%swap3A_533, %swap3A_534, %swap3A_535, %swap3A_536] : memref<1x4x196x768xf32, #tpu.memory_space<vmem>>, vector<1x1x196x96xf32>
    %swap3A_538 = vector.shape_cast %swap3A_537 : vector<1x1x196x96xf32> to vector<196x96xf32>
    %swap3A_539 = vector.shape_cast %add3A_532 : vector<196x96xf32> to vector<1x1x196x96xf32>
    tpu.vector_store %arg5[%swap3A_533, %swap3A_534, %swap3A_535, %swap3A_536], %swap3A_539 {strides = array<i32>} : memref<1x4x196x768xf32, #tpu.memory_space<vmem>>, vector<1x1x196x96xf32>,
    %sub3A_540 = arith.subf %add3A_532, %get3A_530 : vector<196x96xf32>
    %sub3A_541 = arith.subf %add3A_532, %get3A_530 : vector<196x96xf32>
    %mul3A_542 = arith.mulf %sub3A_540, %sub3A_541 : vector<196x96xf32>
    %swap3A_543 = arith.constant 0 : index
    %swap3A_544 = arith.constant 0 : index
    %swap3A_545 = arith.constant 0 : index
    %swap3A_546 = arith.constant 384 : index
    %swap3A_547 = vector.load %arg6[%swap3A_543, %swap3A_544, %swap3A_545, %swap3A_546] : memref<1x4x196x768xf32, #tpu.memory_space<vmem>>, vector<1x1x196x96xf32>
    %swap3A_548 = vector.shape_cast %swap3A_547 : vector<1x1x196x96xf32> to vector<196x96xf32>
    %swap3A_549 = vector.shape_cast %mul3A_542 : vector<196x96xf32> to vector<1x1x196x96xf32>
    tpu.vector_store %arg6[%swap3A_543, %swap3A_544, %swap3A_545, %swap3A_546], %swap3A_549 {strides = array<i32>} : memref<1x4x196x768xf32, #tpu.memory_space<vmem>>, vector<1x1x196x96xf32>,
    %get3A_550 = arith.constant 0 : index
    %get3A_551 = arith.constant 196 : index
    %get3A_552 = arith.constant 0 : index
    %get3A_553 = vector.load %arg2[%get3A_550, %get3A_551, %get3A_552] : memref<4x832x128xf32, #tpu.memory_space<vmem>>, vector<1x196x96xf32>
    %get3A_554 = vector.shape_cast %get3A_553 : vector<1x196x96xf32> to vector<196x96xf32>
    %get3A_555 = arith.constant 1 : index
    %get3A_556 = arith.constant 0 : index
    %get3A_557 = arith.constant 384 : index
    %get3A_558 = vector.load %arg0[%get3A_555, %get3A_556, %get3A_557] : memref<4x196x768xf32, #tpu.memory_space<vmem>>, vector<1x196x96xf32>
    %get3A_559 = vector.shape_cast %get3A_558 : vector<1x196x96xf32> to vector<196x96xf32>
    %sub3A_560 = arith.subf %get3A_554, %get3A_559 : vector<196x96xf32>
    %add3A_561 = arith.addf %get3A_559, %sub3A_560 : vector<196x96xf32>
    %swap3A_562 = arith.constant 0 : index
    %swap3A_563 = arith.constant 1 : index
    %swap3A_564 = arith.constant 0 : index
    %swap3A_565 = arith.constant 384 : index
    %swap3A_566 = vector.load %arg5[%swap3A_562, %swap3A_563, %swap3A_564, %swap3A_565] : memref<1x4x196x768xf32, #tpu.memory_space<vmem>>, vector<1x1x196x96xf32>
    %swap3A_567 = vector.shape_cast %swap3A_566 : vector<1x1x196x96xf32> to vector<196x96xf32>
    %swap3A_568 = vector.shape_cast %add3A_561 : vector<196x96xf32> to vector<1x1x196x96xf32>
    tpu.vector_store %arg5[%swap3A_562, %swap3A_563, %swap3A_564, %swap3A_565], %swap3A_568 {strides = array<i32>} : memref<1x4x196x768xf32, #tpu.memory_space<vmem>>, vector<1x1x196x96xf32>,
    %sub3A_569 = arith.subf %add3A_561, %get3A_559 : vector<196x96xf32>
    %sub3A_570 = arith.subf %add3A_561, %get3A_559 : vector<196x96xf32>
    %mul3A_571 = arith.mulf %sub3A_569, %sub3A_570 : vector<196x96xf32>
    %swap3A_572 = arith.constant 0 : index
    %swap3A_573 = arith.constant 1 : index
    %swap3A_574 = arith.constant 0 : index
    %swap3A_575 = arith.constant 384 : index
    %swap3A_576 = vector.load %arg6[%swap3A_572, %swap3A_573, %swap3A_574, %swap3A_575] : memref<1x4x196x768xf32, #tpu.memory_space<vmem>>, vector<1x1x196x96xf32>
    %swap3A_577 = vector.shape_cast %swap3A_576 : vector<1x1x196x96xf32> to vector<196x96xf32>
    %swap3A_578 = vector.shape_cast %mul3A_571 : vector<196x96xf32> to vector<1x1x196x96xf32>
    tpu.vector_store %arg6[%swap3A_572, %swap3A_573, %swap3A_574, %swap3A_575], %swap3A_578 {strides = array<i32>} : memref<1x4x196x768xf32, #tpu.memory_space<vmem>>, vector<1x1x196x96xf32>,
    %get3A_579 = arith.constant 0 : index
    %get3A_580 = arith.constant 392 : index
    %get3A_581 = arith.constant 0 : index
    %get3A_582 = vector.load %arg2[%get3A_579, %get3A_580, %get3A_581] : memref<4x832x128xf32, #tpu.memory_space<vmem>>, vector<1x196x96xf32>
    %get3A_583 = vector.shape_cast %get3A_582 : vector<1x196x96xf32> to vector<196x96xf32>
    %get3A_584 = arith.constant 2 : index
    %get3A_585 = arith.constant 0 : index
    %get3A_586 = arith.constant 384 : index
    %get3A_587 = vector.load %arg0[%get3A_584, %get3A_585, %get3A_586] : memref<4x196x768xf32, #tpu.memory_space<vmem>>, vector<1x196x96xf32>
    %get3A_588 = vector.shape_cast %get3A_587 : vector<1x196x96xf32> to vector<196x96xf32>
    %sub3A_589 = arith.subf %get3A_583, %get3A_588 : vector<196x96xf32>
    %add3A_590 = arith.addf %get3A_588, %sub3A_589 : vector<196x96xf32>
    %swap3A_591 = arith.constant 0 : index
    %swap3A_592 = arith.constant 2 : index
    %swap3A_593 = arith.constant 0 : index
    %swap3A_594 = arith.constant 384 : index
    %swap3A_595 = vector.load %arg5[%swap3A_591, %swap3A_592, %swap3A_593, %swap3A_594] : memref<1x4x196x768xf32, #tpu.memory_space<vmem>>, vector<1x1x196x96xf32>
    %swap3A_596 = vector.shape_cast %swap3A_595 : vector<1x1x196x96xf32> to vector<196x96xf32>
    %swap3A_597 = vector.shape_cast %add3A_590 : vector<196x96xf32> to vector<1x1x196x96xf32>
    tpu.vector_store %arg5[%swap3A_591, %swap3A_592, %swap3A_593, %swap3A_594], %swap3A_597 {strides = array<i32>} : memref<1x4x196x768xf32, #tpu.memory_space<vmem>>, vector<1x1x196x96xf32>,
    %sub3A_598 = arith.subf %add3A_590, %get3A_588 : vector<196x96xf32>
    %sub3A_599 = arith.subf %add3A_590, %get3A_588 : vector<196x96xf32>
    %mul3A_600 = arith.mulf %sub3A_598, %sub3A_599 : vector<196x96xf32>
    %swap3A_601 = arith.constant 0 : index
    %swap3A_602 = arith.constant 2 : index
    %swap3A_603 = arith.constant 0 : index
    %swap3A_604 = arith.constant 384 : index
    %swap3A_605 = vector.load %arg6[%swap3A_601, %swap3A_602, %swap3A_603, %swap3A_604] : memref<1x4x196x768xf32, #tpu.memory_space<vmem>>, vector<1x1x196x96xf32>
    %swap3A_606 = vector.shape_cast %swap3A_605 : vector<1x1x196x96xf32> to vector<196x96xf32>
    %swap3A_607 = vector.shape_cast %mul3A_600 : vector<196x96xf32> to vector<1x1x196x96xf32>
    tpu.vector_store %arg6[%swap3A_601, %swap3A_602, %swap3A_603, %swap3A_604], %swap3A_607 {strides = array<i32>} : memref<1x4x196x768xf32, #tpu.memory_space<vmem>>, vector<1x1x196x96xf32>,
    %get3A_608 = arith.constant 0 : index
    %get3A_609 = arith.constant 588 : index
    %get3A_610 = arith.constant 0 : index
    %get3A_611 = vector.load %arg2[%get3A_608, %get3A_609, %get3A_610] : memref<4x832x128xf32, #tpu.memory_space<vmem>>, vector<1x196x96xf32>
    %get3A_612 = vector.shape_cast %get3A_611 : vector<1x196x96xf32> to vector<196x96xf32>
    %get3A_613 = arith.constant 3 : index
    %get3A_614 = arith.constant 0 : index
    %get3A_615 = arith.constant 384 : index
    %get3A_616 = vector.load %arg0[%get3A_613, %get3A_614, %get3A_615] : memref<4x196x768xf32, #tpu.memory_space<vmem>>, vector<1x196x96xf32>
    %get3A_617 = vector.shape_cast %get3A_616 : vector<1x196x96xf32> to vector<196x96xf32>
    %sub3A_618 = arith.subf %get3A_612, %get3A_617 : vector<196x96xf32>
    %add3A_619 = arith.addf %get3A_617, %sub3A_618 : vector<196x96xf32>
    %swap3A_620 = arith.constant 0 : index
    %swap3A_621 = arith.constant 3 : index
    %swap3A_622 = arith.constant 0 : index
    %swap3A_623 = arith.constant 384 : index
    %swap3A_624 = vector.load %arg5[%swap3A_620, %swap3A_621, %swap3A_622, %swap3A_623] : memref<1x4x196x768xf32, #tpu.memory_space<vmem>>, vector<1x1x196x96xf32>
    %swap3A_625 = vector.shape_cast %swap3A_624 : vector<1x1x196x96xf32> to vector<196x96xf32>
    %swap3A_626 = vector.shape_cast %add3A_619 : vector<196x96xf32> to vector<1x1x196x96xf32>
    tpu.vector_store %arg5[%swap3A_620, %swap3A_621, %swap3A_622, %swap3A_623], %swap3A_626 {strides = array<i32>} : memref<1x4x196x768xf32, #tpu.memory_space<vmem>>, vector<1x1x196x96xf32>,
    %sub3A_627 = arith.subf %add3A_619, %get3A_617 : vector<196x96xf32>
    %sub3A_628 = arith.subf %add3A_619, %get3A_617 : vector<196x96xf32>
    %mul3A_629 = arith.mulf %sub3A_627, %sub3A_628 : vector<196x96xf32>
    %swap3A_630 = arith.constant 0 : index
    %swap3A_631 = arith.constant 3 : index
    %swap3A_632 = arith.constant 0 : index
    %swap3A_633 = arith.constant 384 : index
    %swap3A_634 = vector.load %arg6[%swap3A_630, %swap3A_631, %swap3A_632, %swap3A_633] : memref<1x4x196x768xf32, #tpu.memory_space<vmem>>, vector<1x1x196x96xf32>
    %swap3A_635 = vector.shape_cast %swap3A_634 : vector<1x1x196x96xf32> to vector<196x96xf32>
    %swap3A_636 = vector.shape_cast %mul3A_629 : vector<196x96xf32> to vector<1x1x196x96xf32>
    tpu.vector_store %arg6[%swap3A_630, %swap3A_631, %swap3A_632, %swap3A_633], %swap3A_636 {strides = array<i32>} : memref<1x4x196x768xf32, #tpu.memory_space<vmem>>, vector<1x1x196x96xf32>,
    %get3A_637 = arith.constant 0 : index
    %get3A_638 = arith.constant 0 : index
    %get3A_639 = arith.constant 0 : index
    %get3A_640 = vector.load %arg4[%get3A_637, %get3A_638, %get3A_639] : memref<4x1x784xi32, #tpu.memory_space<vmem>>, vector<1x1x784xi32>
    %get3A_641 = vector.shape_cast %get3A_640 : vector<1x1x784xi32> to vector<1x784xi32>
    %slice3A_642 = vector.extract_strided_slice %get3A_641 {offsets = [0, 0], sizes = [1, 196], strides = [1, 1]} : vector<1x784xi32> to vector<1x196xi32>
    %slice3A_643 = vector.extract_strided_slice %get3A_641 {offsets = [0, 196], sizes = [1, 196], strides = [1, 1]} : vector<1x784xi32> to vector<1x196xi32>
    %slice3A_644 = vector.extract_strided_slice %get3A_641 {offsets = [0, 392], sizes = [1, 196], strides = [1, 1]} : vector<1x784xi32> to vector<1x196xi32>
    %slice3A_645 = vector.extract_strided_slice %get3A_641 {offsets = [0, 588], sizes = [1, 196], strides = [1, 1]} : vector<1x784xi32> to vector<1x196xi32>
    %concatenate3A_646 = tpu.concatenate %slice3A_642, %slice3A_643, %slice3A_644, %slice3A_645 in 0 : vector<1x196xi32>, vector<1x196xi32>, vector<1x196xi32>, vector<1x196xi32> -> vector<4x196xi32>
    %swap3A_647 = arith.constant 4 : index
    %swap3A_648 = arith.constant 0 : index
    %swap3A_649 = arith.constant 0 : index
    %swap3A_650 = vector.load %arg7[%swap3A_647, %swap3A_648, %swap3A_649] : memref<8x4x196xi32, #tpu.memory_space<vmem>>, vector<1x4x196xi32>
    %swap3A_651 = vector.shape_cast %swap3A_650 : vector<1x4x196xi32> to vector<4x196xi32>
    %swap3A_652 = vector.shape_cast %concatenate3A_646 : vector<4x196xi32> to vector<1x4x196xi32>
    tpu.vector_store %arg7[%swap3A_647, %swap3A_648, %swap3A_649], %swap3A_652 {strides = array<i32>} : memref<8x4x196xi32, #tpu.memory_space<vmem>>, vector<1x4x196xi32>,
    %get3A_653 = arith.constant 1 : index
    %get3A_654 = arith.constant 0 : index
    %get3A_655 = arith.constant 0 : index
    %get3A_656 = vector.load %arg2[%get3A_653, %get3A_654, %get3A_655] : memref<4x832x128xf32, #tpu.memory_space<vmem>>, vector<1x196x96xf32>
    %get3A_657 = vector.shape_cast %get3A_656 : vector<1x196x96xf32> to vector<196x96xf32>
    %get3A_658 = arith.constant 0 : index
    %get3A_659 = arith.constant 0 : index
    %get3A_660 = arith.constant 480 : index
    %get3A_661 = vector.load %arg0[%get3A_658, %get3A_659, %get3A_660] : memref<4x196x768xf32, #tpu.memory_space<vmem>>, vector<1x196x96xf32>
    %get3A_662 = vector.shape_cast %get3A_661 : vector<1x196x96xf32> to vector<196x96xf32>
    %sub3A_663 = arith.subf %get3A_657, %get3A_662 : vector<196x96xf32>
    %add3A_664 = arith.addf %get3A_662, %sub3A_663 : vector<196x96xf32>
    %swap3A_665 = arith.constant 0 : index
    %swap3A_666 = arith.constant 0 : index
    %swap3A_667 = arith.constant 0 : index
    %swap3A_668 = arith.constant 480 : index
    %swap3A_669 = vector.load %arg5[%swap3A_665, %swap3A_666, %swap3A_667, %swap3A_668] : memref<1x4x196x768xf32, #tpu.memory_space<vmem>>, vector<1x1x196x96xf32>
    %swap3A_670 = vector.shape_cast %swap3A_669 : vector<1x1x196x96xf32> to vector<196x96xf32>
    %swap3A_671 = vector.shape_cast %add3A_664 : vector<196x96xf32> to vector<1x1x196x96xf32>
    tpu.vector_store %arg5[%swap3A_665, %swap3A_666, %swap3A_667, %swap3A_668], %swap3A_671 {strides = array<i32>} : memref<1x4x196x768xf32, #tpu.memory_space<vmem>>, vector<1x1x196x96xf32>,
    %sub3A_672 = arith.subf %add3A_664, %get3A_662 : vector<196x96xf32>
    %sub3A_673 = arith.subf %add3A_664, %get3A_662 : vector<196x96xf32>
    %mul3A_674 = arith.mulf %sub3A_672, %sub3A_673 : vector<196x96xf32>
    %swap3A_675 = arith.constant 0 : index
    %swap3A_676 = arith.constant 0 : index
    %swap3A_677 = arith.constant 0 : index
    %swap3A_678 = arith.constant 480 : index
    %swap3A_679 = vector.load %arg6[%swap3A_675, %swap3A_676, %swap3A_677, %swap3A_678] : memref<1x4x196x768xf32, #tpu.memory_space<vmem>>, vector<1x1x196x96xf32>
    %swap3A_680 = vector.shape_cast %swap3A_679 : vector<1x1x196x96xf32> to vector<196x96xf32>
    %swap3A_681 = vector.shape_cast %mul3A_674 : vector<196x96xf32> to vector<1x1x196x96xf32>
    tpu.vector_store %arg6[%swap3A_675, %swap3A_676, %swap3A_677, %swap3A_678], %swap3A_681 {strides = array<i32>} : memref<1x4x196x768xf32, #tpu.memory_space<vmem>>, vector<1x1x196x96xf32>,
    %get3A_682 = arith.constant 1 : index
    %get3A_683 = arith.constant 196 : index
    %get3A_684 = arith.constant 0 : index
    %get3A_685 = vector.load %arg2[%get3A_682, %get3A_683, %get3A_684] : memref<4x832x128xf32, #tpu.memory_space<vmem>>, vector<1x196x96xf32>
    %get3A_686 = vector.shape_cast %get3A_685 : vector<1x196x96xf32> to vector<196x96xf32>
    %get3A_687 = arith.constant 1 : index
    %get3A_688 = arith.constant 0 : index
    %get3A_689 = arith.constant 480 : index
    %get3A_690 = vector.load %arg0[%get3A_687, %get3A_688, %get3A_689] : memref<4x196x768xf32, #tpu.memory_space<vmem>>, vector<1x196x96xf32>
    %get3A_691 = vector.shape_cast %get3A_690 : vector<1x196x96xf32> to vector<196x96xf32>
    %sub3A_692 = arith.subf %get3A_686, %get3A_691 : vector<196x96xf32>
    %add3A_693 = arith.addf %get3A_691, %sub3A_692 : vector<196x96xf32>
    %swap3A_694 = arith.constant 0 : index
    %swap3A_695 = arith.constant 1 : index
    %swap3A_696 = arith.constant 0 : index
    %swap3A_697 = arith.constant 480 : index
    %swap3A_698 = vector.load %arg5[%swap3A_694, %swap3A_695, %swap3A_696, %swap3A_697] : memref<1x4x196x768xf32, #tpu.memory_space<vmem>>, vector<1x1x196x96xf32>
    %swap3A_699 = vector.shape_cast %swap3A_698 : vector<1x1x196x96xf32> to vector<196x96xf32>
    %swap3A_700 = vector.shape_cast %add3A_693 : vector<196x96xf32> to vector<1x1x196x96xf32>
    tpu.vector_store %arg5[%swap3A_694, %swap3A_695, %swap3A_696, %swap3A_697], %swap3A_700 {strides = array<i32>} : memref<1x4x196x768xf32, #tpu.memory_space<vmem>>, vector<1x1x196x96xf32>,
    %sub3A_701 = arith.subf %add3A_693, %get3A_691 : vector<196x96xf32>
    %sub3A_702 = arith.subf %add3A_693, %get3A_691 : vector<196x96xf32>
    %mul3A_703 = arith.mulf %sub3A_701, %sub3A_702 : vector<196x96xf32>
    %swap3A_704 = arith.constant 0 : index
    %swap3A_705 = arith.constant 1 : index
    %swap3A_706 = arith.constant 0 : index
    %swap3A_707 = arith.constant 480 : index
    %swap3A_708 = vector.load %arg6[%swap3A_704, %swap3A_705, %swap3A_706, %swap3A_707] : memref<1x4x196x768xf32, #tpu.memory_space<vmem>>, vector<1x1x196x96xf32>
    %swap3A_709 = vector.shape_cast %swap3A_708 : vector<1x1x196x96xf32> to vector<196x96xf32>
    %swap3A_710 = vector.shape_cast %mul3A_703 : vector<196x96xf32> to vector<1x1x196x96xf32>
    tpu.vector_store %arg6[%swap3A_704, %swap3A_705, %swap3A_706, %swap3A_707], %swap3A_710 {strides = array<i32>} : memref<1x4x196x768xf32, #tpu.memory_space<vmem>>, vector<1x1x196x96xf32>,
    %get3A_711 = arith.constant 1 : index
    %get3A_712 = arith.constant 392 : index
    %get3A_713 = arith.constant 0 : index
    %get3A_714 = vector.load %arg2[%get3A_711, %get3A_712, %get3A_713] : memref<4x832x128xf32, #tpu.memory_space<vmem>>, vector<1x196x96xf32>
    %get3A_715 = vector.shape_cast %get3A_714 : vector<1x196x96xf32> to vector<196x96xf32>
    %get3A_716 = arith.constant 2 : index
    %get3A_717 = arith.constant 0 : index
    %get3A_718 = arith.constant 480 : index
    %get3A_719 = vector.load %arg0[%get3A_716, %get3A_717, %get3A_718] : memref<4x196x768xf32, #tpu.memory_space<vmem>>, vector<1x196x96xf32>
    %get3A_720 = vector.shape_cast %get3A_719 : vector<1x196x96xf32> to vector<196x96xf32>
    %sub3A_721 = arith.subf %get3A_715, %get3A_720 : vector<196x96xf32>
    %add3A_722 = arith.addf %get3A_720, %sub3A_721 : vector<196x96xf32>
    %swap3A_723 = arith.constant 0 : index
    %swap3A_724 = arith.constant 2 : index
    %swap3A_725 = arith.constant 0 : index
    %swap3A_726 = arith.constant 480 : index
    %swap3A_727 = vector.load %arg5[%swap3A_723, %swap3A_724, %swap3A_725, %swap3A_726] : memref<1x4x196x768xf32, #tpu.memory_space<vmem>>, vector<1x1x196x96xf32>
    %swap3A_728 = vector.shape_cast %swap3A_727 : vector<1x1x196x96xf32> to vector<196x96xf32>
    %swap3A_729 = vector.shape_cast %add3A_722 : vector<196x96xf32> to vector<1x1x196x96xf32>
    tpu.vector_store %arg5[%swap3A_723, %swap3A_724, %swap3A_725, %swap3A_726], %swap3A_729 {strides = array<i32>} : memref<1x4x196x768xf32, #tpu.memory_space<vmem>>, vector<1x1x196x96xf32>,
    %sub3A_730 = arith.subf %add3A_722, %get3A_720 : vector<196x96xf32>
    %sub3A_731 = arith.subf %add3A_722, %get3A_720 : vector<196x96xf32>
    %mul3A_732 = arith.mulf %sub3A_730, %sub3A_731 : vector<196x96xf32>
    %swap3A_733 = arith.constant 0 : index
    %swap3A_734 = arith.constant 2 : index
    %swap3A_735 = arith.constant 0 : index
    %swap3A_736 = arith.constant 480 : index
    %swap3A_737 = vector.load %arg6[%swap3A_733, %swap3A_734, %swap3A_735, %swap3A_736] : memref<1x4x196x768xf32, #tpu.memory_space<vmem>>, vector<1x1x196x96xf32>
    %swap3A_738 = vector.shape_cast %swap3A_737 : vector<1x1x196x96xf32> to vector<196x96xf32>
    %swap3A_739 = vector.shape_cast %mul3A_732 : vector<196x96xf32> to vector<1x1x196x96xf32>
    tpu.vector_store %arg6[%swap3A_733, %swap3A_734, %swap3A_735, %swap3A_736], %swap3A_739 {strides = array<i32>} : memref<1x4x196x768xf32, #tpu.memory_space<vmem>>, vector<1x1x196x96xf32>,
    %get3A_740 = arith.constant 1 : index
    %get3A_741 = arith.constant 588 : index
    %get3A_742 = arith.constant 0 : index
    %get3A_743 = vector.load %arg2[%get3A_740, %get3A_741, %get3A_742] : memref<4x832x128xf32, #tpu.memory_space<vmem>>, vector<1x196x96xf32>
    %get3A_744 = vector.shape_cast %get3A_743 : vector<1x196x96xf32> to vector<196x96xf32>
    %get3A_745 = arith.constant 3 : index
    %get3A_746 = arith.constant 0 : index
    %get3A_747 = arith.constant 480 : index
    %get3A_748 = vector.load %arg0[%get3A_745, %get3A_746, %get3A_747] : memref<4x196x768xf32, #tpu.memory_space<vmem>>, vector<1x196x96xf32>
    %get3A_749 = vector.shape_cast %get3A_748 : vector<1x196x96xf32> to vector<196x96xf32>
    %sub3A_750 = arith.subf %get3A_744, %get3A_749 : vector<196x96xf32>
    %add3A_751 = arith.addf %get3A_749, %sub3A_750 : vector<196x96xf32>
    %swap3A_752 = arith.constant 0 : index
    %swap3A_753 = arith.constant 3 : index
    %swap3A_754 = arith.constant 0 : index
    %swap3A_755 = arith.constant 480 : index
    %swap3A_756 = vector.load %arg5[%swap3A_752, %swap3A_753, %swap3A_754, %swap3A_755] : memref<1x4x196x768xf32, #tpu.memory_space<vmem>>, vector<1x1x196x96xf32>
    %swap3A_757 = vector.shape_cast %swap3A_756 : vector<1x1x196x96xf32> to vector<196x96xf32>
    %swap3A_758 = vector.shape_cast %add3A_751 : vector<196x96xf32> to vector<1x1x196x96xf32>
    tpu.vector_store %arg5[%swap3A_752, %swap3A_753, %swap3A_754, %swap3A_755], %swap3A_758 {strides = array<i32>} : memref<1x4x196x768xf32, #tpu.memory_space<vmem>>, vector<1x1x196x96xf32>,
    %sub3A_759 = arith.subf %add3A_751, %get3A_749 : vector<196x96xf32>
    %sub3A_760 = arith.subf %add3A_751, %get3A_749 : vector<196x96xf32>
    %mul3A_761 = arith.mulf %sub3A_759, %sub3A_760 : vector<196x96xf32>
    %swap3A_762 = arith.constant 0 : index
    %swap3A_763 = arith.constant 3 : index
    %swap3A_764 = arith.constant 0 : index
    %swap3A_765 = arith.constant 480 : index
    %swap3A_766 = vector.load %arg6[%swap3A_762, %swap3A_763, %swap3A_764, %swap3A_765] : memref<1x4x196x768xf32, #tpu.memory_space<vmem>>, vector<1x1x196x96xf32>
    %swap3A_767 = vector.shape_cast %swap3A_766 : vector<1x1x196x96xf32> to vector<196x96xf32>
    %swap3A_768 = vector.shape_cast %mul3A_761 : vector<196x96xf32> to vector<1x1x196x96xf32>
    tpu.vector_store %arg6[%swap3A_762, %swap3A_763, %swap3A_764, %swap3A_765], %swap3A_768 {strides = array<i32>} : memref<1x4x196x768xf32, #tpu.memory_space<vmem>>, vector<1x1x196x96xf32>,
    %get3A_769 = arith.constant 1 : index
    %get3A_770 = arith.constant 0 : index
    %get3A_771 = arith.constant 0 : index
    %get3A_772 = vector.load %arg4[%get3A_769, %get3A_770, %get3A_771] : memref<4x1x784xi32, #tpu.memory_space<vmem>>, vector<1x1x784xi32>
    %get3A_773 = vector.shape_cast %get3A_772 : vector<1x1x784xi32> to vector<1x784xi32>
    %slice3A_774 = vector.extract_strided_slice %get3A_773 {offsets = [0, 0], sizes = [1, 196], strides = [1, 1]} : vector<1x784xi32> to vector<1x196xi32>
    %slice3A_775 = vector.extract_strided_slice %get3A_773 {offsets = [0, 196], sizes = [1, 196], strides = [1, 1]} : vector<1x784xi32> to vector<1x196xi32>
    %slice3A_776 = vector.extract_strided_slice %get3A_773 {offsets = [0, 392], sizes = [1, 196], strides = [1, 1]} : vector<1x784xi32> to vector<1x196xi32>
    %slice3A_777 = vector.extract_strided_slice %get3A_773 {offsets = [0, 588], sizes = [1, 196], strides = [1, 1]} : vector<1x784xi32> to vector<1x196xi32>
    %concatenate3A_778 = tpu.concatenate %slice3A_774, %slice3A_775, %slice3A_776, %slice3A_777 in 0 : vector<1x196xi32>, vector<1x196xi32>, vector<1x196xi32>, vector<1x196xi32> -> vector<4x196xi32>
    %swap3A_779 = arith.constant 5 : index
    %swap3A_780 = arith.constant 0 : index
    %swap3A_781 = arith.constant 0 : index
    %swap3A_782 = vector.load %arg7[%swap3A_779, %swap3A_780, %swap3A_781] : memref<8x4x196xi32, #tpu.memory_space<vmem>>, vector<1x4x196xi32>
    %swap3A_783 = vector.shape_cast %swap3A_782 : vector<1x4x196xi32> to vector<4x196xi32>
    %swap3A_784 = vector.shape_cast %concatenate3A_778 : vector<4x196xi32> to vector<1x4x196xi32>
    tpu.vector_store %arg7[%swap3A_779, %swap3A_780, %swap3A_781], %swap3A_784 {strides = array<i32>} : memref<8x4x196xi32, #tpu.memory_space<vmem>>, vector<1x4x196xi32>,
    %get3A_785 = arith.constant 2 : index
    %get3A_786 = arith.constant 0 : index
    %get3A_787 = arith.constant 0 : index
    %get3A_788 = vector.load %arg2[%get3A_785, %get3A_786, %get3A_787] : memref<4x832x128xf32, #tpu.memory_space<vmem>>, vector<1x196x96xf32>
    %get3A_789 = vector.shape_cast %get3A_788 : vector<1x196x96xf32> to vector<196x96xf32>
    %get3A_790 = arith.constant 0 : index
    %get3A_791 = arith.constant 0 : index
    %get3A_792 = arith.constant 576 : index
    %get3A_793 = vector.load %arg0[%get3A_790, %get3A_791, %get3A_792] : memref<4x196x768xf32, #tpu.memory_space<vmem>>, vector<1x196x96xf32>
    %get3A_794 = vector.shape_cast %get3A_793 : vector<1x196x96xf32> to vector<196x96xf32>
    %sub3A_795 = arith.subf %get3A_789, %get3A_794 : vector<196x96xf32>
    %add3A_796 = arith.addf %get3A_794, %sub3A_795 : vector<196x96xf32>
    %swap3A_797 = arith.constant 0 : index
    %swap3A_798 = arith.constant 0 : index
    %swap3A_799 = arith.constant 0 : index
    %swap3A_800 = arith.constant 576 : index
    %swap3A_801 = vector.load %arg5[%swap3A_797, %swap3A_798, %swap3A_799, %swap3A_800] : memref<1x4x196x768xf32, #tpu.memory_space<vmem>>, vector<1x1x196x96xf32>
    %swap3A_802 = vector.shape_cast %swap3A_801 : vector<1x1x196x96xf32> to vector<196x96xf32>
    %swap3A_803 = vector.shape_cast %add3A_796 : vector<196x96xf32> to vector<1x1x196x96xf32>
    tpu.vector_store %arg5[%swap3A_797, %swap3A_798, %swap3A_799, %swap3A_800], %swap3A_803 {strides = array<i32>} : memref<1x4x196x768xf32, #tpu.memory_space<vmem>>, vector<1x1x196x96xf32>,
    %sub3A_804 = arith.subf %add3A_796, %get3A_794 : vector<196x96xf32>
    %sub3A_805 = arith.subf %add3A_796, %get3A_794 : vector<196x96xf32>
    %mul3A_806 = arith.mulf %sub3A_804, %sub3A_805 : vector<196x96xf32>
    %swap3A_807 = arith.constant 0 : index
    %swap3A_808 = arith.constant 0 : index
    %swap3A_809 = arith.constant 0 : index
    %swap3A_810 = arith.constant 576 : index
    %swap3A_811 = vector.load %arg6[%swap3A_807, %swap3A_808, %swap3A_809, %swap3A_810] : memref<1x4x196x768xf32, #tpu.memory_space<vmem>>, vector<1x1x196x96xf32>
    %swap3A_812 = vector.shape_cast %swap3A_811 : vector<1x1x196x96xf32> to vector<196x96xf32>
    %swap3A_813 = vector.shape_cast %mul3A_806 : vector<196x96xf32> to vector<1x1x196x96xf32>
    tpu.vector_store %arg6[%swap3A_807, %swap3A_808, %swap3A_809, %swap3A_810], %swap3A_813 {strides = array<i32>} : memref<1x4x196x768xf32, #tpu.memory_space<vmem>>, vector<1x1x196x96xf32>,
    %get3A_814 = arith.constant 2 : index
    %get3A_815 = arith.constant 196 : index
    %get3A_816 = arith.constant 0 : index
    %get3A_817 = vector.load %arg2[%get3A_814, %get3A_815, %get3A_816] : memref<4x832x128xf32, #tpu.memory_space<vmem>>, vector<1x196x96xf32>
    %get3A_818 = vector.shape_cast %get3A_817 : vector<1x196x96xf32> to vector<196x96xf32>
    %get3A_819 = arith.constant 1 : index
    %get3A_820 = arith.constant 0 : index
    %get3A_821 = arith.constant 576 : index
    %get3A_822 = vector.load %arg0[%get3A_819, %get3A_820, %get3A_821] : memref<4x196x768xf32, #tpu.memory_space<vmem>>, vector<1x196x96xf32>
    %get3A_823 = vector.shape_cast %get3A_822 : vector<1x196x96xf32> to vector<196x96xf32>
    %sub3A_824 = arith.subf %get3A_818, %get3A_823 : vector<196x96xf32>
    %add3A_825 = arith.addf %get3A_823, %sub3A_824 : vector<196x96xf32>
    %swap3A_826 = arith.constant 0 : index
    %swap3A_827 = arith.constant 1 : index
    %swap3A_828 = arith.constant 0 : index
    %swap3A_829 = arith.constant 576 : index
    %swap3A_830 = vector.load %arg5[%swap3A_826, %swap3A_827, %swap3A_828, %swap3A_829] : memref<1x4x196x768xf32, #tpu.memory_space<vmem>>, vector<1x1x196x96xf32>
    %swap3A_831 = vector.shape_cast %swap3A_830 : vector<1x1x196x96xf32> to vector<196x96xf32>
    %swap3A_832 = vector.shape_cast %add3A_825 : vector<196x96xf32> to vector<1x1x196x96xf32>
    tpu.vector_store %arg5[%swap3A_826, %swap3A_827, %swap3A_828, %swap3A_829], %swap3A_832 {strides = array<i32>} : memref<1x4x196x768xf32, #tpu.memory_space<vmem>>, vector<1x1x196x96xf32>,
    %sub3A_833 = arith.subf %add3A_825, %get3A_823 : vector<196x96xf32>
    %sub3A_834 = arith.subf %add3A_825, %get3A_823 : vector<196x96xf32>
    %mul3A_835 = arith.mulf %sub3A_833, %sub3A_834 : vector<196x96xf32>
    %swap3A_836 = arith.constant 0 : index
    %swap3A_837 = arith.constant 1 : index
    %swap3A_838 = arith.constant 0 : index
    %swap3A_839 = arith.constant 576 : index
    %swap3A_840 = vector.load %arg6[%swap3A_836, %swap3A_837, %swap3A_838, %swap3A_839] : memref<1x4x196x768xf32, #tpu.memory_space<vmem>>, vector<1x1x196x96xf32>
    %swap3A_841 = vector.shape_cast %swap3A_840 : vector<1x1x196x96xf32> to vector<196x96xf32>
    %swap3A_842 = vector.shape_cast %mul3A_835 : vector<196x96xf32> to vector<1x1x196x96xf32>
    tpu.vector_store %arg6[%swap3A_836, %swap3A_837, %swap3A_838, %swap3A_839], %swap3A_842 {strides = array<i32>} : memref<1x4x196x768xf32, #tpu.memory_space<vmem>>, vector<1x1x196x96xf32>,
    %get3A_843 = arith.constant 2 : index
    %get3A_844 = arith.constant 392 : index
    %get3A_845 = arith.constant 0 : index
    %get3A_846 = vector.load %arg2[%get3A_843, %get3A_844, %get3A_845] : memref<4x832x128xf32, #tpu.memory_space<vmem>>, vector<1x196x96xf32>
    %get3A_847 = vector.shape_cast %get3A_846 : vector<1x196x96xf32> to vector<196x96xf32>
    %get3A_848 = arith.constant 2 : index
    %get3A_849 = arith.constant 0 : index
    %get3A_850 = arith.constant 576 : index
    %get3A_851 = vector.load %arg0[%get3A_848, %get3A_849, %get3A_850] : memref<4x196x768xf32, #tpu.memory_space<vmem>>, vector<1x196x96xf32>
    %get3A_852 = vector.shape_cast %get3A_851 : vector<1x196x96xf32> to vector<196x96xf32>
    %sub3A_853 = arith.subf %get3A_847, %get3A_852 : vector<196x96xf32>
    %add3A_854 = arith.addf %get3A_852, %sub3A_853 : vector<196x96xf32>
    %swap3A_855 = arith.constant 0 : index
    %swap3A_856 = arith.constant 2 : index
    %swap3A_857 = arith.constant 0 : index
    %swap3A_858 = arith.constant 576 : index
    %swap3A_859 = vector.load %arg5[%swap3A_855, %swap3A_856, %swap3A_857, %swap3A_858] : memref<1x4x196x768xf32, #tpu.memory_space<vmem>>, vector<1x1x196x96xf32>
    %swap3A_860 = vector.shape_cast %swap3A_859 : vector<1x1x196x96xf32> to vector<196x96xf32>
    %swap3A_861 = vector.shape_cast %add3A_854 : vector<196x96xf32> to vector<1x1x196x96xf32>
    tpu.vector_store %arg5[%swap3A_855, %swap3A_856, %swap3A_857, %swap3A_858], %swap3A_861 {strides = array<i32>} : memref<1x4x196x768xf32, #tpu.memory_space<vmem>>, vector<1x1x196x96xf32>,
    %sub3A_862 = arith.subf %add3A_854, %get3A_852 : vector<196x96xf32>
    %sub3A_863 = arith.subf %add3A_854, %get3A_852 : vector<196x96xf32>
    %mul3A_864 = arith.mulf %sub3A_862, %sub3A_863 : vector<196x96xf32>
    %swap3A_865 = arith.constant 0 : index
    %swap3A_866 = arith.constant 2 : index
    %swap3A_867 = arith.constant 0 : index
    %swap3A_868 = arith.constant 576 : index
    %swap3A_869 = vector.load %arg6[%swap3A_865, %swap3A_866, %swap3A_867, %swap3A_868] : memref<1x4x196x768xf32, #tpu.memory_space<vmem>>, vector<1x1x196x96xf32>
    %swap3A_870 = vector.shape_cast %swap3A_869 : vector<1x1x196x96xf32> to vector<196x96xf32>
    %swap3A_871 = vector.shape_cast %mul3A_864 : vector<196x96xf32> to vector<1x1x196x96xf32>
    tpu.vector_store %arg6[%swap3A_865, %swap3A_866, %swap3A_867, %swap3A_868], %swap3A_871 {strides = array<i32>} : memref<1x4x196x768xf32, #tpu.memory_space<vmem>>, vector<1x1x196x96xf32>,
    %get3A_872 = arith.constant 2 : index
    %get3A_873 = arith.constant 588 : index
    %get3A_874 = arith.constant 0 : index
    %get3A_875 = vector.load %arg2[%get3A_872, %get3A_873, %get3A_874] : memref<4x832x128xf32, #tpu.memory_space<vmem>>, vector<1x196x96xf32>
    %get3A_876 = vector.shape_cast %get3A_875 : vector<1x196x96xf32> to vector<196x96xf32>
    %get3A_877 = arith.constant 3 : index
    %get3A_878 = arith.constant 0 : index
    %get3A_879 = arith.constant 576 : index
    %get3A_880 = vector.load %arg0[%get3A_877, %get3A_878, %get3A_879] : memref<4x196x768xf32, #tpu.memory_space<vmem>>, vector<1x196x96xf32>
    %get3A_881 = vector.shape_cast %get3A_880 : vector<1x196x96xf32> to vector<196x96xf32>
    %sub3A_882 = arith.subf %get3A_876, %get3A_881 : vector<196x96xf32>
    %add3A_883 = arith.addf %get3A_881, %sub3A_882 : vector<196x96xf32>
    %swap3A_884 = arith.constant 0 : index
    %swap3A_885 = arith.constant 3 : index
    %swap3A_886 = arith.constant 0 : index
    %swap3A_887 = arith.constant 576 : index
    %swap3A_888 = vector.load %arg5[%swap3A_884, %swap3A_885, %swap3A_886, %swap3A_887] : memref<1x4x196x768xf32, #tpu.memory_space<vmem>>, vector<1x1x196x96xf32>
    %swap3A_889 = vector.shape_cast %swap3A_888 : vector<1x1x196x96xf32> to vector<196x96xf32>
    %swap3A_890 = vector.shape_cast %add3A_883 : vector<196x96xf32> to vector<1x1x196x96xf32>
    tpu.vector_store %arg5[%swap3A_884, %swap3A_885, %swap3A_886, %swap3A_887], %swap3A_890 {strides = array<i32>} : memref<1x4x196x768xf32, #tpu.memory_space<vmem>>, vector<1x1x196x96xf32>,
    %sub3A_891 = arith.subf %add3A_883, %get3A_881 : vector<196x96xf32>
    %sub3A_892 = arith.subf %add3A_883, %get3A_881 : vector<196x96xf32>
    %mul3A_893 = arith.mulf %sub3A_891, %sub3A_892 : vector<196x96xf32>
    %swap3A_894 = arith.constant 0 : index
    %swap3A_895 = arith.constant 3 : index
    %swap3A_896 = arith.constant 0 : index
    %swap3A_897 = arith.constant 576 : index
    %swap3A_898 = vector.load %arg6[%swap3A_894, %swap3A_895, %swap3A_896, %swap3A_897] : memref<1x4x196x768xf32, #tpu.memory_space<vmem>>, vector<1x1x196x96xf32>
    %swap3A_899 = vector.shape_cast %swap3A_898 : vector<1x1x196x96xf32> to vector<196x96xf32>
    %swap3A_900 = vector.shape_cast %mul3A_893 : vector<196x96xf32> to vector<1x1x196x96xf32>
    tpu.vector_store %arg6[%swap3A_894, %swap3A_895, %swap3A_896, %swap3A_897], %swap3A_900 {strides = array<i32>} : memref<1x4x196x768xf32, #tpu.memory_space<vmem>>, vector<1x1x196x96xf32>,
    %get3A_901 = arith.constant 2 : index
    %get3A_902 = arith.constant 0 : index
    %get3A_903 = arith.constant 0 : index
    %get3A_904 = vector.load %arg4[%get3A_901, %get3A_902, %get3A_903] : memref<4x1x784xi32, #tpu.memory_space<vmem>>, vector<1x1x784xi32>
    %get3A_905 = vector.shape_cast %get3A_904 : vector<1x1x784xi32> to vector<1x784xi32>
    %slice3A_906 = vector.extract_strided_slice %get3A_905 {offsets = [0, 0], sizes = [1, 196], strides = [1, 1]} : vector<1x784xi32> to vector<1x196xi32>
    %slice3A_907 = vector.extract_strided_slice %get3A_905 {offsets = [0, 196], sizes = [1, 196], strides = [1, 1]} : vector<1x784xi32> to vector<1x196xi32>
    %slice3A_908 = vector.extract_strided_slice %get3A_905 {offsets = [0, 392], sizes = [1, 196], strides = [1, 1]} : vector<1x784xi32> to vector<1x196xi32>
    %slice3A_909 = vector.extract_strided_slice %get3A_905 {offsets = [0, 588], sizes = [1, 196], strides = [1, 1]} : vector<1x784xi32> to vector<1x196xi32>
    %concatenate3A_910 = tpu.concatenate %slice3A_906, %slice3A_907, %slice3A_908, %slice3A_909 in 0 : vector<1x196xi32>, vector<1x196xi32>, vector<1x196xi32>, vector<1x196xi32> -> vector<4x196xi32>
    %swap3A_911 = arith.constant 6 : index
    %swap3A_912 = arith.constant 0 : index
    %swap3A_913 = arith.constant 0 : index
    %swap3A_914 = vector.load %arg7[%swap3A_911, %swap3A_912, %swap3A_913] : memref<8x4x196xi32, #tpu.memory_space<vmem>>, vector<1x4x196xi32>
    %swap3A_915 = vector.shape_cast %swap3A_914 : vector<1x4x196xi32> to vector<4x196xi32>
    %swap3A_916 = vector.shape_cast %concatenate3A_910 : vector<4x196xi32> to vector<1x4x196xi32>
    tpu.vector_store %arg7[%swap3A_911, %swap3A_912, %swap3A_913], %swap3A_916 {strides = array<i32>} : memref<8x4x196xi32, #tpu.memory_space<vmem>>, vector<1x4x196xi32>,
    %get3A_917 = arith.constant 3 : index
    %get3A_918 = arith.constant 0 : index
    %get3A_919 = arith.constant 0 : index
    %get3A_920 = vector.load %arg2[%get3A_917, %get3A_918, %get3A_919] : memref<4x832x128xf32, #tpu.memory_space<vmem>>, vector<1x196x96xf32>
    %get3A_921 = vector.shape_cast %get3A_920 : vector<1x196x96xf32> to vector<196x96xf32>
    %get3A_922 = arith.constant 0 : index
    %get3A_923 = arith.constant 0 : index
    %get3A_924 = arith.constant 672 : index
    %get3A_925 = vector.load %arg0[%get3A_922, %get3A_923, %get3A_924] : memref<4x196x768xf32, #tpu.memory_space<vmem>>, vector<1x196x96xf32>
    %get3A_926 = vector.shape_cast %get3A_925 : vector<1x196x96xf32> to vector<196x96xf32>
    %sub3A_927 = arith.subf %get3A_921, %get3A_926 : vector<196x96xf32>
    %add3A_928 = arith.addf %get3A_926, %sub3A_927 : vector<196x96xf32>
    %swap3A_929 = arith.constant 0 : index
    %swap3A_930 = arith.constant 0 : index
    %swap3A_931 = arith.constant 0 : index
    %swap3A_932 = arith.constant 672 : index
    %swap3A_933 = vector.load %arg5[%swap3A_929, %swap3A_930, %swap3A_931, %swap3A_932] : memref<1x4x196x768xf32, #tpu.memory_space<vmem>>, vector<1x1x196x96xf32>
    %swap3A_934 = vector.shape_cast %swap3A_933 : vector<1x1x196x96xf32> to vector<196x96xf32>
    %swap3A_935 = vector.shape_cast %add3A_928 : vector<196x96xf32> to vector<1x1x196x96xf32>
    tpu.vector_store %arg5[%swap3A_929, %swap3A_930, %swap3A_931, %swap3A_932], %swap3A_935 {strides = array<i32>} : memref<1x4x196x768xf32, #tpu.memory_space<vmem>>, vector<1x1x196x96xf32>,
    %sub3A_936 = arith.subf %add3A_928, %get3A_926 : vector<196x96xf32>
    %sub3A_937 = arith.subf %add3A_928, %get3A_926 : vector<196x96xf32>
    %mul3A_938 = arith.mulf %sub3A_936, %sub3A_937 : vector<196x96xf32>
    %swap3A_939 = arith.constant 0 : index
    %swap3A_940 = arith.constant 0 : index
    %swap3A_941 = arith.constant 0 : index
    %swap3A_942 = arith.constant 672 : index
    %swap3A_943 = vector.load %arg6[%swap3A_939, %swap3A_940, %swap3A_941, %swap3A_942] : memref<1x4x196x768xf32, #tpu.memory_space<vmem>>, vector<1x1x196x96xf32>
    %swap3A_944 = vector.shape_cast %swap3A_943 : vector<1x1x196x96xf32> to vector<196x96xf32>
    %swap3A_945 = vector.shape_cast %mul3A_938 : vector<196x96xf32> to vector<1x1x196x96xf32>
    tpu.vector_store %arg6[%swap3A_939, %swap3A_940, %swap3A_941, %swap3A_942], %swap3A_945 {strides = array<i32>} : memref<1x4x196x768xf32, #tpu.memory_space<vmem>>, vector<1x1x196x96xf32>,
    %get3A_946 = arith.constant 3 : index
    %get3A_947 = arith.constant 196 : index
    %get3A_948 = arith.constant 0 : index
    %get3A_949 = vector.load %arg2[%get3A_946, %get3A_947, %get3A_948] : memref<4x832x128xf32, #tpu.memory_space<vmem>>, vector<1x196x96xf32>
    %get3A_950 = vector.shape_cast %get3A_949 : vector<1x196x96xf32> to vector<196x96xf32>
    %get3A_951 = arith.constant 1 : index
    %get3A_952 = arith.constant 0 : index
    %get3A_953 = arith.constant 672 : index
    %get3A_954 = vector.load %arg0[%get3A_951, %get3A_952, %get3A_953] : memref<4x196x768xf32, #tpu.memory_space<vmem>>, vector<1x196x96xf32>
    %get3A_955 = vector.shape_cast %get3A_954 : vector<1x196x96xf32> to vector<196x96xf32>
    %sub3A_956 = arith.subf %get3A_950, %get3A_955 : vector<196x96xf32>
    %add3A_957 = arith.addf %get3A_955, %sub3A_956 : vector<196x96xf32>
    %swap3A_958 = arith.constant 0 : index
    %swap3A_959 = arith.constant 1 : index
    %swap3A_960 = arith.constant 0 : index
    %swap3A_961 = arith.constant 672 : index
    %swap3A_962 = vector.load %arg5[%swap3A_958, %swap3A_959, %swap3A_960, %swap3A_961] : memref<1x4x196x768xf32, #tpu.memory_space<vmem>>, vector<1x1x196x96xf32>
    %swap3A_963 = vector.shape_cast %swap3A_962 : vector<1x1x196x96xf32> to vector<196x96xf32>
    %swap3A_964 = vector.shape_cast %add3A_957 : vector<196x96xf32> to vector<1x1x196x96xf32>
    tpu.vector_store %arg5[%swap3A_958, %swap3A_959, %swap3A_960, %swap3A_961], %swap3A_964 {strides = array<i32>} : memref<1x4x196x768xf32, #tpu.memory_space<vmem>>, vector<1x1x196x96xf32>,
    %sub3A_965 = arith.subf %add3A_957, %get3A_955 : vector<196x96xf32>
    %sub3A_966 = arith.subf %add3A_957, %get3A_955 : vector<196x96xf32>
    %mul3A_967 = arith.mulf %sub3A_965, %sub3A_966 : vector<196x96xf32>
    %swap3A_968 = arith.constant 0 : index
    %swap3A_969 = arith.constant 1 : index
    %swap3A_970 = arith.constant 0 : index
    %swap3A_971 = arith.constant 672 : index
    %swap3A_972 = vector.load %arg6[%swap3A_968, %swap3A_969, %swap3A_970, %swap3A_971] : memref<1x4x196x768xf32, #tpu.memory_space<vmem>>, vector<1x1x196x96xf32>
    %swap3A_973 = vector.shape_cast %swap3A_972 : vector<1x1x196x96xf32> to vector<196x96xf32>
    %swap3A_974 = vector.shape_cast %mul3A_967 : vector<196x96xf32> to vector<1x1x196x96xf32>
    tpu.vector_store %arg6[%swap3A_968, %swap3A_969, %swap3A_970, %swap3A_971], %swap3A_974 {strides = array<i32>} : memref<1x4x196x768xf32, #tpu.memory_space<vmem>>, vector<1x1x196x96xf32>,
    %get3A_975 = arith.constant 3 : index
    %get3A_976 = arith.constant 392 : index
    %get3A_977 = arith.constant 0 : index
    %get3A_978 = vector.load %arg2[%get3A_975, %get3A_976, %get3A_977] : memref<4x832x128xf32, #tpu.memory_space<vmem>>, vector<1x196x96xf32>
    %get3A_979 = vector.shape_cast %get3A_978 : vector<1x196x96xf32> to vector<196x96xf32>
    %get3A_980 = arith.constant 2 : index
    %get3A_981 = arith.constant 0 : index
    %get3A_982 = arith.constant 672 : index
    %get3A_983 = vector.load %arg0[%get3A_980, %get3A_981, %get3A_982] : memref<4x196x768xf32, #tpu.memory_space<vmem>>, vector<1x196x96xf32>
    %get3A_984 = vector.shape_cast %get3A_983 : vector<1x196x96xf32> to vector<196x96xf32>
    %sub3A_985 = arith.subf %get3A_979, %get3A_984 : vector<196x96xf32>
    %add3A_986 = arith.addf %get3A_984, %sub3A_985 : vector<196x96xf32>
    %swap3A_987 = arith.constant 0 : index
    %swap3A_988 = arith.constant 2 : index
    %swap3A_989 = arith.constant 0 : index
    %swap3A_990 = arith.constant 672 : index
    %swap3A_991 = vector.load %arg5[%swap3A_987, %swap3A_988, %swap3A_989, %swap3A_990] : memref<1x4x196x768xf32, #tpu.memory_space<vmem>>, vector<1x1x196x96xf32>
    %swap3A_992 = vector.shape_cast %swap3A_991 : vector<1x1x196x96xf32> to vector<196x96xf32>
    %swap3A_993 = vector.shape_cast %add3A_986 : vector<196x96xf32> to vector<1x1x196x96xf32>
    tpu.vector_store %arg5[%swap3A_987, %swap3A_988, %swap3A_989, %swap3A_990], %swap3A_993 {strides = array<i32>} : memref<1x4x196x768xf32, #tpu.memory_space<vmem>>, vector<1x1x196x96xf32>,
    %sub3A_994 = arith.subf %add3A_986, %get3A_984 : vector<196x96xf32>
    %sub3A_995 = arith.subf %add3A_986, %get3A_984 : vector<196x96xf32>
    %mul3A_996 = arith.mulf %sub3A_994, %sub3A_995 : vector<196x96xf32>
    %swap3A_997 = arith.constant 0 : index
    %swap3A_998 = arith.constant 2 : index
    %swap3A_999 = arith.constant 0 : index
    %swap3A_1000 = arith.constant 672 : index
    %swap3A_1001 = vector.load %arg6[%swap3A_997, %swap3A_998, %swap3A_999, %swap3A_1000] : memref<1x4x196x768xf32, #tpu.memory_space<vmem>>, vector<1x1x196x96xf32>
    %swap3A_1002 = vector.shape_cast %swap3A_1001 : vector<1x1x196x96xf32> to vector<196x96xf32>
    %swap3A_1003 = vector.shape_cast %mul3A_996 : vector<196x96xf32> to vector<1x1x196x96xf32>
    tpu.vector_store %arg6[%swap3A_997, %swap3A_998, %swap3A_999, %swap3A_1000], %swap3A_1003 {strides = array<i32>} : memref<1x4x196x768xf32, #tpu.memory_space<vmem>>, vector<1x1x196x96xf32>,
    %get3A_1004 = arith.constant 3 : index
    %get3A_1005 = arith.constant 588 : index
    %get3A_1006 = arith.constant 0 : index
    %get3A_1007 = vector.load %arg2[%get3A_1004, %get3A_1005, %get3A_1006] : memref<4x832x128xf32, #tpu.memory_space<vmem>>, vector<1x196x96xf32>
    %get3A_1008 = vector.shape_cast %get3A_1007 : vector<1x196x96xf32> to vector<196x96xf32>
    %get3A_1009 = arith.constant 3 : index
    %get3A_1010 = arith.constant 0 : index
    %get3A_1011 = arith.constant 672 : index
    %get3A_1012 = vector.load %arg0[%get3A_1009, %get3A_1010, %get3A_1011] : memref<4x196x768xf32, #tpu.memory_space<vmem>>, vector<1x196x96xf32>
    %get3A_1013 = vector.shape_cast %get3A_1012 : vector<1x196x96xf32> to vector<196x96xf32>
    %sub3A_1014 = arith.subf %get3A_1008, %get3A_1013 : vector<196x96xf32>
    %add3A_1015 = arith.addf %get3A_1013, %sub3A_1014 : vector<196x96xf32>
    %swap3A_1016 = arith.constant 0 : index
    %swap3A_1017 = arith.constant 3 : index
    %swap3A_1018 = arith.constant 0 : index
    %swap3A_1019 = arith.constant 672 : index
    %swap3A_1020 = vector.load %arg5[%swap3A_1016, %swap3A_1017, %swap3A_1018, %swap3A_1019] : memref<1x4x196x768xf32, #tpu.memory_space<vmem>>, vector<1x1x196x96xf32>
    %swap3A_1021 = vector.shape_cast %swap3A_1020 : vector<1x1x196x96xf32> to vector<196x96xf32>
    %swap3A_1022 = vector.shape_cast %add3A_1015 : vector<196x96xf32> to vector<1x1x196x96xf32>
    tpu.vector_store %arg5[%swap3A_1016, %swap3A_1017, %swap3A_1018, %swap3A_1019], %swap3A_1022 {strides = array<i32>} : memref<1x4x196x768xf32, #tpu.memory_space<vmem>>, vector<1x1x196x96xf32>,
    %sub3A_1023 = arith.subf %add3A_1015, %get3A_1013 : vector<196x96xf32>
    %sub3A_1024 = arith.subf %add3A_1015, %get3A_1013 : vector<196x96xf32>
    %mul3A_1025 = arith.mulf %sub3A_1023, %sub3A_1024 : vector<196x96xf32>
    %swap3A_1026 = arith.constant 0 : index
    %swap3A_1027 = arith.constant 3 : index
    %swap3A_1028 = arith.constant 0 : index
    %swap3A_1029 = arith.constant 672 : index
    %swap3A_1030 = vector.load %arg6[%swap3A_1026, %swap3A_1027, %swap3A_1028, %swap3A_1029] : memref<1x4x196x768xf32, #tpu.memory_space<vmem>>, vector<1x1x196x96xf32>
    %swap3A_1031 = vector.shape_cast %swap3A_1030 : vector<1x1x196x96xf32> to vector<196x96xf32>
    %swap3A_1032 = vector.shape_cast %mul3A_1025 : vector<196x96xf32> to vector<1x1x196x96xf32>
    tpu.vector_store %arg6[%swap3A_1026, %swap3A_1027, %swap3A_1028, %swap3A_1029], %swap3A_1032 {strides = array<i32>} : memref<1x4x196x768xf32, #tpu.memory_space<vmem>>, vector<1x1x196x96xf32>,
    %get3A_1033 = arith.constant 3 : index
    %get3A_1034 = arith.constant 0 : index
    %get3A_1035 = arith.constant 0 : index
    %get3A_1036 = vector.load %arg4[%get3A_1033, %get3A_1034, %get3A_1035] : memref<4x1x784xi32, #tpu.memory_space<vmem>>, vector<1x1x784xi32>
    %get3A_1037 = vector.shape_cast %get3A_1036 : vector<1x1x784xi32> to vector<1x784xi32>
    %slice3A_1038 = vector.extract_strided_slice %get3A_1037 {offsets = [0, 0], sizes = [1, 196], strides = [1, 1]} : vector<1x784xi32> to vector<1x196xi32>
    %slice3A_1039 = vector.extract_strided_slice %get3A_1037 {offsets = [0, 196], sizes = [1, 196], strides = [1, 1]} : vector<1x784xi32> to vector<1x196xi32>
    %slice3A_1040 = vector.extract_strided_slice %get3A_1037 {offsets = [0, 392], sizes = [1, 196], strides = [1, 1]} : vector<1x784xi32> to vector<1x196xi32>
    %slice3A_1041 = vector.extract_strided_slice %get3A_1037 {offsets = [0, 588], sizes = [1, 196], strides = [1, 1]} : vector<1x784xi32> to vector<1x196xi32>
    %concatenate3A_1042 = tpu.concatenate %slice3A_1038, %slice3A_1039, %slice3A_1040, %slice3A_1041 in 0 : vector<1x196xi32>, vector<1x196xi32>, vector<1x196xi32>, vector<1x196xi32> -> vector<4x196xi32>
    %swap3A_1043 = arith.constant 7 : index
    %swap3A_1044 = arith.constant 0 : index
    %swap3A_1045 = arith.constant 0 : index
    %swap3A_1046 = vector.load %arg7[%swap3A_1043, %swap3A_1044, %swap3A_1045] : memref<8x4x196xi32, #tpu.memory_space<vmem>>, vector<1x4x196xi32>
    %swap3A_1047 = vector.shape_cast %swap3A_1046 : vector<1x4x196xi32> to vector<4x196xi32>
    %swap3A_1048 = vector.shape_cast %concatenate3A_1042 : vector<4x196xi32> to vector<1x4x196xi32>
    tpu.vector_store %arg7[%swap3A_1043, %swap3A_1044, %swap3A_1045], %swap3A_1048 {strides = array<i32>} : memref<8x4x196xi32, #tpu.memory_space<vmem>>, vector<1x4x196xi32>,
    return
  }
}

</mosaic_0001>

<sc_bundles>
// kernel: kernel.10.cloned.1.call-start
scs
__scs_entry_jumppad:
0x0: {  	(pc) =	sbr.rel $0x88, $3  }
0x1: {  	(tag) =	ssettag $0x0;
	lr =	simm.s32 $0x1  }
0x2: {  	[smem:$0x3F9F] =	sst lr;
	_ =	strace $0xD0000000  }
0x3: {  	_ = 	snop  }
0x4: {  	_ = 	snop  }
0x5: {  	_ = 	snop  }
0x6: {  	_ = 	snop  }
0x7: {  	_ = 	snop  }
__scs_overlays_trampoline_lowered:
0x8: {  	[smem:$0x3FAE] =	sst s0  }
0x9: {  	[smem:$0x3FAF] =	sst s1  }
0xa: {  	[smem:$0x3FB0] =	sst s2  }
0xb: {  	[smem:$0x3FB1] =	sst s3  }
0xc: {  	[smem:$0x3FB2] =	sst s4  }
0xd: {  	[smem:$0x3FB3] =	sst s5  }
0xe: {  	[smem:$0x3FB4] =	sst s6  }
0xf: {  	[smem:$0x3FB5] =	sst s7  }
0x10: {  	[smem:$0x3FB6] =	sst s8  }
0x11: {  	[smem:$0x3FB7] =	sst s9;
	s0 =	simm.s32 @!p0 $0x0  }
0x12: {  	s1 =	sld [smem:$0x3F9D];
	s0 =	simm.s32 @p0 $0x1  }
0x13: {  	[smem:$0x3FB8] =	sst s0;
	s0 =	simm.s32 @!p1 $0x0  }
0x14: {  	s2 =	sld [smem:$0x3F9C];
	s0 =	simm.s32 @p1 $0x1  }
0x15: {  	[smem:$0x3FB9] =	sst s0;
	s0 =	simm.s32 @!p2 $0x0  }
0x16: {  	s3 =	sld [smem:$0x3FDB];
	s0 =	simm.s32 @p2 $0x1  }
0x17: {  	s4 =	simm.s32 $0x1BF5;
	[smem:$0x3FBB] =	sst s0  }
0x18: {  	s0 =	sld [smem:$0x3F9E];
	_ =	swait.ge [sflag:s4], $0x0  }
0x19: {  	s7 =	sld [smem:$0x3F9F]  }
0x1a: {  	s8 =	sadd.s32 $0xFFFFE003, lr  }
0x1b: {  	s9 =	sadd.s32 $0xFFFFFEF7, lr;
	s5 =	simm.s32 $0xFFFFFFFF;
	p2 =	slt.u32 s8, $0xFFFFF086  }
0x1c: {  	p1 =	slt.u32 s9, $0xF7A;
	s5 =	simm.s32 @!p2 $0x0  }
0x1d: {  	s5 =	simm.s32 @p1 $0x1;
	p0 =	seq.s32 s7, s2  }
0x1e: {  	s7 =	smul.u32 @!p0 $0xF7A, s2;
	p2 =	seq.s32 @!p0 s5, $0x0  }
0x1f: {  	s9 =	smul.u32 $0xF7A, s1;
	s8 =	simm.s32 @!p0 $0x1BF5;
	p2 =	por !p2, p0  }
0x20: {  	[sflag:s8] =	ssyncset.s32 @!p0 $0xFFFFF086;
	s6 =	sadd.s32 @!p0 s3, s7;
	s7 =	simm.s32 @!p0 $0x108  }
0x21: {  	s3 =	sadd.s32 s3, s9;
	s6 =	sadd.s32 @!p0 $0x88, s6;
	s7 =	simm.s32 @p2 $0x1082  }
0x22: {  	[simem:s7], [sflag:s8] =	dma.local @!p0 [hbm:s6], $0xF7A  }
0x23: {  	s9 =	sor.u32 $0xD0000000, s2;
	s6 =	simm.s32 $0x108;
	_ =	swait.ge @!p0 [sflag:s8], $0x0  }
0x24: {  	s3 =	sadd.s32 $0x88, s3;
	s6 =	simm.s32 @!p1 $0x1082;
	[sflag:s4] =	ssyncset.s32 $0xFFFFF086  }
0x25: {  	[simem:s6], [sflag:s4] =	dma.local [hbm:s3], $0xF7A  }
0x26: {  	[smem:$0x3F9F] =	sst s1;
	(tag) =	ssettag s2;
	_ =	strace s9  }
0x27: {  	s1 =	sld [smem:$0x3FAF]  }
0x28: {  	s2 =	sld [smem:$0x3FB0]  }
0x29: {  	s4 =	sld [smem:$0x3FB2]  }
0x2a: {  	p0 =	seq.s32 s5, $0x0;
	s5 =	sld [smem:$0x3FB3]  }
0x2b: {  	s6 =	sld [smem:$0x3FB4]  }
0x2c: {  	s7 =	sld [smem:$0x3FB5]  }
0x2d: {  	s3 =	simm.s32 $0x108;
	s8 =	sld [smem:$0x3FB6]  }
0x2e: {  	s3 =	simm.s32 @!p0 $0x1082;
	s9 =	sld [smem:$0x3FB7]  }
0x2f: {  	lr =	sadd.s32 s0, s3;
	s0 =	sld [smem:$0x3FAE]  }
0x30: {  	s3 =	sld [smem:$0x3FB1]  }
0x31: {  	[smem:$0x3FBA] =	sst s10  }
0x32: {  	s10 =	sld [smem:$0x3FB8];
	_ =	sdelay $0x3  }
0x33: {  	p0 =	seq.s32 s10, $0x1;
	s10 =	sld [smem:$0x3FBA];
	_ =	sdelay $0x3  }
0x34: {  	[smem:$0x3FBA] =	sst s10  }
0x35: {  	s10 =	sld [smem:$0x3FB9];
	_ =	sdelay $0x3  }
0x36: {  	p1 =	seq.s32 s10, $0x1;
	s10 =	sld [smem:$0x3FBA];
	_ =	sdelay $0x3  }
0x37: {  	[smem:$0x3FBA] =	sst s10  }
0x38: {  	s10 =	sld [smem:$0x3FBB]  }
0x39: {  	_ = 	snop;
	(pc) =	sbr.ind lr, $3  }
0x3a: {  	_ = 	snop  }
0x3b: {  	_ = 	snop  }
0x3c: {  	p2 =	seq.s32 s10, $0x1;
	s10 =	sld [smem:$0x3FBA]  }
0x3d: {  	_ =	shalt  }
0x3e: {  	_ =	shalt  }
0x3f: {  	_ =	shalt  }
0x40: {  	_ =	shalt  }
0x41: {  	_ =	shalt  }
0x42: {  	_ =	shalt  }
0x43: {  	_ =	shalt  }
0x44: {  	_ =	shalt  }
0x45: {  	_ =	shalt  }
0x46: {  	_ =	shalt  }
0x47: {  	_ =	shalt  }
0x48: {  	_ =	shalt  }
0x49: {  	_ =	shalt  }
0x4a: {  	_ =	shalt  }
0x4b: {  	_ =	shalt  }
0x4c: {  	_ =	shalt  }
0x4d: {  	_ =	shalt  }
0x4e: {  	_ =	shalt  }
0x4f: {  	_ =	shalt  }
0x50: {  	_ =	shalt  }
0x51: {  	_ =	shalt  }
0x52: {  	_ =	shalt  }
0x53: {  	_ =	shalt  }
0x54: {  	_ =	shalt  }
0x55: {  	_ =	shalt  }
0x56: {  	_ =	shalt  }
0x57: {  	_ =	shalt  }
0x58: {  	_ =	shalt  }
0x59: {  	_ =	shalt  }
0x5a: {  	_ =	shalt  }
0x5b: {  	_ =	shalt  }
0x5c: {  	_ =	shalt  }
0x5d: {  	_ =	shalt  }
0x5e: {  	_ =	shalt  }
0x5f: {  	_ =	shalt  }
0x60: {  	_ =	shalt  }
0x61: {  	_ =	shalt  }
0x62: {  	_ =	shalt  }
0x63: {  	_ =	shalt  }
0x64: {  	_ =	shalt  }
0x65: {  	_ =	shalt  }
0x66: {  	_ =	shalt  }
0x67: {  	_ =	shalt  }
0x68: {  	_ =	shalt  }
0x69: {  	_ =	shalt  }
0x6a: {  	_ =	shalt  }
0x6b: {  	_ =	shalt  }
0x6c: {  	_ =	shalt  }
0x6d: {  	_ =	shalt  }
0x6e: {  	_ =	shalt  }
0x6f: {  	_ =	shalt  }
0x70: {  	_ =	shalt  }
0x71: {  	_ =	shalt  }
0x72: {  	_ =	shalt  }
0x73: {  	_ =	shalt  }
0x74: {  	_ =	shalt  }
0x75: {  	_ =	shalt  }
0x76: {  	_ =	shalt  }
0x77: {  	_ =	shalt  }
0x78: {  	_ =	shalt  }
0x79: {  	_ =	shalt  }
0x7a: {  	_ =	shalt  }
0x7b: {  	_ =	shalt  }
0x7c: {  	_ =	shalt  }
0x7d: {  	_ =	shalt  }
0x7e: {  	_ =	shalt  }
0x7f: {  	_ =	shalt  }
0x80: {  	_ =	shalt  }
0x81: {  	_ =	shalt  }
0x82: {  	_ =	shalt  }
0x83: {  	_ =	shalt  }
0x84: {  	_ =	shalt  }
0x85: {  	_ =	shalt  }
0x86: {  	_ =	shalt  }
0x87: {  	_ =	shalt  }
.Lfunc_end0:
.L_simem_size_0:
called_computation.1_lowered:
.L_overlay_start_0:
0x88: {  	s2 =	sld [smem:$0x3FD9]  }
0x89: {  	s3 =	sld [smem:$0x3FFE];
	_ =	sdelay $0x1  }
0x8a: {  	s1 =	srdreg.scid  }
0x8b: {  	s0 =	sand.u32 $0x1, s1  }
0x8c: {  	s14 =	sshll.u32 s0, $0xA;
	s2 =	sadd.s32 s3, s2  }
0x8d: {  	s2 =	sadd.s32 s2, s14  }
0x8e: {  	[smem:$0x3FC6] =	sst s2  }
0x8f: {  	_ = 	snop  }
0x90: {  	s2 =	sld [smem:$0x3FD0];
	_ =	sdelay $0x2  }
0x91: {  	s15 =	simm.s32 $0xB;
	s4 =	simm.s32 $0x10  }
0x92: {  	[smem:s4], [sflag:s15] =	dma.local [hbm:s2], $0x1  }
0x93: {  	_ =	swait.eq [sflag:s15], $0x1  }
0x94: {  	[sflag:s15] =	ssyncset.done $0x0  }
0x95: {  	[sflag:s15] =	ssyncadd.s32 $0xFFFFFFFF  }
0x96: {  	s16 =	sld [smem:$0x10];
	(tm) =	ssettm $0x1  }
0x97: {  	s17 =	sld [smem:$0x3FFB];
	_ =	sdelay $0x3  }
0x98: {  	_ =	strace s17  }
0x99: {  	s3 =	sld [smem:$0x3FFC];
	_ =	sdelay $0x3  }
0x9a: {  	_ =	strace s3  }
0x9b: {  	s3 =	sld [smem:$0x3FFD];
	_ =	sdelay $0x3  }
0x9c: {  	_ =	strace s3  }
0x9d: {  	_ =	strace $0x8FFFFFFF  }
0x9e: {  	s18 =	sld [smem:$0x3FDB];
	_ =	sdelay $0x1  }
0x9f: {  	s19 =	simm.s32 $_scs_section_size  }
0xa0: {  	s5 =	simm.s32 $_size__tile_overlayer_lowered;
	s6 =	simm.s32 $_tile_overlayer_lowered  }
0xa1: {  	s22 =	simm.s32 $0x1BFF;
	s21 =	sshll.u32 s6, $0x1;
	s3 =	sadd.s32 s19, s18  }
0xa2: {  	s7 =	simm.s32 $0x0;
	s20 =	sshll.u32 s5, $0x1;
	s5 =	sadd.s32 s21, s3  }
0xa3: {  	[timem:s7], [sflag:s22] =	dma.local [hbm:s5], s20  }
0xa4: {  	_ =	swait.ge [sflag:s22], s20  }
0xa5: {  	s4 =	ssub.s32 $0x0, s20;
	[sflag:s22] =	ssyncset.done $0x0  }
0xa6: {  	[sflag:s22] =	ssyncadd.s32 s4;
	_ =	sdelay $0x1  }
0xa7: {  	s23 =	simm.s32 $0x1B8B  }
0xa8: {  	_ =	swait.ge [sflag:s23], $0x1  }
0xa9: {  	[sflag:s23] =	ssyncset.done $0x0  }
0xaa: {  	s25 =	simm.s32 $0x1B8E;
	s24 =	sld [smem:$0x3FFE];
	[sflag:s23] =	ssyncadd.s32 $0xFFFFFFFF  }
0xab: {  	s26 =	simm.s32 $execute0_lowered;
	[smem:$0x3FD2] =	sst s25  }
0xac: {  	s5 =	sshll.u32 s26, $0x1;
	_ =	strace $0x80000046;
	[dreg:$0x1] =	wrdreg $0xFFFFFFFF  }
0xad: {  	s28 =	simm.s32 $_size_execute0_lowered;
	s3 =	sadd.s32 s3, s5;
	[dreg:$0x0] =	wrdreg $0x0  }
0xae: {  	s5 =	sshll.u32 s28, $0x1;
	[dreg:$0x2] =	wrdreg s3  }
0xaf: {  	[dreg:$0x3] =	wrdreg s5  }
0xb0: {  	[dreg:$0x4] =	wrdreg $0xC0  }
0xb1: {  	_ =	task [dreg:s7], $0x5FFFF  }
0xb2: {  	[dreg:$0x1] =	wrdreg $0xFFFFFFFF  }
0xb3: {  	[dreg:$0x0] =	wrdreg $0x60  }
0xb4: {  	[dreg:$0x2] =	wrdreg s24  }
0xb5: {  	[dreg:$0x3] =	wrdreg s16  }
0xb6: {  	[dreg:$0x4] =	wrdreg $0xA  }
0xb7: {  	_ =	task.clear_ibuf [dreg:s7], $0x5FFFF;
	_ =	strace $0x90000046  }
0xb8: {  	s29 =	simm.s32 $0xA;
	_ =	strace $0x80000048  }
0xb9: {  	_ =	swait.ge [sflag:s29], $0x1  }
0xba: {  	[sflag:s29] =	ssyncadd.s32 $0xFFFFFFFF  }
0xbb: {  	_ =	strace $0x90000048  }
0xbc: {  	_ =	sfence  }
0xbd: {  	s30 =	sld [smem:$0x0];
	_ =	sdelay $0x2  }
0xbe: {  	s31 =	sshll.u32 s1, $0xD;
	s1 =	sshrl.u32 s1, $0x2  }
0xbf: {  	s3 =	sand.u32 $0x4000, s31;
	s1 =	sadd.s32 s1, s30  }
0xc0: {  	s0 =	sor.u32 s3, s0;
	s1 =	sshll.u32 s1, $0x11  }
0xc1: {  	s0 =	sor.u32 s1, s0  }
0xc2: {  	s0 =	sadd.s32 $0x8F2B, s0  }
0xc3: {  	[sflag:s0] =	ssyncadd.remote.s32 $0x1  }
0xc4: {  	_ =	sfence.sel $0xFFFF  }
0xc5: {  	[dreg:$0x0] =	wrdreg $0xFFFFFFFF;
	(pc) =	sbr.abs _section_cstart, $3  }
0xc6: {  	[dreg:$0x1] =	wrdreg $0xFFFFFFFF  }
0xc7: {  	_ =	task.clear_ibuf [dreg:s7], $0x2FFFF;
	_ =	strace $0x9FFFFFFF  }
0xc8: {  	(tm) =	ssettm $0x7FFFFFFF  }
0xc9: {  	_ =	shalt  }
tec
execute0_lowered:
.L_overlay_start_1:
0x0: {  	(tag) =	ssettag $0x1  }
0x1: {  	s9 =	rddreg [dreg:$0x0]  }
0x2: {  	s2 =	rddreg [dreg:$0x1]  }
0x3: {  	s0 =	rddreg [dreg:$0x2]  }
0x4: {  	s4 =	srdreg.scid;
	s1 =	stileid.u32  }
0x5: {  	s3 =	simm.s32 $0x0;
	s6 =	sand.u32 $0x1, s4;
	s30 =	sshll.u32 s1, $0x1  }
0x6: {  	[smem:$0x7FF] =	sst s3;
	s7 =	sshrl.u32 s1, $0x2;
	s4 =	sor.u32 s6, s30  }
0x7: {  	_ =	strace $0x80000047;
	s7 =	smul.u32 $0x1A000, s7;
	s11 =	ssub.s32 $0x2, s6  }
0x8: {  	s6 =	simm.s32 $0x68;
	s5 =	sshll.u32 s4, $0x4;
	s4 =	sand.u32 $0x7, s4  }
0x9: {  	s12 =	sshrl.u32 s11, $0x1;
	s5 =	sadd.s32 s5, s9;
	s8 =	smul.u32 $0x3400, s4  }
0xa: {  	s4 =	simm.s32 $0x2;
	s31 =	ssub.s32 s11, s12;
	s5 =	sadd.s32 $0x1C00, s5  }
0xb: {  	[tilespmem:s3], [sflag:$0x2] =	stream.linear.gather [hbm4b:s5+s3], $0x80, $0x38;
	[tilespmem:$0x3480] =	vst v63  }
0xc: {  	s10 =	sadd.s32 s7, s8;
	s7 =	simm.s32 $0x80;
	_ =	swait.ge [sflag:s4], $0x80  }
0xd: {  	s8 =	simm.s32 $0x1;
	s10 =	sshrl.u32 s10, $0x3;
	[sflag:s4] =	ssyncset.done $0x0  }
0xe: {  	s9 =	sadd.s32 s10, s9;
	s10 =	smax.u32 s31, $0x1;
	[sflag:s4] =	ssyncadd.s32 $0xFFFFFF80  }
0xf: {  	[tilespmem:s7], [sflag:$0x1] =	stream.indirect.gather [hbm4b:s2+s6], $0x80, s3, s6, $0xb8;
	[tilespmem:$0x3480] =	vst v63  }
0x10: {  	p0 =	sne.s32 s10, $0x1;
	_ =	swait.ge [sflag:s8], $0x3400  }
.Ltmp0:
0x11: {  	[sflag:s8] =	ssyncset.done $0x0;
	(pc) =	sbr.rel @!p0 .LBB2_2-.Ltmp0, $4  }
0x12: {  	s9 =	sadd.s32 $0x1E00, s9;
	[sflag:s8] =	ssyncadd.s32 $0xFFFFCC00  }
0x13: {  	[hbm4b:s9+s3] =	stream.linear.scatter [tilespmem:s7], [sflag:$0x2], $0x3400, $0x38;
	[tilespmem:$0x3480] =	vst v63  }
0x14: {  	_ =	swait.ge [sflag:s4], $0x3400  }
0x15: {  	s10 =	sadd.s32 $0xFFFFFFFF, s10;
	[sflag:s4] =	ssyncset.done $0x0  }
.LBB2_1:
0x16: {  	p0 =	sne.s32 s10, $0x1;
	s10 =	sadd.s32 $0xFFFFFFFF, s10;
	[sflag:s4] =	ssyncadd.s32 $0xFFFFCC00  }
0x17: {  	[tilespmem:s3], [sflag:$0x2] =	stream.linear.gather [hbm4b:s5+s3], $0x80, $0x38;
	[tilespmem:$0x3480] =	vst v63  }
0x18: {  	_ =	swait.ge [sflag:s4], $0x80  }
0x19: {  	[sflag:s4] =	ssyncset.done $0x0  }
0x1a: {  	[sflag:s4] =	ssyncadd.s32 $0xFFFFFF80  }
0x1b: {  	[tilespmem:s7], [sflag:$0x1] =	stream.indirect.gather [hbm4b:s2+s6], $0x80, s3, s6, $0xb8;
	[tilespmem:$0x3480] =	vst v63  }
0x1c: {  	_ =	swait.ge [sflag:s8], $0x3400  }
.Ltmp1:
0x1d: {  	[sflag:s8] =	ssyncset.done $0x0;
	(pc) =	sbr.rel @p0 .LBB2_1-.Ltmp1, $4  }
0x1e: {  	[sflag:s8] =	ssyncadd.s32 $0xFFFFCC00  }
0x1f: {  	[hbm4b:s9+s3] =	stream.linear.scatter [tilespmem:s7], [sflag:$0x2], $0x3400, $0x38;
	[tilespmem:$0x3480] =	vst v63  }
0x20: {  	_ =	swait.ge [sflag:s4], $0x3400  }
0x21: {  	[sflag:s4] =	ssyncset.done $0x0  }
.LBB2_2:
0x22: {  	[sflag:s4] =	ssyncadd.s32 $0xFFFFCC00  }
0x23: {  	_ =	sfence.sel $0x180000  }
0x24: {  	[bflag:$0x0] =	sbarrier.arrive $0xFFFF  }
0x25: {  	p0 =	sne.s32 s1, $0x0;
	_ =	strace $0x90000047  }
0x26: {  	s0 =	sadd.s32 @!p0 $0x100000, s0;
	[bflag:$0x2] =	sbarrier.arrive $0xFFFF  }
0x27: {  	[sflag:s0] =	ssyncadd.tile.s32 @!p0 $0x1;
	_ =	shalt  }
.Lfunc_end2:
_tile_overlayer_lowered:
.L_overlay_start_2:
0x28: {  	(tag) =	ssettag $0x2  }
0x29: {  	s0 =	rddreg [dreg:$0x0];
	s2 =	stileid.u32  }
0x2a: {  	s1 =	rddreg [dreg:$0x1];
	p0 =	sne.s32 s2, $0x0  }
0x2b: {  	s3 =	rddreg [dreg:$0x2];
	[bflag:$0x3] =	sbarrier.arrive $0xFFFF;
	s2 =	simm.s32 @!p0 $0x1C02  }
0x2c: {  	[timem:s3], [sflag:s2] =	dma.local @!p0 [hbm:s0], s1  }
0x2d: {  	s0 =	simm.s32 @!p0 $0x2  }
0x2e: {  	_ =	swait.ge @!p0 [sflag:s0], s1  }
0x2f: {  	s1 =	ssub.s32 @!p0 $0x0, s1;
	[sflag:s0] =	ssyncset.done @!p0 $0x0  }
0x30: {  	[sflag:s0] =	ssyncadd.s32 @!p0 s1  }
0x31: {  	[bflag:$0x3] =	sbarrier.arrive $0xFFFF  }
0x32: {  	_ =	shalt  }

// kernel: kernel.7.cloned.1.call-start
scs
__scs_entry_jumppad:
0x0: {  	(pc) =	sbr.rel $0x88, $3  }
0x1: {  	(tag) =	ssettag $0x0;
	lr =	simm.s32 $0x1  }
0x2: {  	[smem:$0x3F9F] =	sst lr;
	_ =	strace $0xD0000000  }
0x3: {  	_ = 	snop  }
0x4: {  	_ = 	snop  }
0x5: {  	_ = 	snop  }
0x6: {  	_ = 	snop  }
0x7: {  	_ = 	snop  }
__scs_overlays_trampoline_lowered:
0x8: {  	[smem:$0x3FAE] =	sst s0  }
0x9: {  	[smem:$0x3FAF] =	sst s1  }
0xa: {  	[smem:$0x3FB0] =	sst s2  }
0xb: {  	[smem:$0x3FB1] =	sst s3  }
0xc: {  	[smem:$0x3FB2] =	sst s4  }
0xd: {  	[smem:$0x3FB3] =	sst s5  }
0xe: {  	[smem:$0x3FB4] =	sst s6  }
0xf: {  	[smem:$0x3FB5] =	sst s7  }
0x10: {  	[smem:$0x3FB6] =	sst s8  }
0x11: {  	[smem:$0x3FB7] =	sst s9;
	s0 =	simm.s32 @!p0 $0x0  }
0x12: {  	s1 =	sld [smem:$0x3F9D];
	s0 =	simm.s32 @p0 $0x1  }
0x13: {  	[smem:$0x3FB8] =	sst s0;
	s0 =	simm.s32 @!p1 $0x0  }
0x14: {  	s2 =	sld [smem:$0x3F9C];
	s0 =	simm.s32 @p1 $0x1  }
0x15: {  	[smem:$0x3FB9] =	sst s0;
	s0 =	simm.s32 @!p2 $0x0  }
0x16: {  	s3 =	sld [smem:$0x3FDB];
	s0 =	simm.s32 @p2 $0x1  }
0x17: {  	s4 =	simm.s32 $0x1BF5;
	[smem:$0x3FBB] =	sst s0  }
0x18: {  	s0 =	sld [smem:$0x3F9E];
	_ =	swait.ge [sflag:s4], $0x0  }
0x19: {  	s7 =	sld [smem:$0x3F9F]  }
0x1a: {  	s8 =	sadd.s32 $0xFFFFE003, lr  }
0x1b: {  	s9 =	sadd.s32 $0xFFFFFEF7, lr;
	s5 =	simm.s32 $0xFFFFFFFF;
	p2 =	slt.u32 s8, $0xFFFFF086  }
0x1c: {  	p1 =	slt.u32 s9, $0xF7A;
	s5 =	simm.s32 @!p2 $0x0  }
0x1d: {  	s5 =	simm.s32 @p1 $0x1;
	p0 =	seq.s32 s7, s2  }
0x1e: {  	s7 =	smul.u32 @!p0 $0xF7A, s2;
	p2 =	seq.s32 @!p0 s5, $0x0  }
0x1f: {  	s9 =	smul.u32 $0xF7A, s1;
	s8 =	simm.s32 @!p0 $0x1BF5;
	p2 =	por !p2, p0  }
0x20: {  	[sflag:s8] =	ssyncset.s32 @!p0 $0xFFFFF086;
	s6 =	sadd.s32 @!p0 s3, s7;
	s7 =	simm.s32 @!p0 $0x108  }
0x21: {  	s3 =	sadd.s32 s3, s9;
	s6 =	sadd.s32 @!p0 $0x88, s6;
	s7 =	simm.s32 @p2 $0x1082  }
0x22: {  	[simem:s7], [sflag:s8] =	dma.local @!p0 [hbm:s6], $0xF7A  }
0x23: {  	s9 =	sor.u32 $0xD0000000, s2;
	s6 =	simm.s32 $0x108;
	_ =	swait.ge @!p0 [sflag:s8], $0x0  }
0x24: {  	s3 =	sadd.s32 $0x88, s3;
	s6 =	simm.s32 @!p1 $0x1082;
	[sflag:s4] =	ssyncset.s32 $0xFFFFF086  }
0x25: {  	[simem:s6], [sflag:s4] =	dma.local [hbm:s3], $0xF7A  }
0x26: {  	[smem:$0x3F9F] =	sst s1;
	(tag) =	ssettag s2;
	_ =	strace s9  }
0x27: {  	s1 =	sld [smem:$0x3FAF]  }
0x28: {  	s2 =	sld [smem:$0x3FB0]  }
0x29: {  	s4 =	sld [smem:$0x3FB2]  }
0x2a: {  	p0 =	seq.s32 s5, $0x0;
	s5 =	sld [smem:$0x3FB3]  }
0x2b: {  	s6 =	sld [smem:$0x3FB4]  }
0x2c: {  	s7 =	sld [smem:$0x3FB5]  }
0x2d: {  	s3 =	simm.s32 $0x108;
	s8 =	sld [smem:$0x3FB6]  }
0x2e: {  	s3 =	simm.s32 @!p0 $0x1082;
	s9 =	sld [smem:$0x3FB7]  }
0x2f: {  	lr =	sadd.s32 s0, s3;
	s0 =	sld [smem:$0x3FAE]  }
0x30: {  	s3 =	sld [smem:$0x3FB1]  }
0x31: {  	[smem:$0x3FBA] =	sst s10  }
0x32: {  	s10 =	sld [smem:$0x3FB8];
	_ =	sdelay $0x3  }
0x33: {  	p0 =	seq.s32 s10, $0x1;
	s10 =	sld [smem:$0x3FBA];
	_ =	sdelay $0x3  }
0x34: {  	[smem:$0x3FBA] =	sst s10  }
0x35: {  	s10 =	sld [smem:$0x3FB9];
	_ =	sdelay $0x3  }
0x36: {  	p1 =	seq.s32 s10, $0x1;
	s10 =	sld [smem:$0x3FBA];
	_ =	sdelay $0x3  }
0x37: {  	[smem:$0x3FBA] =	sst s10  }
0x38: {  	s10 =	sld [smem:$0x3FBB]  }
0x39: {  	_ = 	snop;
	(pc) =	sbr.ind lr, $3  }
0x3a: {  	_ = 	snop  }
0x3b: {  	_ = 	snop  }
0x3c: {  	p2 =	seq.s32 s10, $0x1;
	s10 =	sld [smem:$0x3FBA]  }
0x3d: {  	_ =	shalt  }
0x3e: {  	_ =	shalt  }
0x3f: {  	_ =	shalt  }
0x40: {  	_ =	shalt  }
0x41: {  	_ =	shalt  }
0x42: {  	_ =	shalt  }
0x43: {  	_ =	shalt  }
0x44: {  	_ =	shalt  }
0x45: {  	_ =	shalt  }
0x46: {  	_ =	shalt  }
0x47: {  	_ =	shalt  }
0x48: {  	_ =	shalt  }
0x49: {  	_ =	shalt  }
0x4a: {  	_ =	shalt  }
0x4b: {  	_ =	shalt  }
0x4c: {  	_ =	shalt  }
0x4d: {  	_ =	shalt  }
0x4e: {  	_ =	shalt  }
0x4f: {  	_ =	shalt  }
0x50: {  	_ =	shalt  }
0x51: {  	_ =	shalt  }
0x52: {  	_ =	shalt  }
0x53: {  	_ =	shalt  }
0x54: {  	_ =	shalt  }
0x55: {  	_ =	shalt  }
0x56: {  	_ =	shalt  }
0x57: {  	_ =	shalt  }
0x58: {  	_ =	shalt  }
0x59: {  	_ =	shalt  }
0x5a: {  	_ =	shalt  }
0x5b: {  	_ =	shalt  }
0x5c: {  	_ =	shalt  }
0x5d: {  	_ =	shalt  }
0x5e: {  	_ =	shalt  }
0x5f: {  	_ =	shalt  }
0x60: {  	_ =	shalt  }
0x61: {  	_ =	shalt  }
0x62: {  	_ =	shalt  }
0x63: {  	_ =	shalt  }
0x64: {  	_ =	shalt  }
0x65: {  	_ =	shalt  }
0x66: {  	_ =	shalt  }
0x67: {  	_ =	shalt  }
0x68: {  	_ =	shalt  }
0x69: {  	_ =	shalt  }
0x6a: {  	_ =	shalt  }
0x6b: {  	_ =	shalt  }
0x6c: {  	_ =	shalt  }
0x6d: {  	_ =	shalt  }
0x6e: {  	_ =	shalt  }
0x6f: {  	_ =	shalt  }
0x70: {  	_ =	shalt  }
0x71: {  	_ =	shalt  }
0x72: {  	_ =	shalt  }
0x73: {  	_ =	shalt  }
0x74: {  	_ =	shalt  }
0x75: {  	_ =	shalt  }
0x76: {  	_ =	shalt  }
0x77: {  	_ =	shalt  }
0x78: {  	_ =	shalt  }
0x79: {  	_ =	shalt  }
0x7a: {  	_ =	shalt  }
0x7b: {  	_ =	shalt  }
0x7c: {  	_ =	shalt  }
0x7d: {  	_ =	shalt  }
0x7e: {  	_ =	shalt  }
0x7f: {  	_ =	shalt  }
0x80: {  	_ =	shalt  }
0x81: {  	_ =	shalt  }
0x82: {  	_ =	shalt  }
0x83: {  	_ =	shalt  }
0x84: {  	_ =	shalt  }
0x85: {  	_ =	shalt  }
0x86: {  	_ =	shalt  }
0x87: {  	_ =	shalt  }
.Lfunc_end0:
.L_simem_size_0:
called_computation_lowered:
.L_overlay_start_0:
0x88: {  	s2 =	sld [smem:$0x3FD9]  }
0x89: {  	s3 =	sld [smem:$0x3FFE];
	_ =	sdelay $0x1  }
0x8a: {  	s1 =	srdreg.scid  }
0x8b: {  	s0 =	sand.u32 $0x1, s1  }
0x8c: {  	s16 =	sshll.u32 s0, $0xA;
	s2 =	sadd.s32 s3, s2  }
0x8d: {  	s2 =	sadd.s32 s2, s16  }
0x8e: {  	[smem:$0x3FC6] =	sst s2  }
0x8f: {  	_ = 	snop  }
0x90: {  	s2 =	sld [smem:$0x3FD0];
	_ =	sdelay $0x2  }
0x91: {  	s4 =	simm.s32 $0xB;
	s17 =	simm.s32 $0x10  }
0x92: {  	[smem:s17], [sflag:s4] =	dma.local [hbm:s2], $0x1  }
0x93: {  	_ =	swait.eq [sflag:s4], $0x1  }
0x94: {  	s18 =	sld [smem:$0x11];
	[sflag:s4] =	ssyncset.done $0x0  }
0x95: {  	s5 =	sld [smem:$0x12];
	[sflag:s4] =	ssyncadd.s32 $0xFFFFFFFF  }
0x96: {  	s19 =	sld [smem:$0x13];
	(tm) =	ssettm $0x1  }
0x97: {  	s20 =	sld [smem:$0x3FFB];
	_ =	sdelay $0x3  }
0x98: {  	_ =	strace s20  }
0x99: {  	s2 =	sld [smem:$0x3FFC];
	_ =	sdelay $0x3  }
0x9a: {  	_ =	strace s2  }
0x9b: {  	s2 =	sld [smem:$0x3FFD];
	_ =	sdelay $0x3  }
0x9c: {  	_ =	strace s2  }
0x9d: {  	_ =	strace $0x8FFFFFFF  }
0x9e: {  	s21 =	sld [smem:$0x3FDB];
	_ =	sdelay $0x1  }
0x9f: {  	s6 =	simm.s32 $_scs_section_size  }
0xa0: {  	s7 =	simm.s32 $_size__tile_overlayer_lowered;
	s8 =	simm.s32 $_tile_overlayer_lowered  }
0xa1: {  	s9 =	simm.s32 $0x1BFF;
	s22 =	sshll.u32 s8, $0x1;
	s6 =	sadd.s32 s6, s21  }
0xa2: {  	s23 =	simm.s32 $0x0;
	s7 =	sshll.u32 s7, $0x1;
	s8 =	sadd.s32 s22, s6  }
0xa3: {  	[timem:s23], [sflag:s9] =	dma.local [hbm:s8], s7  }
0xa4: {  	_ =	swait.ge [sflag:s9], s7  }
0xa5: {  	s7 =	ssub.s32 $0x0, s7;
	[sflag:s9] =	ssyncset.done $0x0  }
0xa6: {  	[sflag:s9] =	ssyncadd.s32 s7;
	_ =	sdelay $0x1  }
0xa7: {  	s24 =	simm.s32 $0x1B8B  }
0xa8: {  	_ =	swait.ge [sflag:s24], $0x1  }
0xa9: {  	[sflag:s24] =	ssyncset.done $0x0  }
0xaa: {  	[sflag:s24] =	ssyncadd.s32 $0xFFFFFFFF  }
0xab: {  	s7 =	sld [smem:$0x0]  }
0xac: {  	s8 =	sand.u32 $0xFFFFFFFE, s1  }
0xad: {  	p0 =	sne.s32 s1, s8  }
0xae: {  	s8 =	sshll.u32 @p0 s8, $0xE  }
0xaf: {  	s8 =	sadd.s32 @p0 $0x11B8D, s8;
	s9 =	sshll.u32 @p0 s7, $0x11  }
0xb0: {  	s8 =	sor.u32 @p0 s9, s8  }
0xb1: {  	[sflag:s8] =	ssyncadd.remote.s32 @p0 $0x1;
	_ =	sdelay $0x1  }
0xb2: {  	s8 =	simm.s32 @p0 $0x1B8D  }
0xb3: {  	_ =	swait.eq @p0 [sflag:s8], $0x1  }
0xb4: {  	[sflag:s8] =	ssyncadd.s32 @p0 $0xFFFFFFFF  }
0xb5: {  	s9 =	sshll.u32 @!p0 s1, $0xE  }
0xb6: {  	s9 =	sor.u32 @!p0 $0x4000, s9;
	s8 =	simm.s32 @!p0 $0x1B8D  }
0xb7: {  	s7 =	sshll.u32 @!p0 s7, $0x11;
	s9 =	sadd.s32 @!p0 $0x11B8D, s9;
	_ =	swait.eq @!p0 [sflag:s8], $0x1  }
0xb8: {  	s7 =	sor.u32 @!p0 s7, s9;
	[sflag:s8] =	ssyncadd.s32 @!p0 $0xFFFFFFFF  }
0xb9: {  	s25 =	simm.s32 $0x1B8E;
	[sflag:s7] =	ssyncadd.remote.s32 @!p0 $0x1  }
0xba: {  	s26 =	simm.s32 $execute0_lowered;
	[smem:$0x3FD2] =	sst s25  }
0xbb: {  	s7 =	sshll.u32 s26, $0x1;
	_ =	strace $0x80000049;
	[dreg:$0x1] =	wrdreg $0xFFFFFFFF  }
0xbc: {  	s28 =	simm.s32 $_size_execute0_lowered;
	s6 =	sadd.s32 s6, s7;
	[dreg:$0x0] =	wrdreg $0x0  }
0xbd: {  	s7 =	sshll.u32 s28, $0x1;
	[dreg:$0x2] =	wrdreg s6  }
0xbe: {  	[dreg:$0x3] =	wrdreg s7  }
0xbf: {  	[dreg:$0x4] =	wrdreg $0xC0  }
0xc0: {  	_ =	task [dreg:s23], $0x5FFFF  }
0xc1: {  	[dreg:$0x1] =	wrdreg $0xFFFFFFFF  }
0xc2: {  	[dreg:$0x0] =	wrdreg $0x60  }
0xc3: {  	[dreg:$0x2] =	wrdreg s5  }
0xc4: {  	[dreg:$0x3] =	wrdreg s18  }
0xc5: {  	[dreg:$0x4] =	wrdreg s19  }
0xc6: {  	[dreg:$0x5] =	wrdreg $0x9  }
0xc7: {  	_ =	task.clear_ibuf [dreg:s23], $0x6FFFF;
	_ =	strace $0x90000049  }
0xc8: {  	s29 =	simm.s32 $0x9;
	_ =	strace $0x8000004B  }
0xc9: {  	_ =	swait.ge [sflag:s29], $0x1  }
0xca: {  	[sflag:s29] =	ssyncadd.s32 $0xFFFFFFFF  }
0xcb: {  	_ =	strace $0x9000004B  }
0xcc: {  	_ =	sfence  }
0xcd: {  	s30 =	sld [smem:$0x0];
	_ =	sdelay $0x2  }
0xce: {  	s31 =	sshll.u32 s1, $0xD;
	s1 =	sshrl.u32 s1, $0x2  }
0xcf: {  	s4 =	sand.u32 $0x4000, s31;
	s1 =	sadd.s32 s1, s30  }
0xd0: {  	s0 =	sor.u32 s4, s0;
	s1 =	sshll.u32 s1, $0x11  }
0xd1: {  	s0 =	sor.u32 s1, s0  }
0xd2: {  	s0 =	sadd.s32 $0x8F2B, s0  }
0xd3: {  	[sflag:s0] =	ssyncadd.remote.s32 $0x1  }
0xd4: {  	_ =	sfence.sel $0xFFFF  }
0xd5: {  	[dreg:$0x0] =	wrdreg $0xFFFFFFFF;
	(pc) =	sbr.abs _section_cstart, $3  }
0xd6: {  	[dreg:$0x1] =	wrdreg $0xFFFFFFFF  }
0xd7: {  	_ =	task.clear_ibuf [dreg:s23], $0x2FFFF;
	_ =	strace $0x9FFFFFFF  }
0xd8: {  	(tm) =	ssettm $0x7FFFFFFF  }
0xd9: {  	_ =	shalt  }
tec
execute0_lowered:
.L_overlay_start_1:
0x0: {  	(tag) =	ssettag $0x1  }
0x1: {  	s4 =	rddreg [dreg:$0x0]  }
0x2: {  	s2 =	rddreg [dreg:$0x1]  }
0x3: {  	s9 =	rddreg [dreg:$0x2]  }
0x4: {  	s0 =	rddreg [dreg:$0x3];
	s5 =	srdreg.scid  }
0x5: {  	s1 =	stileid.u32;
	s3 =	simm.s32 $0x0;
	s8 =	simm.s32 $0x1  }
0x6: {  	s5 =	sand.u32 $0x1, s5;
	s6 =	sshll.u32 s1, $0x1;
	[smem:$0x7FF] =	sst s3  }
0x7: {  	s7 =	sshrl.u32 s1, $0x2;
	s6 =	sor.u32 s5, s6;
	_ =	strace $0x8000004A  }
0x8: {  	s10 =	ssub.s32 $0x2, s5;
	s5 =	simm.s32 $0x2;
	s30 =	sshll.u32 s6, $0x4  }
0x9: {  	s11 =	smul.u32 $0x1A000, s7;
	s7 =	simm.s32 $0x80;
	s4 =	sadd.s32 s4, s30  }
0xa: {  	[tilespmem:s3], [sflag:$0x2] =	stream.linear.gather [hbm4b:s4+s3], $0x80, $0x38;
	[tilespmem:$0x3480] =	vst v63  }
0xb: {  	s6 =	sand.u32 $0x7, s6;
	s31 =	sshrl.u32 s10, $0x1;
	_ =	swait.ge [sflag:s5], $0x80  }
0xc: {  	s12 =	smul.u32 $0x3400, s6;
	s10 =	ssub.s32 s10, s31;
	[sflag:s5] =	ssyncset.done $0x0  }
0xd: {  	s6 =	simm.s32 $0x68;
	s10 =	smax.u32 s10, $0x1;
	[sflag:s5] =	ssyncadd.s32 $0xFFFFFF80  }
0xe: {  	[tilespmem:s7], [sflag:$0x1] =	stream.indirect.gather [hbm4b:s2+s6], $0x80, s3, s6, $0xb8;
	[tilespmem:$0x3480] =	vst v63  }
0xf: {  	s11 =	sadd.s32 s11, s12;
	p0 =	sne.s32 s10, $0x1;
	_ =	swait.ge [sflag:s8], $0x3400  }
.Ltmp0:
0x10: {  	s11 =	sshrl.u32 s11, $0x3;
	[sflag:s8] =	ssyncset.done $0x0;
	(pc) =	sbr.rel @!p0 .LBB2_2-.Ltmp0, $4  }
0x11: {  	s9 =	sadd.s32 s9, s11;
	[sflag:s8] =	ssyncadd.s32 $0xFFFFCC00  }
0x12: {  	[hbm4b:s9+s3] =	stream.linear.scatter [tilespmem:s7], [sflag:$0x2], $0x3400, $0x38;
	[tilespmem:$0x3480] =	vst v63  }
0x13: {  	_ =	swait.ge [sflag:s5], $0x3400  }
0x14: {  	s10 =	sadd.s32 $0xFFFFFFFF, s10;
	[sflag:s5] =	ssyncset.done $0x0  }
.LBB2_1:
0x15: {  	p0 =	sne.s32 s10, $0x1;
	s10 =	sadd.s32 $0xFFFFFFFF, s10;
	[sflag:s5] =	ssyncadd.s32 $0xFFFFCC00  }
0x16: {  	[tilespmem:s3], [sflag:$0x2] =	stream.linear.gather [hbm4b:s4+s3], $0x80, $0x38;
	[tilespmem:$0x3480] =	vst v63  }
0x17: {  	_ =	swait.ge [sflag:s5], $0x80  }
0x18: {  	[sflag:s5] =	ssyncset.done $0x0  }
0x19: {  	[sflag:s5] =	ssyncadd.s32 $0xFFFFFF80  }
0x1a: {  	[tilespmem:s7], [sflag:$0x1] =	stream.indirect.gather [hbm4b:s2+s6], $0x80, s3, s6, $0xb8;
	[tilespmem:$0x3480] =	vst v63  }
0x1b: {  	_ =	swait.ge [sflag:s8], $0x3400  }
.Ltmp1:
0x1c: {  	[sflag:s8] =	ssyncset.done $0x0;
	(pc) =	sbr.rel @p0 .LBB2_1-.Ltmp1, $4  }
0x1d: {  	[sflag:s8] =	ssyncadd.s32 $0xFFFFCC00  }
0x1e: {  	[hbm4b:s9+s3] =	stream.linear.scatter [tilespmem:s7], [sflag:$0x2], $0x3400, $0x38;
	[tilespmem:$0x3480] =	vst v63  }
0x1f: {  	_ =	swait.ge [sflag:s5], $0x3400  }
0x20: {  	[sflag:s5] =	ssyncset.done $0x0  }
.LBB2_2:
0x21: {  	[sflag:s5] =	ssyncadd.s32 $0xFFFFCC00  }
0x22: {  	_ =	sfence.sel $0x180000  }
0x23: {  	[bflag:$0x0] =	sbarrier.arrive $0xFFFF  }
0x24: {  	p0 =	sne.s32 s1, $0x0;
	_ =	strace $0x9000004A  }
0x25: {  	s0 =	sadd.s32 @!p0 $0x100000, s0;
	[bflag:$0x2] =	sbarrier.arrive $0xFFFF  }
0x26: {  	[sflag:s0] =	ssyncadd.tile.s32 @!p0 $0x1;
	_ =	shalt  }
.Lfunc_end2:
_tile_overlayer_lowered:
.L_overlay_start_2:
0x27: {  	(tag) =	ssettag $0x2  }
0x28: {  	s0 =	rddreg [dreg:$0x0];
	s2 =	stileid.u32  }
0x29: {  	s1 =	rddreg [dreg:$0x1];
	p0 =	sne.s32 s2, $0x0  }
0x2a: {  	s3 =	rddreg [dreg:$0x2];
	[bflag:$0x3] =	sbarrier.arrive $0xFFFF;
	s2 =	simm.s32 @!p0 $0x1C02  }
0x2b: {  	[timem:s3], [sflag:s2] =	dma.local @!p0 [hbm:s0], s1  }
0x2c: {  	s0 =	simm.s32 @!p0 $0x2  }
0x2d: {  	_ =	swait.ge @!p0 [sflag:s0], s1  }
0x2e: {  	s1 =	ssub.s32 @!p0 $0x0, s1;
	[sflag:s0] =	ssyncset.done @!p0 $0x0  }
0x2f: {  	[sflag:s0] =	ssyncadd.s32 @!p0 s1  }
0x30: {  	[bflag:$0x3] =	sbarrier.arrive $0xFFFF  }
0x31: {  	_ =	shalt  }

</sc_bundles>
